<compile_context>
chip_gen: v7x
topology: tpu7x:2x2x1
jax: 0.10.2.dev20260603
libtpu: 0.0.44.dev20260713+nightly
codegen_flags: <defaults>
</compile_context>

<pallas_src>
import functools

import jax
import jax.numpy as jnp
from jax import lax
from jax.experimental import pallas as pl
from jax.experimental.pallas import tpu as pltpu
from jax.experimental.pallas import tpu_sc as plsc

B, T, C = 32, 1024, 768
CHUNK = 64
NCH = T // CHUNK
L = 16


def _loc_ed_body(img_hbm, idx_hbm, out_hbm, idx_v, inv_v, ichunk, buf0, buf1,
                 gsem0, gsem1, ssem0, ssem1):
    cid = lax.axis_index("c")
    sid = lax.axis_index("s")
    b = sid * 2 + cid

    pltpu.sync_copy(idx_hbm, idx_v)
    lanes = lax.broadcasted_iota(jnp.int32, (L,), 0)
    for k in range(T // L):
        v = idx_v[pl.ds(k * L, L)]
        plsc.store_scatter(inv_v, [v], lanes + k * L)

    bufs = (buf0, buf1)
    gsems = (gsem0, gsem1)
    ssems = (ssem0, ssem1)
    scat = [None, None]
    for j in range(NCH):
        k = j % 2
        if scat[k] is not None:
            scat[k].wait()
        for k2 in range(CHUNK // L):
            ichunk[pl.ds(k2 * L, L)] = inv_v[pl.ds(j * CHUNK + k2 * L, L)]
        pltpu.async_copy(img_hbm.at[b].at[ichunk], bufs[k],
                         gsems[k]).wait()
        scat[k] = pltpu.async_copy(
            bufs[k], out_hbm.at[b].at[pl.ds(j * CHUNK, CHUNK)], ssems[k])
    scat[0].wait()
    scat[1].wait()


@functools.cache
def _build_sc_kernel():
    return pl.kernel(
        _loc_ed_body,
        out_type=jax.ShapeDtypeStruct((B, T, C), jnp.float32),
        mesh=plsc.VectorSubcoreMesh(core_axis_name="c", subcore_axis_name="s"),
        compiler_params=pltpu.CompilerParams(needs_layout_passes=False),
        scratch_types=[
            pltpu.VMEM((T,), jnp.int32),
            pltpu.VMEM((T,), jnp.int32),
            pltpu.VMEM((CHUNK,), jnp.int32),
            pltpu.VMEM((CHUNK, C), jnp.float32),
            pltpu.VMEM((CHUNK, C), jnp.float32),
            pltpu.SemaphoreType.DMA,
            pltpu.SemaphoreType.DMA,
            pltpu.SemaphoreType.DMA,
            pltpu.SemaphoreType.DMA,
        ],
    )


def kernel(img, index_flat_inv):
    idx32 = index_flat_inv.astype(jnp.int32)
    return _build_sc_kernel()(img, idx32)

# --- scband reference (transcript-rebuilt; emitter-appended) ---
"""Pipeline reference for scband-loc-ed-31078383354501 (READ-ONLY COPY).

The authoritative reference and input builder live on the scoring server;
editing this copy changes nothing except your own understanding.
"""

import jax, jax.numpy as jnp
import numpy as np


def _scan_inverse_index(size: int) -> np.ndarray:
    # Reproduce LocED 'scan' (boustrophedon) ordering and its inverse permutation.
    indexes = np.arange(size * size).reshape(size, size)
    for i in np.arange(1, size, step=2):
        indexes[i, :] = indexes[i, :][::-1]
    locs_flat = indexes.reshape(-1)
    locs_flat_inv = np.argsort(locs_flat)
    return locs_flat_inv.astype(np.int64)


def setup_inputs(seed: int = 0) -> dict:
    key = jax.random.key(seed)
    size = 32
    batch, tokens, channels = 32, size * size, 768
    img = jax.random.normal(key, (batch, tokens, channels), dtype=jnp.float32)
    index_flat_inv = jnp.asarray(_scan_inverse_index(size))  # int64 [1024]
    return {"img": img, "index_flat_inv": index_flat_inv}


def reference(img, index_flat_inv):
    # torch: zeros.scatter_(1, index_flat_inv.expand(img.shape), img)
    # i.e. out[b, index_flat_inv[t], c] = img[b, t, c]
    out = jnp.zeros_like(img)
    out = out.at[:, index_flat_inv, :].set(img)
    return out

if __name__ == "__main__":
    import jax
    _d = setup_inputs()
    print(jax.jit(kernel)(*tuple(_d.values())))

</pallas_src>

<mosaic_0001>
#map = affine_map<(d0, d1) -> (0, 0, 0)>
#map1 = affine_map<(d0, d1) -> (0)>
module attributes {stable_mosaic.version = 14 : i64} {
  func.func @_loc_ed_body(%arg0: i32, %arg1: i32, %arg2: memref<32x1024x768xf32, #tpu.memory_space<hbm>>, %arg3: memref<1024xi32, #tpu.memory_space<hbm>>, %arg4: memref<32x1024x768xf32, #tpu.memory_space<hbm>>, %arg5: memref<1024xi32, #tpu.memory_space<vmem>>, %arg6: memref<1024xi32, #tpu.memory_space<vmem>>, %arg7: memref<64xi32, #tpu.memory_space<vmem>>, %arg8: memref<64x768xf32, #tpu.memory_space<vmem>>, %arg9: memref<64x768xf32, #tpu.memory_space<vmem>>, %arg10: memref<!tpu.dma_semaphore, #tpu.memory_space<semaphore_mem>>, %arg11: memref<!tpu.dma_semaphore, #tpu.memory_space<semaphore_mem>>, %arg12: memref<!tpu.dma_semaphore, #tpu.memory_space<semaphore_mem>>, %arg13: memref<!tpu.dma_semaphore, #tpu.memory_space<semaphore_mem>>) attributes {dimension_semantics = [#tpu.dimension_semantics<core_parallel>, #tpu.dimension_semantics<subcore_parallel>], iteration_bounds = array<i64: 2, 16>, scalar_prefetch = 0 : i64, scratch_operands = 9 : i64, tpu.core_type = #tpu.core_type<sc_vector_subcore>, window_params = [{transform_indices = #map}, {transform_indices = #map1}, {transform_indices = #map}]} {
    %mul3A = arith.constant 2 : i32
    %mul3A_0 = arith.muli %arg1, %mul3A : i32
    %add3A = arith.addi %mul3A_0, %arg0 : i32
    "tpu.region"() ({
      %run_scoped3A = tpu.sem_alloc : memref<!tpu.dma_semaphore, #tpu.memory_space<semaphore_mem>>
      tpu.enqueue_dma source(%arg3 : memref<1024xi32, #tpu.memory_space<hbm>>) target(%arg5 : memref<1024xi32, #tpu.memory_space<vmem>>) target_semaphore(%run_scoped3A : memref<!tpu.dma_semaphore, #tpu.memory_space<semaphore_mem>>)
      tpu.wait_dma2 semaphore(%run_scoped3A : memref<!tpu.dma_semaphore, #tpu.memory_space<semaphore_mem>>) src(%arg3 : memref<1024xi32, #tpu.memory_space<hbm>>) dst(%arg5 : memref<1024xi32, #tpu.memory_space<vmem>>)
      tpu.yield
    }) : () -> ()
    %iota3A = tpu.iota {dimensions = array<i32: 0>} : vector<16xi32>
    %get3A = arith.constant 0 : index
    %get3A_1 = tpu.vector_load %arg5[%get3A] {strides = array<i32>} : memref<1024xi32, #tpu.memory_space<vmem>>, vector<16xi32>,
    %add3A_2 = arith.constant 0 : i32
    %add3A_3 = vector.broadcast %add3A_2 : i32 to vector<16xi32>
    %add3A_4 = arith.addi %iota3A, %add3A_3 : vector<16xi32>
    tpu.vector_store_idx %arg6[%get3A_1], %add3A_4 : memref<1024xi32, #tpu.memory_space<vmem>>[vector<16xi32>], vector<16xi32>,
    %get3A_5 = arith.constant 16 : index
    %get3A_6 = tpu.vector_load %arg5[%get3A_5] {strides = array<i32>} : memref<1024xi32, #tpu.memory_space<vmem>>, vector<16xi32>,
    %add3A_7 = arith.constant 16 : i32
    %add3A_8 = vector.broadcast %add3A_7 : i32 to vector<16xi32>
    %add3A_9 = arith.addi %iota3A, %add3A_8 : vector<16xi32>
    tpu.vector_store_idx %arg6[%get3A_6], %add3A_9 : memref<1024xi32, #tpu.memory_space<vmem>>[vector<16xi32>], vector<16xi32>,
    %get3A_10 = arith.constant 32 : index
    %get3A_11 = tpu.vector_load %arg5[%get3A_10] {strides = array<i32>} : memref<1024xi32, #tpu.memory_space<vmem>>, vector<16xi32>,
    %add3A_12 = arith.constant 32 : i32
    %add3A_13 = vector.broadcast %add3A_12 : i32 to vector<16xi32>
    %add3A_14 = arith.addi %iota3A, %add3A_13 : vector<16xi32>
    tpu.vector_store_idx %arg6[%get3A_11], %add3A_14 : memref<1024xi32, #tpu.memory_space<vmem>>[vector<16xi32>], vector<16xi32>,
    %get3A_15 = arith.constant 48 : index
    %get3A_16 = tpu.vector_load %arg5[%get3A_15] {strides = array<i32>} : memref<1024xi32, #tpu.memory_space<vmem>>, vector<16xi32>,
    %add3A_17 = arith.constant 48 : i32
    %add3A_18 = vector.broadcast %add3A_17 : i32 to vector<16xi32>
    %add3A_19 = arith.addi %iota3A, %add3A_18 : vector<16xi32>
    tpu.vector_store_idx %arg6[%get3A_16], %add3A_19 : memref<1024xi32, #tpu.memory_space<vmem>>[vector<16xi32>], vector<16xi32>,
    %get3A_20 = arith.constant 64 : index
    %get3A_21 = tpu.vector_load %arg5[%get3A_20] {strides = array<i32>} : memref<1024xi32, #tpu.memory_space<vmem>>, vector<16xi32>,
    %add3A_22 = arith.constant 64 : i32
    %add3A_23 = vector.broadcast %add3A_22 : i32 to vector<16xi32>
    %add3A_24 = arith.addi %iota3A, %add3A_23 : vector<16xi32>
    tpu.vector_store_idx %arg6[%get3A_21], %add3A_24 : memref<1024xi32, #tpu.memory_space<vmem>>[vector<16xi32>], vector<16xi32>,
    %get3A_25 = arith.constant 80 : index
    %get3A_26 = tpu.vector_load %arg5[%get3A_25] {strides = array<i32>} : memref<1024xi32, #tpu.memory_space<vmem>>, vector<16xi32>,
    %add3A_27 = arith.constant 80 : i32
    %add3A_28 = vector.broadcast %add3A_27 : i32 to vector<16xi32>
    %add3A_29 = arith.addi %iota3A, %add3A_28 : vector<16xi32>
    tpu.vector_store_idx %arg6[%get3A_26], %add3A_29 : memref<1024xi32, #tpu.memory_space<vmem>>[vector<16xi32>], vector<16xi32>,
    %get3A_30 = arith.constant 96 : index
    %get3A_31 = tpu.vector_load %arg5[%get3A_30] {strides = array<i32>} : memref<1024xi32, #tpu.memory_space<vmem>>, vector<16xi32>,
    %add3A_32 = arith.constant 96 : i32
    %add3A_33 = vector.broadcast %add3A_32 : i32 to vector<16xi32>
    %add3A_34 = arith.addi %iota3A, %add3A_33 : vector<16xi32>
    tpu.vector_store_idx %arg6[%get3A_31], %add3A_34 : memref<1024xi32, #tpu.memory_space<vmem>>[vector<16xi32>], vector<16xi32>,
    %get3A_35 = arith.constant 112 : index
    %get3A_36 = tpu.vector_load %arg5[%get3A_35] {strides = array<i32>} : memref<1024xi32, #tpu.memory_space<vmem>>, vector<16xi32>,
    %add3A_37 = arith.constant 112 : i32
    %add3A_38 = vector.broadcast %add3A_37 : i32 to vector<16xi32>
    %add3A_39 = arith.addi %iota3A, %add3A_38 : vector<16xi32>
    tpu.vector_store_idx %arg6[%get3A_36], %add3A_39 : memref<1024xi32, #tpu.memory_space<vmem>>[vector<16xi32>], vector<16xi32>,
    %get3A_40 = arith.constant 128 : index
    %get3A_41 = tpu.vector_load %arg5[%get3A_40] {strides = array<i32>} : memref<1024xi32, #tpu.memory_space<vmem>>, vector<16xi32>,
    %add3A_42 = arith.constant 128 : i32
    %add3A_43 = vector.broadcast %add3A_42 : i32 to vector<16xi32>
    %add3A_44 = arith.addi %iota3A, %add3A_43 : vector<16xi32>
    tpu.vector_store_idx %arg6[%get3A_41], %add3A_44 : memref<1024xi32, #tpu.memory_space<vmem>>[vector<16xi32>], vector<16xi32>,
    %get3A_45 = arith.constant 144 : index
    %get3A_46 = tpu.vector_load %arg5[%get3A_45] {strides = array<i32>} : memref<1024xi32, #tpu.memory_space<vmem>>, vector<16xi32>,
    %add3A_47 = arith.constant 144 : i32
    %add3A_48 = vector.broadcast %add3A_47 : i32 to vector<16xi32>
    %add3A_49 = arith.addi %iota3A, %add3A_48 : vector<16xi32>
    tpu.vector_store_idx %arg6[%get3A_46], %add3A_49 : memref<1024xi32, #tpu.memory_space<vmem>>[vector<16xi32>], vector<16xi32>,
    %get3A_50 = arith.constant 160 : index
    %get3A_51 = tpu.vector_load %arg5[%get3A_50] {strides = array<i32>} : memref<1024xi32, #tpu.memory_space<vmem>>, vector<16xi32>,
    %add3A_52 = arith.constant 160 : i32
    %add3A_53 = vector.broadcast %add3A_52 : i32 to vector<16xi32>
    %add3A_54 = arith.addi %iota3A, %add3A_53 : vector<16xi32>
    tpu.vector_store_idx %arg6[%get3A_51], %add3A_54 : memref<1024xi32, #tpu.memory_space<vmem>>[vector<16xi32>], vector<16xi32>,
    %get3A_55 = arith.constant 176 : index
    %get3A_56 = tpu.vector_load %arg5[%get3A_55] {strides = array<i32>} : memref<1024xi32, #tpu.memory_space<vmem>>, vector<16xi32>,
    %add3A_57 = arith.constant 176 : i32
    %add3A_58 = vector.broadcast %add3A_57 : i32 to vector<16xi32>
    %add3A_59 = arith.addi %iota3A, %add3A_58 : vector<16xi32>
    tpu.vector_store_idx %arg6[%get3A_56], %add3A_59 : memref<1024xi32, #tpu.memory_space<vmem>>[vector<16xi32>], vector<16xi32>,
    %get3A_60 = arith.constant 192 : index
    %get3A_61 = tpu.vector_load %arg5[%get3A_60] {strides = array<i32>} : memref<1024xi32, #tpu.memory_space<vmem>>, vector<16xi32>,
    %add3A_62 = arith.constant 192 : i32
    %add3A_63 = vector.broadcast %add3A_62 : i32 to vector<16xi32>
    %add3A_64 = arith.addi %iota3A, %add3A_63 : vector<16xi32>
    tpu.vector_store_idx %arg6[%get3A_61], %add3A_64 : memref<1024xi32, #tpu.memory_space<vmem>>[vector<16xi32>], vector<16xi32>,
    %get3A_65 = arith.constant 208 : index
    %get3A_66 = tpu.vector_load %arg5[%get3A_65] {strides = array<i32>} : memref<1024xi32, #tpu.memory_space<vmem>>, vector<16xi32>,
    %add3A_67 = arith.constant 208 : i32
    %add3A_68 = vector.broadcast %add3A_67 : i32 to vector<16xi32>
    %add3A_69 = arith.addi %iota3A, %add3A_68 : vector<16xi32>
    tpu.vector_store_idx %arg6[%get3A_66], %add3A_69 : memref<1024xi32, #tpu.memory_space<vmem>>[vector<16xi32>], vector<16xi32>,
    %get3A_70 = arith.constant 224 : index
    %get3A_71 = tpu.vector_load %arg5[%get3A_70] {strides = array<i32>} : memref<1024xi32, #tpu.memory_space<vmem>>, vector<16xi32>,
    %add3A_72 = arith.constant 224 : i32
    %add3A_73 = vector.broadcast %add3A_72 : i32 to vector<16xi32>
    %add3A_74 = arith.addi %iota3A, %add3A_73 : vector<16xi32>
    tpu.vector_store_idx %arg6[%get3A_71], %add3A_74 : memref<1024xi32, #tpu.memory_space<vmem>>[vector<16xi32>], vector<16xi32>,
    %get3A_75 = arith.constant 240 : index
    %get3A_76 = tpu.vector_load %arg5[%get3A_75] {strides = array<i32>} : memref<1024xi32, #tpu.memory_space<vmem>>, vector<16xi32>,
    %add3A_77 = arith.constant 240 : i32
    %add3A_78 = vector.broadcast %add3A_77 : i32 to vector<16xi32>
    %add3A_79 = arith.addi %iota3A, %add3A_78 : vector<16xi32>
    tpu.vector_store_idx %arg6[%get3A_76], %add3A_79 : memref<1024xi32, #tpu.memory_space<vmem>>[vector<16xi32>], vector<16xi32>,
    %get3A_80 = arith.constant 256 : index
    %get3A_81 = tpu.vector_load %arg5[%get3A_80] {strides = array<i32>} : memref<1024xi32, #tpu.memory_space<vmem>>, vector<16xi32>,
    %add3A_82 = arith.constant 256 : i32
    %add3A_83 = vector.broadcast %add3A_82 : i32 to vector<16xi32>
    %add3A_84 = arith.addi %iota3A, %add3A_83 : vector<16xi32>
    tpu.vector_store_idx %arg6[%get3A_81], %add3A_84 : memref<1024xi32, #tpu.memory_space<vmem>>[vector<16xi32>], vector<16xi32>,
    %get3A_85 = arith.constant 272 : index
    %get3A_86 = tpu.vector_load %arg5[%get3A_85] {strides = array<i32>} : memref<1024xi32, #tpu.memory_space<vmem>>, vector<16xi32>,
    %add3A_87 = arith.constant 272 : i32
    %add3A_88 = vector.broadcast %add3A_87 : i32 to vector<16xi32>
    %add3A_89 = arith.addi %iota3A, %add3A_88 : vector<16xi32>
    tpu.vector_store_idx %arg6[%get3A_86], %add3A_89 : memref<1024xi32, #tpu.memory_space<vmem>>[vector<16xi32>], vector<16xi32>,
    %get3A_90 = arith.constant 288 : index
    %get3A_91 = tpu.vector_load %arg5[%get3A_90] {strides = array<i32>} : memref<1024xi32, #tpu.memory_space<vmem>>, vector<16xi32>,
    %add3A_92 = arith.constant 288 : i32
    %add3A_93 = vector.broadcast %add3A_92 : i32 to vector<16xi32>
    %add3A_94 = arith.addi %iota3A, %add3A_93 : vector<16xi32>
    tpu.vector_store_idx %arg6[%get3A_91], %add3A_94 : memref<1024xi32, #tpu.memory_space<vmem>>[vector<16xi32>], vector<16xi32>,
    %get3A_95 = arith.constant 304 : index
    %get3A_96 = tpu.vector_load %arg5[%get3A_95] {strides = array<i32>} : memref<1024xi32, #tpu.memory_space<vmem>>, vector<16xi32>,
    %add3A_97 = arith.constant 304 : i32
    %add3A_98 = vector.broadcast %add3A_97 : i32 to vector<16xi32>
    %add3A_99 = arith.addi %iota3A, %add3A_98 : vector<16xi32>
    tpu.vector_store_idx %arg6[%get3A_96], %add3A_99 : memref<1024xi32, #tpu.memory_space<vmem>>[vector<16xi32>], vector<16xi32>,
    %get3A_100 = arith.constant 320 : index
    %get3A_101 = tpu.vector_load %arg5[%get3A_100] {strides = array<i32>} : memref<1024xi32, #tpu.memory_space<vmem>>, vector<16xi32>,
    %add3A_102 = arith.constant 320 : i32
    %add3A_103 = vector.broadcast %add3A_102 : i32 to vector<16xi32>
    %add3A_104 = arith.addi %iota3A, %add3A_103 : vector<16xi32>
    tpu.vector_store_idx %arg6[%get3A_101], %add3A_104 : memref<1024xi32, #tpu.memory_space<vmem>>[vector<16xi32>], vector<16xi32>,
    %get3A_105 = arith.constant 336 : index
    %get3A_106 = tpu.vector_load %arg5[%get3A_105] {strides = array<i32>} : memref<1024xi32, #tpu.memory_space<vmem>>, vector<16xi32>,
    %add3A_107 = arith.constant 336 : i32
    %add3A_108 = vector.broadcast %add3A_107 : i32 to vector<16xi32>
    %add3A_109 = arith.addi %iota3A, %add3A_108 : vector<16xi32>
    tpu.vector_store_idx %arg6[%get3A_106], %add3A_109 : memref<1024xi32, #tpu.memory_space<vmem>>[vector<16xi32>], vector<16xi32>,
    %get3A_110 = arith.constant 352 : index
    %get3A_111 = tpu.vector_load %arg5[%get3A_110] {strides = array<i32>} : memref<1024xi32, #tpu.memory_space<vmem>>, vector<16xi32>,
    %add3A_112 = arith.constant 352 : i32
    %add3A_113 = vector.broadcast %add3A_112 : i32 to vector<16xi32>
    %add3A_114 = arith.addi %iota3A, %add3A_113 : vector<16xi32>
    tpu.vector_store_idx %arg6[%get3A_111], %add3A_114 : memref<1024xi32, #tpu.memory_space<vmem>>[vector<16xi32>], vector<16xi32>,
    %get3A_115 = arith.constant 368 : index
    %get3A_116 = tpu.vector_load %arg5[%get3A_115] {strides = array<i32>} : memref<1024xi32, #tpu.memory_space<vmem>>, vector<16xi32>,
    %add3A_117 = arith.constant 368 : i32
    %add3A_118 = vector.broadcast %add3A_117 : i32 to vector<16xi32>
    %add3A_119 = arith.addi %iota3A, %add3A_118 : vector<16xi32>
    tpu.vector_store_idx %arg6[%get3A_116], %add3A_119 : memref<1024xi32, #tpu.memory_space<vmem>>[vector<16xi32>], vector<16xi32>,
    %get3A_120 = arith.constant 384 : index
    %get3A_121 = tpu.vector_load %arg5[%get3A_120] {strides = array<i32>} : memref<1024xi32, #tpu.memory_space<vmem>>, vector<16xi32>,
    %add3A_122 = arith.constant 384 : i32
    %add3A_123 = vector.broadcast %add3A_122 : i32 to vector<16xi32>
    %add3A_124 = arith.addi %iota3A, %add3A_123 : vector<16xi32>
    tpu.vector_store_idx %arg6[%get3A_121], %add3A_124 : memref<1024xi32, #tpu.memory_space<vmem>>[vector<16xi32>], vector<16xi32>,
    %get3A_125 = arith.constant 400 : index
    %get3A_126 = tpu.vector_load %arg5[%get3A_125] {strides = array<i32>} : memref<1024xi32, #tpu.memory_space<vmem>>, vector<16xi32>,
    %add3A_127 = arith.constant 400 : i32
    %add3A_128 = vector.broadcast %add3A_127 : i32 to vector<16xi32>
    %add3A_129 = arith.addi %iota3A, %add3A_128 : vector<16xi32>
    tpu.vector_store_idx %arg6[%get3A_126], %add3A_129 : memref<1024xi32, #tpu.memory_space<vmem>>[vector<16xi32>], vector<16xi32>,
    %get3A_130 = arith.constant 416 : index
    %get3A_131 = tpu.vector_load %arg5[%get3A_130] {strides = array<i32>} : memref<1024xi32, #tpu.memory_space<vmem>>, vector<16xi32>,
    %add3A_132 = arith.constant 416 : i32
    %add3A_133 = vector.broadcast %add3A_132 : i32 to vector<16xi32>
    %add3A_134 = arith.addi %iota3A, %add3A_133 : vector<16xi32>
    tpu.vector_store_idx %arg6[%get3A_131], %add3A_134 : memref<1024xi32, #tpu.memory_space<vmem>>[vector<16xi32>], vector<16xi32>,
    %get3A_135 = arith.constant 432 : index
    %get3A_136 = tpu.vector_load %arg5[%get3A_135] {strides = array<i32>} : memref<1024xi32, #tpu.memory_space<vmem>>, vector<16xi32>,
    %add3A_137 = arith.constant 432 : i32
    %add3A_138 = vector.broadcast %add3A_137 : i32 to vector<16xi32>
    %add3A_139 = arith.addi %iota3A, %add3A_138 : vector<16xi32>
    tpu.vector_store_idx %arg6[%get3A_136], %add3A_139 : memref<1024xi32, #tpu.memory_space<vmem>>[vector<16xi32>], vector<16xi32>,
    %get3A_140 = arith.constant 448 : index
    %get3A_141 = tpu.vector_load %arg5[%get3A_140] {strides = array<i32>} : memref<1024xi32, #tpu.memory_space<vmem>>, vector<16xi32>,
    %add3A_142 = arith.constant 448 : i32
    %add3A_143 = vector.broadcast %add3A_142 : i32 to vector<16xi32>
    %add3A_144 = arith.addi %iota3A, %add3A_143 : vector<16xi32>
    tpu.vector_store_idx %arg6[%get3A_141], %add3A_144 : memref<1024xi32, #tpu.memory_space<vmem>>[vector<16xi32>], vector<16xi32>,
    %get3A_145 = arith.constant 464 : index
    %get3A_146 = tpu.vector_load %arg5[%get3A_145] {strides = array<i32>} : memref<1024xi32, #tpu.memory_space<vmem>>, vector<16xi32>,
    %add3A_147 = arith.constant 464 : i32
    %add3A_148 = vector.broadcast %add3A_147 : i32 to vector<16xi32>
    %add3A_149 = arith.addi %iota3A, %add3A_148 : vector<16xi32>
    tpu.vector_store_idx %arg6[%get3A_146], %add3A_149 : memref<1024xi32, #tpu.memory_space<vmem>>[vector<16xi32>], vector<16xi32>,
    %get3A_150 = arith.constant 480 : index
    %get3A_151 = tpu.vector_load %arg5[%get3A_150] {strides = array<i32>} : memref<1024xi32, #tpu.memory_space<vmem>>, vector<16xi32>,
    %add3A_152 = arith.constant 480 : i32
    %add3A_153 = vector.broadcast %add3A_152 : i32 to vector<16xi32>
    %add3A_154 = arith.addi %iota3A, %add3A_153 : vector<16xi32>
    tpu.vector_store_idx %arg6[%get3A_151], %add3A_154 : memref<1024xi32, #tpu.memory_space<vmem>>[vector<16xi32>], vector<16xi32>,
    %get3A_155 = arith.constant 496 : index
    %get3A_156 = tpu.vector_load %arg5[%get3A_155] {strides = array<i32>} : memref<1024xi32, #tpu.memory_space<vmem>>, vector<16xi32>,
    %add3A_157 = arith.constant 496 : i32
    %add3A_158 = vector.broadcast %add3A_157 : i32 to vector<16xi32>
    %add3A_159 = arith.addi %iota3A, %add3A_158 : vector<16xi32>
    tpu.vector_store_idx %arg6[%get3A_156], %add3A_159 : memref<1024xi32, #tpu.memory_space<vmem>>[vector<16xi32>], vector<16xi32>,
    %get3A_160 = arith.constant 512 : index
    %get3A_161 = tpu.vector_load %arg5[%get3A_160] {strides = array<i32>} : memref<1024xi32, #tpu.memory_space<vmem>>, vector<16xi32>,
    %add3A_162 = arith.constant 512 : i32
    %add3A_163 = vector.broadcast %add3A_162 : i32 to vector<16xi32>
    %add3A_164 = arith.addi %iota3A, %add3A_163 : vector<16xi32>
    tpu.vector_store_idx %arg6[%get3A_161], %add3A_164 : memref<1024xi32, #tpu.memory_space<vmem>>[vector<16xi32>], vector<16xi32>,
    %get3A_165 = arith.constant 528 : index
    %get3A_166 = tpu.vector_load %arg5[%get3A_165] {strides = array<i32>} : memref<1024xi32, #tpu.memory_space<vmem>>, vector<16xi32>,
    %add3A_167 = arith.constant 528 : i32
    %add3A_168 = vector.broadcast %add3A_167 : i32 to vector<16xi32>
    %add3A_169 = arith.addi %iota3A, %add3A_168 : vector<16xi32>
    tpu.vector_store_idx %arg6[%get3A_166], %add3A_169 : memref<1024xi32, #tpu.memory_space<vmem>>[vector<16xi32>], vector<16xi32>,
    %get3A_170 = arith.constant 544 : index
    %get3A_171 = tpu.vector_load %arg5[%get3A_170] {strides = array<i32>} : memref<1024xi32, #tpu.memory_space<vmem>>, vector<16xi32>,
    %add3A_172 = arith.constant 544 : i32
    %add3A_173 = vector.broadcast %add3A_172 : i32 to vector<16xi32>
    %add3A_174 = arith.addi %iota3A, %add3A_173 : vector<16xi32>
    tpu.vector_store_idx %arg6[%get3A_171], %add3A_174 : memref<1024xi32, #tpu.memory_space<vmem>>[vector<16xi32>], vector<16xi32>,
    %get3A_175 = arith.constant 560 : index
    %get3A_176 = tpu.vector_load %arg5[%get3A_175] {strides = array<i32>} : memref<1024xi32, #tpu.memory_space<vmem>>, vector<16xi32>,
    %add3A_177 = arith.constant 560 : i32
    %add3A_178 = vector.broadcast %add3A_177 : i32 to vector<16xi32>
    %add3A_179 = arith.addi %iota3A, %add3A_178 : vector<16xi32>
    tpu.vector_store_idx %arg6[%get3A_176], %add3A_179 : memref<1024xi32, #tpu.memory_space<vmem>>[vector<16xi32>], vector<16xi32>,
    %get3A_180 = arith.constant 576 : index
    %get3A_181 = tpu.vector_load %arg5[%get3A_180] {strides = array<i32>} : memref<1024xi32, #tpu.memory_space<vmem>>, vector<16xi32>,
    %add3A_182 = arith.constant 576 : i32
    %add3A_183 = vector.broadcast %add3A_182 : i32 to vector<16xi32>
    %add3A_184 = arith.addi %iota3A, %add3A_183 : vector<16xi32>
    tpu.vector_store_idx %arg6[%get3A_181], %add3A_184 : memref<1024xi32, #tpu.memory_space<vmem>>[vector<16xi32>], vector<16xi32>,
    %get3A_185 = arith.constant 592 : index
    %get3A_186 = tpu.vector_load %arg5[%get3A_185] {strides = array<i32>} : memref<1024xi32, #tpu.memory_space<vmem>>, vector<16xi32>,
    %add3A_187 = arith.constant 592 : i32
    %add3A_188 = vector.broadcast %add3A_187 : i32 to vector<16xi32>
    %add3A_189 = arith.addi %iota3A, %add3A_188 : vector<16xi32>
    tpu.vector_store_idx %arg6[%get3A_186], %add3A_189 : memref<1024xi32, #tpu.memory_space<vmem>>[vector<16xi32>], vector<16xi32>,
    %get3A_190 = arith.constant 608 : index
    %get3A_191 = tpu.vector_load %arg5[%get3A_190] {strides = array<i32>} : memref<1024xi32, #tpu.memory_space<vmem>>, vector<16xi32>,
    %add3A_192 = arith.constant 608 : i32
    %add3A_193 = vector.broadcast %add3A_192 : i32 to vector<16xi32>
    %add3A_194 = arith.addi %iota3A, %add3A_193 : vector<16xi32>
    tpu.vector_store_idx %arg6[%get3A_191], %add3A_194 : memref<1024xi32, #tpu.memory_space<vmem>>[vector<16xi32>], vector<16xi32>,
    %get3A_195 = arith.constant 624 : index
    %get3A_196 = tpu.vector_load %arg5[%get3A_195] {strides = array<i32>} : memref<1024xi32, #tpu.memory_space<vmem>>, vector<16xi32>,
    %add3A_197 = arith.constant 624 : i32
    %add3A_198 = vector.broadcast %add3A_197 : i32 to vector<16xi32>
    %add3A_199 = arith.addi %iota3A, %add3A_198 : vector<16xi32>
    tpu.vector_store_idx %arg6[%get3A_196], %add3A_199 : memref<1024xi32, #tpu.memory_space<vmem>>[vector<16xi32>], vector<16xi32>,
    %get3A_200 = arith.constant 640 : index
    %get3A_201 = tpu.vector_load %arg5[%get3A_200] {strides = array<i32>} : memref<1024xi32, #tpu.memory_space<vmem>>, vector<16xi32>,
    %add3A_202 = arith.constant 640 : i32
    %add3A_203 = vector.broadcast %add3A_202 : i32 to vector<16xi32>
    %add3A_204 = arith.addi %iota3A, %add3A_203 : vector<16xi32>
    tpu.vector_store_idx %arg6[%get3A_201], %add3A_204 : memref<1024xi32, #tpu.memory_space<vmem>>[vector<16xi32>], vector<16xi32>,
    %get3A_205 = arith.constant 656 : index
    %get3A_206 = tpu.vector_load %arg5[%get3A_205] {strides = array<i32>} : memref<1024xi32, #tpu.memory_space<vmem>>, vector<16xi32>,
    %add3A_207 = arith.constant 656 : i32
    %add3A_208 = vector.broadcast %add3A_207 : i32 to vector<16xi32>
    %add3A_209 = arith.addi %iota3A, %add3A_208 : vector<16xi32>
    tpu.vector_store_idx %arg6[%get3A_206], %add3A_209 : memref<1024xi32, #tpu.memory_space<vmem>>[vector<16xi32>], vector<16xi32>,
    %get3A_210 = arith.constant 672 : index
    %get3A_211 = tpu.vector_load %arg5[%get3A_210] {strides = array<i32>} : memref<1024xi32, #tpu.memory_space<vmem>>, vector<16xi32>,
    %add3A_212 = arith.constant 672 : i32
    %add3A_213 = vector.broadcast %add3A_212 : i32 to vector<16xi32>
    %add3A_214 = arith.addi %iota3A, %add3A_213 : vector<16xi32>
    tpu.vector_store_idx %arg6[%get3A_211], %add3A_214 : memref<1024xi32, #tpu.memory_space<vmem>>[vector<16xi32>], vector<16xi32>,
    %get3A_215 = arith.constant 688 : index
    %get3A_216 = tpu.vector_load %arg5[%get3A_215] {strides = array<i32>} : memref<1024xi32, #tpu.memory_space<vmem>>, vector<16xi32>,
    %add3A_217 = arith.constant 688 : i32
    %add3A_218 = vector.broadcast %add3A_217 : i32 to vector<16xi32>
    %add3A_219 = arith.addi %iota3A, %add3A_218 : vector<16xi32>
    tpu.vector_store_idx %arg6[%get3A_216], %add3A_219 : memref<1024xi32, #tpu.memory_space<vmem>>[vector<16xi32>], vector<16xi32>,
    %get3A_220 = arith.constant 704 : index
    %get3A_221 = tpu.vector_load %arg5[%get3A_220] {strides = array<i32>} : memref<1024xi32, #tpu.memory_space<vmem>>, vector<16xi32>,
    %add3A_222 = arith.constant 704 : i32
    %add3A_223 = vector.broadcast %add3A_222 : i32 to vector<16xi32>
    %add3A_224 = arith.addi %iota3A, %add3A_223 : vector<16xi32>
    tpu.vector_store_idx %arg6[%get3A_221], %add3A_224 : memref<1024xi32, #tpu.memory_space<vmem>>[vector<16xi32>], vector<16xi32>,
    %get3A_225 = arith.constant 720 : index
    %get3A_226 = tpu.vector_load %arg5[%get3A_225] {strides = array<i32>} : memref<1024xi32, #tpu.memory_space<vmem>>, vector<16xi32>,
    %add3A_227 = arith.constant 720 : i32
    %add3A_228 = vector.broadcast %add3A_227 : i32 to vector<16xi32>
    %add3A_229 = arith.addi %iota3A, %add3A_228 : vector<16xi32>
    tpu.vector_store_idx %arg6[%get3A_226], %add3A_229 : memref<1024xi32, #tpu.memory_space<vmem>>[vector<16xi32>], vector<16xi32>,
    %get3A_230 = arith.constant 736 : index
    %get3A_231 = tpu.vector_load %arg5[%get3A_230] {strides = array<i32>} : memref<1024xi32, #tpu.memory_space<vmem>>, vector<16xi32>,
    %add3A_232 = arith.constant 736 : i32
    %add3A_233 = vector.broadcast %add3A_232 : i32 to vector<16xi32>
    %add3A_234 = arith.addi %iota3A, %add3A_233 : vector<16xi32>
    tpu.vector_store_idx %arg6[%get3A_231], %add3A_234 : memref<1024xi32, #tpu.memory_space<vmem>>[vector<16xi32>], vector<16xi32>,
    %get3A_235 = arith.constant 752 : index
    %get3A_236 = tpu.vector_load %arg5[%get3A_235] {strides = array<i32>} : memref<1024xi32, #tpu.memory_space<vmem>>, vector<16xi32>,
    %add3A_237 = arith.constant 752 : i32
    %add3A_238 = vector.broadcast %add3A_237 : i32 to vector<16xi32>
    %add3A_239 = arith.addi %iota3A, %add3A_238 : vector<16xi32>
    tpu.vector_store_idx %arg6[%get3A_236], %add3A_239 : memref<1024xi32, #tpu.memory_space<vmem>>[vector<16xi32>], vector<16xi32>,
    %get3A_240 = arith.constant 768 : index
    %get3A_241 = tpu.vector_load %arg5[%get3A_240] {strides = array<i32>} : memref<1024xi32, #tpu.memory_space<vmem>>, vector<16xi32>,
    %add3A_242 = arith.constant 768 : i32
    %add3A_243 = vector.broadcast %add3A_242 : i32 to vector<16xi32>
    %add3A_244 = arith.addi %iota3A, %add3A_243 : vector<16xi32>
    tpu.vector_store_idx %arg6[%get3A_241], %add3A_244 : memref<1024xi32, #tpu.memory_space<vmem>>[vector<16xi32>], vector<16xi32>,
    %get3A_245 = arith.constant 784 : index
    %get3A_246 = tpu.vector_load %arg5[%get3A_245] {strides = array<i32>} : memref<1024xi32, #tpu.memory_space<vmem>>, vector<16xi32>,
    %add3A_247 = arith.constant 784 : i32
    %add3A_248 = vector.broadcast %add3A_247 : i32 to vector<16xi32>
    %add3A_249 = arith.addi %iota3A, %add3A_248 : vector<16xi32>
    tpu.vector_store_idx %arg6[%get3A_246], %add3A_249 : memref<1024xi32, #tpu.memory_space<vmem>>[vector<16xi32>], vector<16xi32>,
    %get3A_250 = arith.constant 800 : index
    %get3A_251 = tpu.vector_load %arg5[%get3A_250] {strides = array<i32>} : memref<1024xi32, #tpu.memory_space<vmem>>, vector<16xi32>,
    %add3A_252 = arith.constant 800 : i32
    %add3A_253 = vector.broadcast %add3A_252 : i32 to vector<16xi32>
    %add3A_254 = arith.addi %iota3A, %add3A_253 : vector<16xi32>
    tpu.vector_store_idx %arg6[%get3A_251], %add3A_254 : memref<1024xi32, #tpu.memory_space<vmem>>[vector<16xi32>], vector<16xi32>,
    %get3A_255 = arith.constant 816 : index
    %get3A_256 = tpu.vector_load %arg5[%get3A_255] {strides = array<i32>} : memref<1024xi32, #tpu.memory_space<vmem>>, vector<16xi32>,
    %add3A_257 = arith.constant 816 : i32
    %add3A_258 = vector.broadcast %add3A_257 : i32 to vector<16xi32>
    %add3A_259 = arith.addi %iota3A, %add3A_258 : vector<16xi32>
    tpu.vector_store_idx %arg6[%get3A_256], %add3A_259 : memref<1024xi32, #tpu.memory_space<vmem>>[vector<16xi32>], vector<16xi32>,
    %get3A_260 = arith.constant 832 : index
    %get3A_261 = tpu.vector_load %arg5[%get3A_260] {strides = array<i32>} : memref<1024xi32, #tpu.memory_space<vmem>>, vector<16xi32>,
    %add3A_262 = arith.constant 832 : i32
    %add3A_263 = vector.broadcast %add3A_262 : i32 to vector<16xi32>
    %add3A_264 = arith.addi %iota3A, %add3A_263 : vector<16xi32>
    tpu.vector_store_idx %arg6[%get3A_261], %add3A_264 : memref<1024xi32, #tpu.memory_space<vmem>>[vector<16xi32>], vector<16xi32>,
    %get3A_265 = arith.constant 848 : index
    %get3A_266 = tpu.vector_load %arg5[%get3A_265] {strides = array<i32>} : memref<1024xi32, #tpu.memory_space<vmem>>, vector<16xi32>,
    %add3A_267 = arith.constant 848 : i32
    %add3A_268 = vector.broadcast %add3A_267 : i32 to vector<16xi32>
    %add3A_269 = arith.addi %iota3A, %add3A_268 : vector<16xi32>
    tpu.vector_store_idx %arg6[%get3A_266], %add3A_269 : memref<1024xi32, #tpu.memory_space<vmem>>[vector<16xi32>], vector<16xi32>,
    %get3A_270 = arith.constant 864 : index
    %get3A_271 = tpu.vector_load %arg5[%get3A_270] {strides = array<i32>} : memref<1024xi32, #tpu.memory_space<vmem>>, vector<16xi32>,
    %add3A_272 = arith.constant 864 : i32
    %add3A_273 = vector.broadcast %add3A_272 : i32 to vector<16xi32>
    %add3A_274 = arith.addi %iota3A, %add3A_273 : vector<16xi32>
    tpu.vector_store_idx %arg6[%get3A_271], %add3A_274 : memref<1024xi32, #tpu.memory_space<vmem>>[vector<16xi32>], vector<16xi32>,
    %get3A_275 = arith.constant 880 : index
    %get3A_276 = tpu.vector_load %arg5[%get3A_275] {strides = array<i32>} : memref<1024xi32, #tpu.memory_space<vmem>>, vector<16xi32>,
    %add3A_277 = arith.constant 880 : i32
    %add3A_278 = vector.broadcast %add3A_277 : i32 to vector<16xi32>
    %add3A_279 = arith.addi %iota3A, %add3A_278 : vector<16xi32>
    tpu.vector_store_idx %arg6[%get3A_276], %add3A_279 : memref<1024xi32, #tpu.memory_space<vmem>>[vector<16xi32>], vector<16xi32>,
    %get3A_280 = arith.constant 896 : index
    %get3A_281 = tpu.vector_load %arg5[%get3A_280] {strides = array<i32>} : memref<1024xi32, #tpu.memory_space<vmem>>, vector<16xi32>,
    %add3A_282 = arith.constant 896 : i32
    %add3A_283 = vector.broadcast %add3A_282 : i32 to vector<16xi32>
    %add3A_284 = arith.addi %iota3A, %add3A_283 : vector<16xi32>
    tpu.vector_store_idx %arg6[%get3A_281], %add3A_284 : memref<1024xi32, #tpu.memory_space<vmem>>[vector<16xi32>], vector<16xi32>,
    %get3A_285 = arith.constant 912 : index
    %get3A_286 = tpu.vector_load %arg5[%get3A_285] {strides = array<i32>} : memref<1024xi32, #tpu.memory_space<vmem>>, vector<16xi32>,
    %add3A_287 = arith.constant 912 : i32
    %add3A_288 = vector.broadcast %add3A_287 : i32 to vector<16xi32>
    %add3A_289 = arith.addi %iota3A, %add3A_288 : vector<16xi32>
    tpu.vector_store_idx %arg6[%get3A_286], %add3A_289 : memref<1024xi32, #tpu.memory_space<vmem>>[vector<16xi32>], vector<16xi32>,
    %get3A_290 = arith.constant 928 : index
    %get3A_291 = tpu.vector_load %arg5[%get3A_290] {strides = array<i32>} : memref<1024xi32, #tpu.memory_space<vmem>>, vector<16xi32>,
    %add3A_292 = arith.constant 928 : i32
    %add3A_293 = vector.broadcast %add3A_292 : i32 to vector<16xi32>
    %add3A_294 = arith.addi %iota3A, %add3A_293 : vector<16xi32>
    tpu.vector_store_idx %arg6[%get3A_291], %add3A_294 : memref<1024xi32, #tpu.memory_space<vmem>>[vector<16xi32>], vector<16xi32>,
    %get3A_295 = arith.constant 944 : index
    %get3A_296 = tpu.vector_load %arg5[%get3A_295] {strides = array<i32>} : memref<1024xi32, #tpu.memory_space<vmem>>, vector<16xi32>,
    %add3A_297 = arith.constant 944 : i32
    %add3A_298 = vector.broadcast %add3A_297 : i32 to vector<16xi32>
    %add3A_299 = arith.addi %iota3A, %add3A_298 : vector<16xi32>
    tpu.vector_store_idx %arg6[%get3A_296], %add3A_299 : memref<1024xi32, #tpu.memory_space<vmem>>[vector<16xi32>], vector<16xi32>,
    %get3A_300 = arith.constant 960 : index
    %get3A_301 = tpu.vector_load %arg5[%get3A_300] {strides = array<i32>} : memref<1024xi32, #tpu.memory_space<vmem>>, vector<16xi32>,
    %add3A_302 = arith.constant 960 : i32
    %add3A_303 = vector.broadcast %add3A_302 : i32 to vector<16xi32>
    %add3A_304 = arith.addi %iota3A, %add3A_303 : vector<16xi32>
    tpu.vector_store_idx %arg6[%get3A_301], %add3A_304 : memref<1024xi32, #tpu.memory_space<vmem>>[vector<16xi32>], vector<16xi32>,
    %get3A_305 = arith.constant 976 : index
    %get3A_306 = tpu.vector_load %arg5[%get3A_305] {strides = array<i32>} : memref<1024xi32, #tpu.memory_space<vmem>>, vector<16xi32>,
    %add3A_307 = arith.constant 976 : i32
    %add3A_308 = vector.broadcast %add3A_307 : i32 to vector<16xi32>
    %add3A_309 = arith.addi %iota3A, %add3A_308 : vector<16xi32>
    tpu.vector_store_idx %arg6[%get3A_306], %add3A_309 : memref<1024xi32, #tpu.memory_space<vmem>>[vector<16xi32>], vector<16xi32>,
    %get3A_310 = arith.constant 992 : index
    %get3A_311 = tpu.vector_load %arg5[%get3A_310] {strides = array<i32>} : memref<1024xi32, #tpu.memory_space<vmem>>, vector<16xi32>,
    %add3A_312 = arith.constant 992 : i32
    %add3A_313 = vector.broadcast %add3A_312 : i32 to vector<16xi32>
    %add3A_314 = arith.addi %iota3A, %add3A_313 : vector<16xi32>
    tpu.vector_store_idx %arg6[%get3A_311], %add3A_314 : memref<1024xi32, #tpu.memory_space<vmem>>[vector<16xi32>], vector<16xi32>,
    %get3A_315 = arith.constant 1008 : index
    %get3A_316 = tpu.vector_load %arg5[%get3A_315] {strides = array<i32>} : memref<1024xi32, #tpu.memory_space<vmem>>, vector<16xi32>,
    %add3A_317 = arith.constant 1008 : i32
    %add3A_318 = vector.broadcast %add3A_317 : i32 to vector<16xi32>
    %add3A_319 = arith.addi %iota3A, %add3A_318 : vector<16xi32>
    tpu.vector_store_idx %arg6[%get3A_316], %add3A_319 : memref<1024xi32, #tpu.memory_space<vmem>>[vector<16xi32>], vector<16xi32>,
    %get3A_320 = arith.constant 0 : index
    %get3A_321 = tpu.vector_load %arg6[%get3A_320] {strides = array<i32>} : memref<1024xi32, #tpu.memory_space<vmem>>, vector<16xi32>,
    %swap3A = arith.constant 0 : index
    %swap3A_322 = tpu.vector_load %arg7[%swap3A] {strides = array<i32>} : memref<64xi32, #tpu.memory_space<vmem>>, vector<16xi32>,
    tpu.vector_store %arg7[%swap3A], %get3A_321 {strides = array<i32>} : memref<64xi32, #tpu.memory_space<vmem>>, vector<16xi32>,
    %get3A_323 = arith.constant 16 : index
    %get3A_324 = tpu.vector_load %arg6[%get3A_323] {strides = array<i32>} : memref<1024xi32, #tpu.memory_space<vmem>>, vector<16xi32>,
    %swap3A_325 = arith.constant 16 : index
    %swap3A_326 = tpu.vector_load %arg7[%swap3A_325] {strides = array<i32>} : memref<64xi32, #tpu.memory_space<vmem>>, vector<16xi32>,
    tpu.vector_store %arg7[%swap3A_325], %get3A_324 {strides = array<i32>} : memref<64xi32, #tpu.memory_space<vmem>>, vector<16xi32>,
    %get3A_327 = arith.constant 32 : index
    %get3A_328 = tpu.vector_load %arg6[%get3A_327] {strides = array<i32>} : memref<1024xi32, #tpu.memory_space<vmem>>, vector<16xi32>,
    %swap3A_329 = arith.constant 32 : index
    %swap3A_330 = tpu.vector_load %arg7[%swap3A_329] {strides = array<i32>} : memref<64xi32, #tpu.memory_space<vmem>>, vector<16xi32>,
    tpu.vector_store %arg7[%swap3A_329], %get3A_328 {strides = array<i32>} : memref<64xi32, #tpu.memory_space<vmem>>, vector<16xi32>,
    %get3A_331 = arith.constant 48 : index
    %get3A_332 = tpu.vector_load %arg6[%get3A_331] {strides = array<i32>} : memref<1024xi32, #tpu.memory_space<vmem>>, vector<16xi32>,
    %swap3A_333 = arith.constant 48 : index
    %swap3A_334 = tpu.vector_load %arg7[%swap3A_333] {strides = array<i32>} : memref<64xi32, #tpu.memory_space<vmem>>, vector<16xi32>,
    tpu.vector_store %arg7[%swap3A_333], %get3A_332 {strides = array<i32>} : memref<64xi32, #tpu.memory_space<vmem>>, vector<16xi32>,
    %dma_start3A = arith.constant 0 : i32
    %dma_start3A_335 = arith.constant 0 : i32
    %dma_start3A_336 = tpu.memref_slice %arg2[%add3A, %dma_start3A, %dma_start3A_335] : memref<32x1024x768xf32, #tpu.memory_space<hbm>> -> memref<1x1024x768xf32, #tpu.memory_space<hbm>>
    %dma_start3A_337 = tpu.memref_squeeze %dma_start3A_336 : memref<1x1024x768xf32, #tpu.memory_space<hbm>> -> memref<1024x768xf32, #tpu.memory_space<hbm>>
    %dma_start3A_338 = arith.constant 0 : i32
    %dma_start3A_339 = arith.constant 0 : i32
    %dma_start3A_340 = tpu.memref_slice %dma_start3A_337[%dma_start3A_338, %dma_start3A_339] : memref<1024x768xf32, #tpu.memory_space<hbm>> -> memref<1024x768xf32, #tpu.memory_space<hbm>>
    tpu.enqueue_indirect_dma source(%dma_start3A_340 : memref<1024x768xf32, #tpu.memory_space<hbm>>) target(%arg8 : memref<64x768xf32, #tpu.memory_space<vmem>>) offsets(%arg7 : memref<64xi32, #tpu.memory_space<vmem>>) semaphore(%arg10 : memref<!tpu.dma_semaphore, #tpu.memory_space<semaphore_mem>>)
    %dma_wait3A = arith.constant 0 : i32
    %dma_wait3A_341 = arith.constant 0 : i32
    %dma_wait3A_342 = tpu.memref_slice %arg2[%add3A, %dma_wait3A, %dma_wait3A_341] : memref<32x1024x768xf32, #tpu.memory_space<hbm>> -> memref<1x1024x768xf32, #tpu.memory_space<hbm>>
    %dma_wait3A_343 = tpu.memref_squeeze %dma_wait3A_342 : memref<1x1024x768xf32, #tpu.memory_space<hbm>> -> memref<1024x768xf32, #tpu.memory_space<hbm>>
    %dma_wait3A_344 = arith.constant 0 : i32
    %dma_wait3A_345 = arith.constant 0 : i32
    %dma_wait3A_346 = tpu.memref_slice %dma_wait3A_343[%dma_wait3A_344, %dma_wait3A_345] : memref<1024x768xf32, #tpu.memory_space<hbm>> -> memref<1024x768xf32, #tpu.memory_space<hbm>>
    tpu.wait_indirect_dma semaphore(%arg10 : memref<!tpu.dma_semaphore, #tpu.memory_space<semaphore_mem>>) src(%dma_wait3A_346 : memref<1024x768xf32, #tpu.memory_space<hbm>>) dst(%arg8 : memref<64x768xf32, #tpu.memory_space<vmem>>)
    %dma_start3A_347 = arith.constant 0 : i32
    %dma_start3A_348 = arith.constant 0 : i32
    %dma_start3A_349 = tpu.memref_slice %arg4[%add3A, %dma_start3A_347, %dma_start3A_348] : memref<32x1024x768xf32, #tpu.memory_space<hbm>> -> memref<1x1024x768xf32, #tpu.memory_space<hbm>>
    %dma_start3A_350 = tpu.memref_squeeze %dma_start3A_349 : memref<1x1024x768xf32, #tpu.memory_space<hbm>> -> memref<1024x768xf32, #tpu.memory_space<hbm>>
    %dma_start3A_351 = arith.constant 0 : i32
    %dma_start3A_352 = arith.constant 0 : i32
    %dma_start3A_353 = tpu.memref_slice %dma_start3A_350[%dma_start3A_351, %dma_start3A_352] : memref<1024x768xf32, #tpu.memory_space<hbm>> -> memref<64x768xf32, #tpu.memory_space<hbm>>
    %dma_start3A_354 = arith.constant 0 : i32
    %dma_start3A_355 = arith.constant 0 : i32
    %dma_start3A_356 = tpu.memref_slice %arg4[%add3A, %dma_start3A_354, %dma_start3A_355] : memref<32x1024x768xf32, #tpu.memory_space<hbm>> -> memref<1x1024x768xf32, #tpu.memory_space<hbm>>
    %dma_start3A_357 = tpu.memref_squeeze %dma_start3A_356 : memref<1x1024x768xf32, #tpu.memory_space<hbm>> -> memref<1024x768xf32, #tpu.memory_space<hbm>>
    %dma_start3A_358 = arith.constant 0 : i32
    %dma_start3A_359 = arith.constant 0 : i32
    %dma_start3A_360 = tpu.memref_slice %dma_start3A_357[%dma_start3A_358, %dma_start3A_359] : memref<1024x768xf32, #tpu.memory_space<hbm>> -> memref<64x768xf32, #tpu.memory_space<hbm>>
    tpu.enqueue_dma source(%arg8 : memref<64x768xf32, #tpu.memory_space<vmem>>) target(%dma_start3A_360 : memref<64x768xf32, #tpu.memory_space<hbm>>) target_semaphore(%arg12 : memref<!tpu.dma_semaphore, #tpu.memory_space<semaphore_mem>>)
    %get3A_361 = arith.constant 64 : index
    %get3A_362 = tpu.vector_load %arg6[%get3A_361] {strides = array<i32>} : memref<1024xi32, #tpu.memory_space<vmem>>, vector<16xi32>,
    %swap3A_363 = arith.constant 0 : index
    %swap3A_364 = tpu.vector_load %arg7[%swap3A_363] {strides = array<i32>} : memref<64xi32, #tpu.memory_space<vmem>>, vector<16xi32>,
    tpu.vector_store %arg7[%swap3A_363], %get3A_362 {strides = array<i32>} : memref<64xi32, #tpu.memory_space<vmem>>, vector<16xi32>,
    %get3A_365 = arith.constant 80 : index
    %get3A_366 = tpu.vector_load %arg6[%get3A_365] {strides = array<i32>} : memref<1024xi32, #tpu.memory_space<vmem>>, vector<16xi32>,
    %swap3A_367 = arith.constant 16 : index
    %swap3A_368 = tpu.vector_load %arg7[%swap3A_367] {strides = array<i32>} : memref<64xi32, #tpu.memory_space<vmem>>, vector<16xi32>,
    tpu.vector_store %arg7[%swap3A_367], %get3A_366 {strides = array<i32>} : memref<64xi32, #tpu.memory_space<vmem>>, vector<16xi32>,
    %get3A_369 = arith.constant 96 : index
    %get3A_370 = tpu.vector_load %arg6[%get3A_369] {strides = array<i32>} : memref<1024xi32, #tpu.memory_space<vmem>>, vector<16xi32>,
    %swap3A_371 = arith.constant 32 : index
    %swap3A_372 = tpu.vector_load %arg7[%swap3A_371] {strides = array<i32>} : memref<64xi32, #tpu.memory_space<vmem>>, vector<16xi32>,
    tpu.vector_store %arg7[%swap3A_371], %get3A_370 {strides = array<i32>} : memref<64xi32, #tpu.memory_space<vmem>>, vector<16xi32>,
    %get3A_373 = arith.constant 112 : index
    %get3A_374 = tpu.vector_load %arg6[%get3A_373] {strides = array<i32>} : memref<1024xi32, #tpu.memory_space<vmem>>, vector<16xi32>,
    %swap3A_375 = arith.constant 48 : index
    %swap3A_376 = tpu.vector_load %arg7[%swap3A_375] {strides = array<i32>} : memref<64xi32, #tpu.memory_space<vmem>>, vector<16xi32>,
    tpu.vector_store %arg7[%swap3A_375], %get3A_374 {strides = array<i32>} : memref<64xi32, #tpu.memory_space<vmem>>, vector<16xi32>,
    %dma_start3A_377 = arith.constant 0 : i32
    %dma_start3A_378 = arith.constant 0 : i32
    %dma_start3A_379 = tpu.memref_slice %arg2[%add3A, %dma_start3A_377, %dma_start3A_378] : memref<32x1024x768xf32, #tpu.memory_space<hbm>> -> memref<1x1024x768xf32, #tpu.memory_space<hbm>>
    %dma_start3A_380 = tpu.memref_squeeze %dma_start3A_379 : memref<1x1024x768xf32, #tpu.memory_space<hbm>> -> memref<1024x768xf32, #tpu.memory_space<hbm>>
    %dma_start3A_381 = arith.constant 0 : i32
    %dma_start3A_382 = arith.constant 0 : i32
    %dma_start3A_383 = tpu.memref_slice %dma_start3A_380[%dma_start3A_381, %dma_start3A_382] : memref<1024x768xf32, #tpu.memory_space<hbm>> -> memref<1024x768xf32, #tpu.memory_space<hbm>>
    tpu.enqueue_indirect_dma source(%dma_start3A_383 : memref<1024x768xf32, #tpu.memory_space<hbm>>) target(%arg9 : memref<64x768xf32, #tpu.memory_space<vmem>>) offsets(%arg7 : memref<64xi32, #tpu.memory_space<vmem>>) semaphore(%arg11 : memref<!tpu.dma_semaphore, #tpu.memory_space<semaphore_mem>>)
    %dma_wait3A_384 = arith.constant 0 : i32
    %dma_wait3A_385 = arith.constant 0 : i32
    %dma_wait3A_386 = tpu.memref_slice %arg2[%add3A, %dma_wait3A_384, %dma_wait3A_385] : memref<32x1024x768xf32, #tpu.memory_space<hbm>> -> memref<1x1024x768xf32, #tpu.memory_space<hbm>>
    %dma_wait3A_387 = tpu.memref_squeeze %dma_wait3A_386 : memref<1x1024x768xf32, #tpu.memory_space<hbm>> -> memref<1024x768xf32, #tpu.memory_space<hbm>>
    %dma_wait3A_388 = arith.constant 0 : i32
    %dma_wait3A_389 = arith.constant 0 : i32
    %dma_wait3A_390 = tpu.memref_slice %dma_wait3A_387[%dma_wait3A_388, %dma_wait3A_389] : memref<1024x768xf32, #tpu.memory_space<hbm>> -> memref<1024x768xf32, #tpu.memory_space<hbm>>
    tpu.wait_indirect_dma semaphore(%arg11 : memref<!tpu.dma_semaphore, #tpu.memory_space<semaphore_mem>>) src(%dma_wait3A_390 : memref<1024x768xf32, #tpu.memory_space<hbm>>) dst(%arg9 : memref<64x768xf32, #tpu.memory_space<vmem>>)
    %dma_start3A_391 = arith.constant 0 : i32
    %dma_start3A_392 = arith.constant 0 : i32
    %dma_start3A_393 = tpu.memref_slice %arg4[%add3A, %dma_start3A_391, %dma_start3A_392] : memref<32x1024x768xf32, #tpu.memory_space<hbm>> -> memref<1x1024x768xf32, #tpu.memory_space<hbm>>
    %dma_start3A_394 = tpu.memref_squeeze %dma_start3A_393 : memref<1x1024x768xf32, #tpu.memory_space<hbm>> -> memref<1024x768xf32, #tpu.memory_space<hbm>>
    %dma_start3A_395 = arith.constant 64 : i32
    %dma_start3A_396 = arith.constant 0 : i32
    %dma_start3A_397 = tpu.memref_slice %dma_start3A_394[%dma_start3A_395, %dma_start3A_396] : memref<1024x768xf32, #tpu.memory_space<hbm>> -> memref<64x768xf32, #tpu.memory_space<hbm>>
    %dma_start3A_398 = arith.constant 0 : i32
    %dma_start3A_399 = arith.constant 0 : i32
    %dma_start3A_400 = tpu.memref_slice %arg4[%add3A, %dma_start3A_398, %dma_start3A_399] : memref<32x1024x768xf32, #tpu.memory_space<hbm>> -> memref<1x1024x768xf32, #tpu.memory_space<hbm>>
    %dma_start3A_401 = tpu.memref_squeeze %dma_start3A_400 : memref<1x1024x768xf32, #tpu.memory_space<hbm>> -> memref<1024x768xf32, #tpu.memory_space<hbm>>
    %dma_start3A_402 = arith.constant 64 : i32
    %dma_start3A_403 = arith.constant 0 : i32
    %dma_start3A_404 = tpu.memref_slice %dma_start3A_401[%dma_start3A_402, %dma_start3A_403] : memref<1024x768xf32, #tpu.memory_space<hbm>> -> memref<64x768xf32, #tpu.memory_space<hbm>>
    tpu.enqueue_dma source(%arg9 : memref<64x768xf32, #tpu.memory_space<vmem>>) target(%dma_start3A_404 : memref<64x768xf32, #tpu.memory_space<hbm>>) target_semaphore(%arg13 : memref<!tpu.dma_semaphore, #tpu.memory_space<semaphore_mem>>)
    %dma_wait3A_405 = arith.constant 0 : i32
    %dma_wait3A_406 = arith.constant 0 : i32
    %dma_wait3A_407 = tpu.memref_slice %arg4[%add3A, %dma_wait3A_405, %dma_wait3A_406] : memref<32x1024x768xf32, #tpu.memory_space<hbm>> -> memref<1x1024x768xf32, #tpu.memory_space<hbm>>
    %dma_wait3A_408 = tpu.memref_squeeze %dma_wait3A_407 : memref<1x1024x768xf32, #tpu.memory_space<hbm>> -> memref<1024x768xf32, #tpu.memory_space<hbm>>
    %dma_wait3A_409 = arith.constant 0 : i32
    %dma_wait3A_410 = arith.constant 0 : i32
    %dma_wait3A_411 = tpu.memref_slice %dma_wait3A_408[%dma_wait3A_409, %dma_wait3A_410] : memref<1024x768xf32, #tpu.memory_space<hbm>> -> memref<64x768xf32, #tpu.memory_space<hbm>>
    %dma_wait3A_412 = arith.constant 0 : i32
    %dma_wait3A_413 = arith.constant 0 : i32
    %dma_wait3A_414 = tpu.memref_slice %arg4[%add3A, %dma_wait3A_412, %dma_wait3A_413] : memref<32x1024x768xf32, #tpu.memory_space<hbm>> -> memref<1x1024x768xf32, #tpu.memory_space<hbm>>
    %dma_wait3A_415 = tpu.memref_squeeze %dma_wait3A_414 : memref<1x1024x768xf32, #tpu.memory_space<hbm>> -> memref<1024x768xf32, #tpu.memory_space<hbm>>
    %dma_wait3A_416 = arith.constant 0 : i32
    %dma_wait3A_417 = arith.constant 0 : i32
    %dma_wait3A_418 = tpu.memref_slice %dma_wait3A_415[%dma_wait3A_416, %dma_wait3A_417] : memref<1024x768xf32, #tpu.memory_space<hbm>> -> memref<64x768xf32, #tpu.memory_space<hbm>>
    tpu.wait_dma2 semaphore(%arg12 : memref<!tpu.dma_semaphore, #tpu.memory_space<semaphore_mem>>) src(%arg8 : memref<64x768xf32, #tpu.memory_space<vmem>>) dst(%dma_wait3A_418 : memref<64x768xf32, #tpu.memory_space<hbm>>)
    %get3A_419 = arith.constant 128 : index
    %get3A_420 = tpu.vector_load %arg6[%get3A_419] {strides = array<i32>} : memref<1024xi32, #tpu.memory_space<vmem>>, vector<16xi32>,
    %swap3A_421 = arith.constant 0 : index
    %swap3A_422 = tpu.vector_load %arg7[%swap3A_421] {strides = array<i32>} : memref<64xi32, #tpu.memory_space<vmem>>, vector<16xi32>,
    tpu.vector_store %arg7[%swap3A_421], %get3A_420 {strides = array<i32>} : memref<64xi32, #tpu.memory_space<vmem>>, vector<16xi32>,
    %get3A_423 = arith.constant 144 : index
    %get3A_424 = tpu.vector_load %arg6[%get3A_423] {strides = array<i32>} : memref<1024xi32, #tpu.memory_space<vmem>>, vector<16xi32>,
    %swap3A_425 = arith.constant 16 : index
    %swap3A_426 = tpu.vector_load %arg7[%swap3A_425] {strides = array<i32>} : memref<64xi32, #tpu.memory_space<vmem>>, vector<16xi32>,
    tpu.vector_store %arg7[%swap3A_425], %get3A_424 {strides = array<i32>} : memref<64xi32, #tpu.memory_space<vmem>>, vector<16xi32>,
    %get3A_427 = arith.constant 160 : index
    %get3A_428 = tpu.vector_load %arg6[%get3A_427] {strides = array<i32>} : memref<1024xi32, #tpu.memory_space<vmem>>, vector<16xi32>,
    %swap3A_429 = arith.constant 32 : index
    %swap3A_430 = tpu.vector_load %arg7[%swap3A_429] {strides = array<i32>} : memref<64xi32, #tpu.memory_space<vmem>>, vector<16xi32>,
    tpu.vector_store %arg7[%swap3A_429], %get3A_428 {strides = array<i32>} : memref<64xi32, #tpu.memory_space<vmem>>, vector<16xi32>,
    %get3A_431 = arith.constant 176 : index
    %get3A_432 = tpu.vector_load %arg6[%get3A_431] {strides = array<i32>} : memref<1024xi32, #tpu.memory_space<vmem>>, vector<16xi32>,
    %swap3A_433 = arith.constant 48 : index
    %swap3A_434 = tpu.vector_load %arg7[%swap3A_433] {strides = array<i32>} : memref<64xi32, #tpu.memory_space<vmem>>, vector<16xi32>,
    tpu.vector_store %arg7[%swap3A_433], %get3A_432 {strides = array<i32>} : memref<64xi32, #tpu.memory_space<vmem>>, vector<16xi32>,
    %dma_start3A_435 = arith.constant 0 : i32
    %dma_start3A_436 = arith.constant 0 : i32
    %dma_start3A_437 = tpu.memref_slice %arg2[%add3A, %dma_start3A_435, %dma_start3A_436] : memref<32x1024x768xf32, #tpu.memory_space<hbm>> -> memref<1x1024x768xf32, #tpu.memory_space<hbm>>
    %dma_start3A_438 = tpu.memref_squeeze %dma_start3A_437 : memref<1x1024x768xf32, #tpu.memory_space<hbm>> -> memref<1024x768xf32, #tpu.memory_space<hbm>>
    %dma_start3A_439 = arith.constant 0 : i32
    %dma_start3A_440 = arith.constant 0 : i32
    %dma_start3A_441 = tpu.memref_slice %dma_start3A_438[%dma_start3A_439, %dma_start3A_440] : memref<1024x768xf32, #tpu.memory_space<hbm>> -> memref<1024x768xf32, #tpu.memory_space<hbm>>
    tpu.enqueue_indirect_dma source(%dma_start3A_441 : memref<1024x768xf32, #tpu.memory_space<hbm>>) target(%arg8 : memref<64x768xf32, #tpu.memory_space<vmem>>) offsets(%arg7 : memref<64xi32, #tpu.memory_space<vmem>>) semaphore(%arg10 : memref<!tpu.dma_semaphore, #tpu.memory_space<semaphore_mem>>)
    %dma_wait3A_442 = arith.constant 0 : i32
    %dma_wait3A_443 = arith.constant 0 : i32
    %dma_wait3A_444 = tpu.memref_slice %arg2[%add3A, %dma_wait3A_442, %dma_wait3A_443] : memref<32x1024x768xf32, #tpu.memory_space<hbm>> -> memref<1x1024x768xf32, #tpu.memory_space<hbm>>
    %dma_wait3A_445 = tpu.memref_squeeze %dma_wait3A_444 : memref<1x1024x768xf32, #tpu.memory_space<hbm>> -> memref<1024x768xf32, #tpu.memory_space<hbm>>
    %dma_wait3A_446 = arith.constant 0 : i32
    %dma_wait3A_447 = arith.constant 0 : i32
    %dma_wait3A_448 = tpu.memref_slice %dma_wait3A_445[%dma_wait3A_446, %dma_wait3A_447] : memref<1024x768xf32, #tpu.memory_space<hbm>> -> memref<1024x768xf32, #tpu.memory_space<hbm>>
    tpu.wait_indirect_dma semaphore(%arg10 : memref<!tpu.dma_semaphore, #tpu.memory_space<semaphore_mem>>) src(%dma_wait3A_448 : memref<1024x768xf32, #tpu.memory_space<hbm>>) dst(%arg8 : memref<64x768xf32, #tpu.memory_space<vmem>>)
    %dma_start3A_449 = arith.constant 0 : i32
    %dma_start3A_450 = arith.constant 0 : i32
    %dma_start3A_451 = tpu.memref_slice %arg4[%add3A, %dma_start3A_449, %dma_start3A_450] : memref<32x1024x768xf32, #tpu.memory_space<hbm>> -> memref<1x1024x768xf32, #tpu.memory_space<hbm>>
    %dma_start3A_452 = tpu.memref_squeeze %dma_start3A_451 : memref<1x1024x768xf32, #tpu.memory_space<hbm>> -> memref<1024x768xf32, #tpu.memory_space<hbm>>
    %dma_start3A_453 = arith.constant 128 : i32
    %dma_start3A_454 = arith.constant 0 : i32
    %dma_start3A_455 = tpu.memref_slice %dma_start3A_452[%dma_start3A_453, %dma_start3A_454] : memref<1024x768xf32, #tpu.memory_space<hbm>> -> memref<64x768xf32, #tpu.memory_space<hbm>>
    %dma_start3A_456 = arith.constant 0 : i32
    %dma_start3A_457 = arith.constant 0 : i32
    %dma_start3A_458 = tpu.memref_slice %arg4[%add3A, %dma_start3A_456, %dma_start3A_457] : memref<32x1024x768xf32, #tpu.memory_space<hbm>> -> memref<1x1024x768xf32, #tpu.memory_space<hbm>>
    %dma_start3A_459 = tpu.memref_squeeze %dma_start3A_458 : memref<1x1024x768xf32, #tpu.memory_space<hbm>> -> memref<1024x768xf32, #tpu.memory_space<hbm>>
    %dma_start3A_460 = arith.constant 128 : i32
    %dma_start3A_461 = arith.constant 0 : i32
    %dma_start3A_462 = tpu.memref_slice %dma_start3A_459[%dma_start3A_460, %dma_start3A_461] : memref<1024x768xf32, #tpu.memory_space<hbm>> -> memref<64x768xf32, #tpu.memory_space<hbm>>
    tpu.enqueue_dma source(%arg8 : memref<64x768xf32, #tpu.memory_space<vmem>>) target(%dma_start3A_462 : memref<64x768xf32, #tpu.memory_space<hbm>>) target_semaphore(%arg12 : memref<!tpu.dma_semaphore, #tpu.memory_space<semaphore_mem>>)
    %dma_wait3A_463 = arith.constant 0 : i32
    %dma_wait3A_464 = arith.constant 0 : i32
    %dma_wait3A_465 = tpu.memref_slice %arg4[%add3A, %dma_wait3A_463, %dma_wait3A_464] : memref<32x1024x768xf32, #tpu.memory_space<hbm>> -> memref<1x1024x768xf32, #tpu.memory_space<hbm>>
    %dma_wait3A_466 = tpu.memref_squeeze %dma_wait3A_465 : memref<1x1024x768xf32, #tpu.memory_space<hbm>> -> memref<1024x768xf32, #tpu.memory_space<hbm>>
    %dma_wait3A_467 = arith.constant 64 : i32
    %dma_wait3A_468 = arith.constant 0 : i32
    %dma_wait3A_469 = tpu.memref_slice %dma_wait3A_466[%dma_wait3A_467, %dma_wait3A_468] : memref<1024x768xf32, #tpu.memory_space<hbm>> -> memref<64x768xf32, #tpu.memory_space<hbm>>
    %dma_wait3A_470 = arith.constant 0 : i32
    %dma_wait3A_471 = arith.constant 0 : i32
    %dma_wait3A_472 = tpu.memref_slice %arg4[%add3A, %dma_wait3A_470, %dma_wait3A_471] : memref<32x1024x768xf32, #tpu.memory_space<hbm>> -> memref<1x1024x768xf32, #tpu.memory_space<hbm>>
    %dma_wait3A_473 = tpu.memref_squeeze %dma_wait3A_472 : memref<1x1024x768xf32, #tpu.memory_space<hbm>> -> memref<1024x768xf32, #tpu.memory_space<hbm>>
    %dma_wait3A_474 = arith.constant 64 : i32
    %dma_wait3A_475 = arith.constant 0 : i32
    %dma_wait3A_476 = tpu.memref_slice %dma_wait3A_473[%dma_wait3A_474, %dma_wait3A_475] : memref<1024x768xf32, #tpu.memory_space<hbm>> -> memref<64x768xf32, #tpu.memory_space<hbm>>
    tpu.wait_dma2 semaphore(%arg13 : memref<!tpu.dma_semaphore, #tpu.memory_space<semaphore_mem>>) src(%arg9 : memref<64x768xf32, #tpu.memory_space<vmem>>) dst(%dma_wait3A_476 : memref<64x768xf32, #tpu.memory_space<hbm>>)
    %get3A_477 = arith.constant 192 : index
    %get3A_478 = tpu.vector_load %arg6[%get3A_477] {strides = array<i32>} : memref<1024xi32, #tpu.memory_space<vmem>>, vector<16xi32>,
    %swap3A_479 = arith.constant 0 : index
    %swap3A_480 = tpu.vector_load %arg7[%swap3A_479] {strides = array<i32>} : memref<64xi32, #tpu.memory_space<vmem>>, vector<16xi32>,
    tpu.vector_store %arg7[%swap3A_479], %get3A_478 {strides = array<i32>} : memref<64xi32, #tpu.memory_space<vmem>>, vector<16xi32>,
    %get3A_481 = arith.constant 208 : index
    %get3A_482 = tpu.vector_load %arg6[%get3A_481] {strides = array<i32>} : memref<1024xi32, #tpu.memory_space<vmem>>, vector<16xi32>,
    %swap3A_483 = arith.constant 16 : index
    %swap3A_484 = tpu.vector_load %arg7[%swap3A_483] {strides = array<i32>} : memref<64xi32, #tpu.memory_space<vmem>>, vector<16xi32>,
    tpu.vector_store %arg7[%swap3A_483], %get3A_482 {strides = array<i32>} : memref<64xi32, #tpu.memory_space<vmem>>, vector<16xi32>,
    %get3A_485 = arith.constant 224 : index
    %get3A_486 = tpu.vector_load %arg6[%get3A_485] {strides = array<i32>} : memref<1024xi32, #tpu.memory_space<vmem>>, vector<16xi32>,
    %swap3A_487 = arith.constant 32 : index
    %swap3A_488 = tpu.vector_load %arg7[%swap3A_487] {strides = array<i32>} : memref<64xi32, #tpu.memory_space<vmem>>, vector<16xi32>,
    tpu.vector_store %arg7[%swap3A_487], %get3A_486 {strides = array<i32>} : memref<64xi32, #tpu.memory_space<vmem>>, vector<16xi32>,
    %get3A_489 = arith.constant 240 : index
    %get3A_490 = tpu.vector_load %arg6[%get3A_489] {strides = array<i32>} : memref<1024xi32, #tpu.memory_space<vmem>>, vector<16xi32>,
    %swap3A_491 = arith.constant 48 : index
    %swap3A_492 = tpu.vector_load %arg7[%swap3A_491] {strides = array<i32>} : memref<64xi32, #tpu.memory_space<vmem>>, vector<16xi32>,
    tpu.vector_store %arg7[%swap3A_491], %get3A_490 {strides = array<i32>} : memref<64xi32, #tpu.memory_space<vmem>>, vector<16xi32>,
    %dma_start3A_493 = arith.constant 0 : i32
    %dma_start3A_494 = arith.constant 0 : i32
    %dma_start3A_495 = tpu.memref_slice %arg2[%add3A, %dma_start3A_493, %dma_start3A_494] : memref<32x1024x768xf32, #tpu.memory_space<hbm>> -> memref<1x1024x768xf32, #tpu.memory_space<hbm>>
    %dma_start3A_496 = tpu.memref_squeeze %dma_start3A_495 : memref<1x1024x768xf32, #tpu.memory_space<hbm>> -> memref<1024x768xf32, #tpu.memory_space<hbm>>
    %dma_start3A_497 = arith.constant 0 : i32
    %dma_start3A_498 = arith.constant 0 : i32
    %dma_start3A_499 = tpu.memref_slice %dma_start3A_496[%dma_start3A_497, %dma_start3A_498] : memref<1024x768xf32, #tpu.memory_space<hbm>> -> memref<1024x768xf32, #tpu.memory_space<hbm>>
    tpu.enqueue_indirect_dma source(%dma_start3A_499 : memref<1024x768xf32, #tpu.memory_space<hbm>>) target(%arg9 : memref<64x768xf32, #tpu.memory_space<vmem>>) offsets(%arg7 : memref<64xi32, #tpu.memory_space<vmem>>) semaphore(%arg11 : memref<!tpu.dma_semaphore, #tpu.memory_space<semaphore_mem>>)
    %dma_wait3A_500 = arith.constant 0 : i32
    %dma_wait3A_501 = arith.constant 0 : i32
    %dma_wait3A_502 = tpu.memref_slice %arg2[%add3A, %dma_wait3A_500, %dma_wait3A_501] : memref<32x1024x768xf32, #tpu.memory_space<hbm>> -> memref<1x1024x768xf32, #tpu.memory_space<hbm>>
    %dma_wait3A_503 = tpu.memref_squeeze %dma_wait3A_502 : memref<1x1024x768xf32, #tpu.memory_space<hbm>> -> memref<1024x768xf32, #tpu.memory_space<hbm>>
    %dma_wait3A_504 = arith.constant 0 : i32
    %dma_wait3A_505 = arith.constant 0 : i32
    %dma_wait3A_506 = tpu.memref_slice %dma_wait3A_503[%dma_wait3A_504, %dma_wait3A_505] : memref<1024x768xf32, #tpu.memory_space<hbm>> -> memref<1024x768xf32, #tpu.memory_space<hbm>>
    tpu.wait_indirect_dma semaphore(%arg11 : memref<!tpu.dma_semaphore, #tpu.memory_space<semaphore_mem>>) src(%dma_wait3A_506 : memref<1024x768xf32, #tpu.memory_space<hbm>>) dst(%arg9 : memref<64x768xf32, #tpu.memory_space<vmem>>)
    %dma_start3A_507 = arith.constant 0 : i32
    %dma_start3A_508 = arith.constant 0 : i32
    %dma_start3A_509 = tpu.memref_slice %arg4[%add3A, %dma_start3A_507, %dma_start3A_508] : memref<32x1024x768xf32, #tpu.memory_space<hbm>> -> memref<1x1024x768xf32, #tpu.memory_space<hbm>>
    %dma_start3A_510 = tpu.memref_squeeze %dma_start3A_509 : memref<1x1024x768xf32, #tpu.memory_space<hbm>> -> memref<1024x768xf32, #tpu.memory_space<hbm>>
    %dma_start3A_511 = arith.constant 192 : i32
    %dma_start3A_512 = arith.constant 0 : i32
    %dma_start3A_513 = tpu.memref_slice %dma_start3A_510[%dma_start3A_511, %dma_start3A_512] : memref<1024x768xf32, #tpu.memory_space<hbm>> -> memref<64x768xf32, #tpu.memory_space<hbm>>
    %dma_start3A_514 = arith.constant 0 : i32
    %dma_start3A_515 = arith.constant 0 : i32
    %dma_start3A_516 = tpu.memref_slice %arg4[%add3A, %dma_start3A_514, %dma_start3A_515] : memref<32x1024x768xf32, #tpu.memory_space<hbm>> -> memref<1x1024x768xf32, #tpu.memory_space<hbm>>
    %dma_start3A_517 = tpu.memref_squeeze %dma_start3A_516 : memref<1x1024x768xf32, #tpu.memory_space<hbm>> -> memref<1024x768xf32, #tpu.memory_space<hbm>>
    %dma_start3A_518 = arith.constant 192 : i32
    %dma_start3A_519 = arith.constant 0 : i32
    %dma_start3A_520 = tpu.memref_slice %dma_start3A_517[%dma_start3A_518, %dma_start3A_519] : memref<1024x768xf32, #tpu.memory_space<hbm>> -> memref<64x768xf32, #tpu.memory_space<hbm>>
    tpu.enqueue_dma source(%arg9 : memref<64x768xf32, #tpu.memory_space<vmem>>) target(%dma_start3A_520 : memref<64x768xf32, #tpu.memory_space<hbm>>) target_semaphore(%arg13 : memref<!tpu.dma_semaphore, #tpu.memory_space<semaphore_mem>>)
    %dma_wait3A_521 = arith.constant 0 : i32
    %dma_wait3A_522 = arith.constant 0 : i32
    %dma_wait3A_523 = tpu.memref_slice %arg4[%add3A, %dma_wait3A_521, %dma_wait3A_522] : memref<32x1024x768xf32, #tpu.memory_space<hbm>> -> memref<1x1024x768xf32, #tpu.memory_space<hbm>>
    %dma_wait3A_524 = tpu.memref_squeeze %dma_wait3A_523 : memref<1x1024x768xf32, #tpu.memory_space<hbm>> -> memref<1024x768xf32, #tpu.memory_space<hbm>>
    %dma_wait3A_525 = arith.constant 128 : i32
    %dma_wait3A_526 = arith.constant 0 : i32
    %dma_wait3A_527 = tpu.memref_slice %dma_wait3A_524[%dma_wait3A_525, %dma_wait3A_526] : memref<1024x768xf32, #tpu.memory_space<hbm>> -> memref<64x768xf32, #tpu.memory_space<hbm>>
    %dma_wait3A_528 = arith.constant 0 : i32
    %dma_wait3A_529 = arith.constant 0 : i32
    %dma_wait3A_530 = tpu.memref_slice %arg4[%add3A, %dma_wait3A_528, %dma_wait3A_529] : memref<32x1024x768xf32, #tpu.memory_space<hbm>> -> memref<1x1024x768xf32, #tpu.memory_space<hbm>>
    %dma_wait3A_531 = tpu.memref_squeeze %dma_wait3A_530 : memref<1x1024x768xf32, #tpu.memory_space<hbm>> -> memref<1024x768xf32, #tpu.memory_space<hbm>>
    %dma_wait3A_532 = arith.constant 128 : i32
    %dma_wait3A_533 = arith.constant 0 : i32
    %dma_wait3A_534 = tpu.memref_slice %dma_wait3A_531[%dma_wait3A_532, %dma_wait3A_533] : memref<1024x768xf32, #tpu.memory_space<hbm>> -> memref<64x768xf32, #tpu.memory_space<hbm>>
    tpu.wait_dma2 semaphore(%arg12 : memref<!tpu.dma_semaphore, #tpu.memory_space<semaphore_mem>>) src(%arg8 : memref<64x768xf32, #tpu.memory_space<vmem>>) dst(%dma_wait3A_534 : memref<64x768xf32, #tpu.memory_space<hbm>>)
    %get3A_535 = arith.constant 256 : index
    %get3A_536 = tpu.vector_load %arg6[%get3A_535] {strides = array<i32>} : memref<1024xi32, #tpu.memory_space<vmem>>, vector<16xi32>,
    %swap3A_537 = arith.constant 0 : index
    %swap3A_538 = tpu.vector_load %arg7[%swap3A_537] {strides = array<i32>} : memref<64xi32, #tpu.memory_space<vmem>>, vector<16xi32>,
    tpu.vector_store %arg7[%swap3A_537], %get3A_536 {strides = array<i32>} : memref<64xi32, #tpu.memory_space<vmem>>, vector<16xi32>,
    %get3A_539 = arith.constant 272 : index
    %get3A_540 = tpu.vector_load %arg6[%get3A_539] {strides = array<i32>} : memref<1024xi32, #tpu.memory_space<vmem>>, vector<16xi32>,
    %swap3A_541 = arith.constant 16 : index
    %swap3A_542 = tpu.vector_load %arg7[%swap3A_541] {strides = array<i32>} : memref<64xi32, #tpu.memory_space<vmem>>, vector<16xi32>,
    tpu.vector_store %arg7[%swap3A_541], %get3A_540 {strides = array<i32>} : memref<64xi32, #tpu.memory_space<vmem>>, vector<16xi32>,
    %get3A_543 = arith.constant 288 : index
    %get3A_544 = tpu.vector_load %arg6[%get3A_543] {strides = array<i32>} : memref<1024xi32, #tpu.memory_space<vmem>>, vector<16xi32>,
    %swap3A_545 = arith.constant 32 : index
    %swap3A_546 = tpu.vector_load %arg7[%swap3A_545] {strides = array<i32>} : memref<64xi32, #tpu.memory_space<vmem>>, vector<16xi32>,
    tpu.vector_store %arg7[%swap3A_545], %get3A_544 {strides = array<i32>} : memref<64xi32, #tpu.memory_space<vmem>>, vector<16xi32>,
    %get3A_547 = arith.constant 304 : index
    %get3A_548 = tpu.vector_load %arg6[%get3A_547] {strides = array<i32>} : memref<1024xi32, #tpu.memory_space<vmem>>, vector<16xi32>,
    %swap3A_549 = arith.constant 48 : index
    %swap3A_550 = tpu.vector_load %arg7[%swap3A_549] {strides = array<i32>} : memref<64xi32, #tpu.memory_space<vmem>>, vector<16xi32>,
    tpu.vector_store %arg7[%swap3A_549], %get3A_548 {strides = array<i32>} : memref<64xi32, #tpu.memory_space<vmem>>, vector<16xi32>,
    %dma_start3A_551 = arith.constant 0 : i32
    %dma_start3A_552 = arith.constant 0 : i32
    %dma_start3A_553 = tpu.memref_slice %arg2[%add3A, %dma_start3A_551, %dma_start3A_552] : memref<32x1024x768xf32, #tpu.memory_space<hbm>> -> memref<1x1024x768xf32, #tpu.memory_space<hbm>>
    %dma_start3A_554 = tpu.memref_squeeze %dma_start3A_553 : memref<1x1024x768xf32, #tpu.memory_space<hbm>> -> memref<1024x768xf32, #tpu.memory_space<hbm>>
    %dma_start3A_555 = arith.constant 0 : i32
    %dma_start3A_556 = arith.constant 0 : i32
    %dma_start3A_557 = tpu.memref_slice %dma_start3A_554[%dma_start3A_555, %dma_start3A_556] : memref<1024x768xf32, #tpu.memory_space<hbm>> -> memref<1024x768xf32, #tpu.memory_space<hbm>>
    tpu.enqueue_indirect_dma source(%dma_start3A_557 : memref<1024x768xf32, #tpu.memory_space<hbm>>) target(%arg8 : memref<64x768xf32, #tpu.memory_space<vmem>>) offsets(%arg7 : memref<64xi32, #tpu.memory_space<vmem>>) semaphore(%arg10 : memref<!tpu.dma_semaphore, #tpu.memory_space<semaphore_mem>>)
    %dma_wait3A_558 = arith.constant 0 : i32
    %dma_wait3A_559 = arith.constant 0 : i32
    %dma_wait3A_560 = tpu.memref_slice %arg2[%add3A, %dma_wait3A_558, %dma_wait3A_559] : memref<32x1024x768xf32, #tpu.memory_space<hbm>> -> memref<1x1024x768xf32, #tpu.memory_space<hbm>>
    %dma_wait3A_561 = tpu.memref_squeeze %dma_wait3A_560 : memref<1x1024x768xf32, #tpu.memory_space<hbm>> -> memref<1024x768xf32, #tpu.memory_space<hbm>>
    %dma_wait3A_562 = arith.constant 0 : i32
    %dma_wait3A_563 = arith.constant 0 : i32
    %dma_wait3A_564 = tpu.memref_slice %dma_wait3A_561[%dma_wait3A_562, %dma_wait3A_563] : memref<1024x768xf32, #tpu.memory_space<hbm>> -> memref<1024x768xf32, #tpu.memory_space<hbm>>
    tpu.wait_indirect_dma semaphore(%arg10 : memref<!tpu.dma_semaphore, #tpu.memory_space<semaphore_mem>>) src(%dma_wait3A_564 : memref<1024x768xf32, #tpu.memory_space<hbm>>) dst(%arg8 : memref<64x768xf32, #tpu.memory_space<vmem>>)
    %dma_start3A_565 = arith.constant 0 : i32
    %dma_start3A_566 = arith.constant 0 : i32
    %dma_start3A_567 = tpu.memref_slice %arg4[%add3A, %dma_start3A_565, %dma_start3A_566] : memref<32x1024x768xf32, #tpu.memory_space<hbm>> -> memref<1x1024x768xf32, #tpu.memory_space<hbm>>
    %dma_start3A_568 = tpu.memref_squeeze %dma_start3A_567 : memref<1x1024x768xf32, #tpu.memory_space<hbm>> -> memref<1024x768xf32, #tpu.memory_space<hbm>>
    %dma_start3A_569 = arith.constant 256 : i32
    %dma_start3A_570 = arith.constant 0 : i32
    %dma_start3A_571 = tpu.memref_slice %dma_start3A_568[%dma_start3A_569, %dma_start3A_570] : memref<1024x768xf32, #tpu.memory_space<hbm>> -> memref<64x768xf32, #tpu.memory_space<hbm>>
    %dma_start3A_572 = arith.constant 0 : i32
    %dma_start3A_573 = arith.constant 0 : i32
    %dma_start3A_574 = tpu.memref_slice %arg4[%add3A, %dma_start3A_572, %dma_start3A_573] : memref<32x1024x768xf32, #tpu.memory_space<hbm>> -> memref<1x1024x768xf32, #tpu.memory_space<hbm>>
    %dma_start3A_575 = tpu.memref_squeeze %dma_start3A_574 : memref<1x1024x768xf32, #tpu.memory_space<hbm>> -> memref<1024x768xf32, #tpu.memory_space<hbm>>
    %dma_start3A_576 = arith.constant 256 : i32
    %dma_start3A_577 = arith.constant 0 : i32
    %dma_start3A_578 = tpu.memref_slice %dma_start3A_575[%dma_start3A_576, %dma_start3A_577] : memref<1024x768xf32, #tpu.memory_space<hbm>> -> memref<64x768xf32, #tpu.memory_space<hbm>>
    tpu.enqueue_dma source(%arg8 : memref<64x768xf32, #tpu.memory_space<vmem>>) target(%dma_start3A_578 : memref<64x768xf32, #tpu.memory_space<hbm>>) target_semaphore(%arg12 : memref<!tpu.dma_semaphore, #tpu.memory_space<semaphore_mem>>)
    %dma_wait3A_579 = arith.constant 0 : i32
    %dma_wait3A_580 = arith.constant 0 : i32
    %dma_wait3A_581 = tpu.memref_slice %arg4[%add3A, %dma_wait3A_579, %dma_wait3A_580] : memref<32x1024x768xf32, #tpu.memory_space<hbm>> -> memref<1x1024x768xf32, #tpu.memory_space<hbm>>
    %dma_wait3A_582 = tpu.memref_squeeze %dma_wait3A_581 : memref<1x1024x768xf32, #tpu.memory_space<hbm>> -> memref<1024x768xf32, #tpu.memory_space<hbm>>
    %dma_wait3A_583 = arith.constant 192 : i32
    %dma_wait3A_584 = arith.constant 0 : i32
    %dma_wait3A_585 = tpu.memref_slice %dma_wait3A_582[%dma_wait3A_583, %dma_wait3A_584] : memref<1024x768xf32, #tpu.memory_space<hbm>> -> memref<64x768xf32, #tpu.memory_space<hbm>>
    %dma_wait3A_586 = arith.constant 0 : i32
    %dma_wait3A_587 = arith.constant 0 : i32
    %dma_wait3A_588 = tpu.memref_slice %arg4[%add3A, %dma_wait3A_586, %dma_wait3A_587] : memref<32x1024x768xf32, #tpu.memory_space<hbm>> -> memref<1x1024x768xf32, #tpu.memory_space<hbm>>
    %dma_wait3A_589 = tpu.memref_squeeze %dma_wait3A_588 : memref<1x1024x768xf32, #tpu.memory_space<hbm>> -> memref<1024x768xf32, #tpu.memory_space<hbm>>
    %dma_wait3A_590 = arith.constant 192 : i32
    %dma_wait3A_591 = arith.constant 0 : i32
    %dma_wait3A_592 = tpu.memref_slice %dma_wait3A_589[%dma_wait3A_590, %dma_wait3A_591] : memref<1024x768xf32, #tpu.memory_space<hbm>> -> memref<64x768xf32, #tpu.memory_space<hbm>>
    tpu.wait_dma2 semaphore(%arg13 : memref<!tpu.dma_semaphore, #tpu.memory_space<semaphore_mem>>) src(%arg9 : memref<64x768xf32, #tpu.memory_space<vmem>>) dst(%dma_wait3A_592 : memref<64x768xf32, #tpu.memory_space<hbm>>)
    %get3A_593 = arith.constant 320 : index
    %get3A_594 = tpu.vector_load %arg6[%get3A_593] {strides = array<i32>} : memref<1024xi32, #tpu.memory_space<vmem>>, vector<16xi32>,
    %swap3A_595 = arith.constant 0 : index
    %swap3A_596 = tpu.vector_load %arg7[%swap3A_595] {strides = array<i32>} : memref<64xi32, #tpu.memory_space<vmem>>, vector<16xi32>,
    tpu.vector_store %arg7[%swap3A_595], %get3A_594 {strides = array<i32>} : memref<64xi32, #tpu.memory_space<vmem>>, vector<16xi32>,
    %get3A_597 = arith.constant 336 : index
    %get3A_598 = tpu.vector_load %arg6[%get3A_597] {strides = array<i32>} : memref<1024xi32, #tpu.memory_space<vmem>>, vector<16xi32>,
    %swap3A_599 = arith.constant 16 : index
    %swap3A_600 = tpu.vector_load %arg7[%swap3A_599] {strides = array<i32>} : memref<64xi32, #tpu.memory_space<vmem>>, vector<16xi32>,
    tpu.vector_store %arg7[%swap3A_599], %get3A_598 {strides = array<i32>} : memref<64xi32, #tpu.memory_space<vmem>>, vector<16xi32>,
    %get3A_601 = arith.constant 352 : index
    %get3A_602 = tpu.vector_load %arg6[%get3A_601] {strides = array<i32>} : memref<1024xi32, #tpu.memory_space<vmem>>, vector<16xi32>,
    %swap3A_603 = arith.constant 32 : index
    %swap3A_604 = tpu.vector_load %arg7[%swap3A_603] {strides = array<i32>} : memref<64xi32, #tpu.memory_space<vmem>>, vector<16xi32>,
    tpu.vector_store %arg7[%swap3A_603], %get3A_602 {strides = array<i32>} : memref<64xi32, #tpu.memory_space<vmem>>, vector<16xi32>,
    %get3A_605 = arith.constant 368 : index
    %get3A_606 = tpu.vector_load %arg6[%get3A_605] {strides = array<i32>} : memref<1024xi32, #tpu.memory_space<vmem>>, vector<16xi32>,
    %swap3A_607 = arith.constant 48 : index
    %swap3A_608 = tpu.vector_load %arg7[%swap3A_607] {strides = array<i32>} : memref<64xi32, #tpu.memory_space<vmem>>, vector<16xi32>,
    tpu.vector_store %arg7[%swap3A_607], %get3A_606 {strides = array<i32>} : memref<64xi32, #tpu.memory_space<vmem>>, vector<16xi32>,
    %dma_start3A_609 = arith.constant 0 : i32
    %dma_start3A_610 = arith.constant 0 : i32
    %dma_start3A_611 = tpu.memref_slice %arg2[%add3A, %dma_start3A_609, %dma_start3A_610] : memref<32x1024x768xf32, #tpu.memory_space<hbm>> -> memref<1x1024x768xf32, #tpu.memory_space<hbm>>
    %dma_start3A_612 = tpu.memref_squeeze %dma_start3A_611 : memref<1x1024x768xf32, #tpu.memory_space<hbm>> -> memref<1024x768xf32, #tpu.memory_space<hbm>>
    %dma_start3A_613 = arith.constant 0 : i32
    %dma_start3A_614 = arith.constant 0 : i32
    %dma_start3A_615 = tpu.memref_slice %dma_start3A_612[%dma_start3A_613, %dma_start3A_614] : memref<1024x768xf32, #tpu.memory_space<hbm>> -> memref<1024x768xf32, #tpu.memory_space<hbm>>
    tpu.enqueue_indirect_dma source(%dma_start3A_615 : memref<1024x768xf32, #tpu.memory_space<hbm>>) target(%arg9 : memref<64x768xf32, #tpu.memory_space<vmem>>) offsets(%arg7 : memref<64xi32, #tpu.memory_space<vmem>>) semaphore(%arg11 : memref<!tpu.dma_semaphore, #tpu.memory_space<semaphore_mem>>)
    %dma_wait3A_616 = arith.constant 0 : i32
    %dma_wait3A_617 = arith.constant 0 : i32
    %dma_wait3A_618 = tpu.memref_slice %arg2[%add3A, %dma_wait3A_616, %dma_wait3A_617] : memref<32x1024x768xf32, #tpu.memory_space<hbm>> -> memref<1x1024x768xf32, #tpu.memory_space<hbm>>
    %dma_wait3A_619 = tpu.memref_squeeze %dma_wait3A_618 : memref<1x1024x768xf32, #tpu.memory_space<hbm>> -> memref<1024x768xf32, #tpu.memory_space<hbm>>
    %dma_wait3A_620 = arith.constant 0 : i32
    %dma_wait3A_621 = arith.constant 0 : i32
    %dma_wait3A_622 = tpu.memref_slice %dma_wait3A_619[%dma_wait3A_620, %dma_wait3A_621] : memref<1024x768xf32, #tpu.memory_space<hbm>> -> memref<1024x768xf32, #tpu.memory_space<hbm>>
    tpu.wait_indirect_dma semaphore(%arg11 : memref<!tpu.dma_semaphore, #tpu.memory_space<semaphore_mem>>) src(%dma_wait3A_622 : memref<1024x768xf32, #tpu.memory_space<hbm>>) dst(%arg9 : memref<64x768xf32, #tpu.memory_space<vmem>>)
    %dma_start3A_623 = arith.constant 0 : i32
    %dma_start3A_624 = arith.constant 0 : i32
    %dma_start3A_625 = tpu.memref_slice %arg4[%add3A, %dma_start3A_623, %dma_start3A_624] : memref<32x1024x768xf32, #tpu.memory_space<hbm>> -> memref<1x1024x768xf32, #tpu.memory_space<hbm>>
    %dma_start3A_626 = tpu.memref_squeeze %dma_start3A_625 : memref<1x1024x768xf32, #tpu.memory_space<hbm>> -> memref<1024x768xf32, #tpu.memory_space<hbm>>
    %dma_start3A_627 = arith.constant 320 : i32
    %dma_start3A_628 = arith.constant 0 : i32
    %dma_start3A_629 = tpu.memref_slice %dma_start3A_626[%dma_start3A_627, %dma_start3A_628] : memref<1024x768xf32, #tpu.memory_space<hbm>> -> memref<64x768xf32, #tpu.memory_space<hbm>>
    %dma_start3A_630 = arith.constant 0 : i32
    %dma_start3A_631 = arith.constant 0 : i32
    %dma_start3A_632 = tpu.memref_slice %arg4[%add3A, %dma_start3A_630, %dma_start3A_631] : memref<32x1024x768xf32, #tpu.memory_space<hbm>> -> memref<1x1024x768xf32, #tpu.memory_space<hbm>>
    %dma_start3A_633 = tpu.memref_squeeze %dma_start3A_632 : memref<1x1024x768xf32, #tpu.memory_space<hbm>> -> memref<1024x768xf32, #tpu.memory_space<hbm>>
    %dma_start3A_634 = arith.constant 320 : i32
    %dma_start3A_635 = arith.constant 0 : i32
    %dma_start3A_636 = tpu.memref_slice %dma_start3A_633[%dma_start3A_634, %dma_start3A_635] : memref<1024x768xf32, #tpu.memory_space<hbm>> -> memref<64x768xf32, #tpu.memory_space<hbm>>
    tpu.enqueue_dma source(%arg9 : memref<64x768xf32, #tpu.memory_space<vmem>>) target(%dma_start3A_636 : memref<64x768xf32, #tpu.memory_space<hbm>>) target_semaphore(%arg13 : memref<!tpu.dma_semaphore, #tpu.memory_space<semaphore_mem>>)
    %dma_wait3A_637 = arith.constant 0 : i32
    %dma_wait3A_638 = arith.constant 0 : i32
    %dma_wait3A_639 = tpu.memref_slice %arg4[%add3A, %dma_wait3A_637, %dma_wait3A_638] : memref<32x1024x768xf32, #tpu.memory_space<hbm>> -> memref<1x1024x768xf32, #tpu.memory_space<hbm>>
    %dma_wait3A_640 = tpu.memref_squeeze %dma_wait3A_639 : memref<1x1024x768xf32, #tpu.memory_space<hbm>> -> memref<1024x768xf32, #tpu.memory_space<hbm>>
    %dma_wait3A_641 = arith.constant 256 : i32
    %dma_wait3A_642 = arith.constant 0 : i32
    %dma_wait3A_643 = tpu.memref_slice %dma_wait3A_640[%dma_wait3A_641, %dma_wait3A_642] : memref<1024x768xf32, #tpu.memory_space<hbm>> -> memref<64x768xf32, #tpu.memory_space<hbm>>
    %dma_wait3A_644 = arith.constant 0 : i32
    %dma_wait3A_645 = arith.constant 0 : i32
    %dma_wait3A_646 = tpu.memref_slice %arg4[%add3A, %dma_wait3A_644, %dma_wait3A_645] : memref<32x1024x768xf32, #tpu.memory_space<hbm>> -> memref<1x1024x768xf32, #tpu.memory_space<hbm>>
    %dma_wait3A_647 = tpu.memref_squeeze %dma_wait3A_646 : memref<1x1024x768xf32, #tpu.memory_space<hbm>> -> memref<1024x768xf32, #tpu.memory_space<hbm>>
    %dma_wait3A_648 = arith.constant 256 : i32
    %dma_wait3A_649 = arith.constant 0 : i32
    %dma_wait3A_650 = tpu.memref_slice %dma_wait3A_647[%dma_wait3A_648, %dma_wait3A_649] : memref<1024x768xf32, #tpu.memory_space<hbm>> -> memref<64x768xf32, #tpu.memory_space<hbm>>
    tpu.wait_dma2 semaphore(%arg12 : memref<!tpu.dma_semaphore, #tpu.memory_space<semaphore_mem>>) src(%arg8 : memref<64x768xf32, #tpu.memory_space<vmem>>) dst(%dma_wait3A_650 : memref<64x768xf32, #tpu.memory_space<hbm>>)
    %get3A_651 = arith.constant 384 : index
    %get3A_652 = tpu.vector_load %arg6[%get3A_651] {strides = array<i32>} : memref<1024xi32, #tpu.memory_space<vmem>>, vector<16xi32>,
    %swap3A_653 = arith.constant 0 : index
    %swap3A_654 = tpu.vector_load %arg7[%swap3A_653] {strides = array<i32>} : memref<64xi32, #tpu.memory_space<vmem>>, vector<16xi32>,
    tpu.vector_store %arg7[%swap3A_653], %get3A_652 {strides = array<i32>} : memref<64xi32, #tpu.memory_space<vmem>>, vector<16xi32>,
    %get3A_655 = arith.constant 400 : index
    %get3A_656 = tpu.vector_load %arg6[%get3A_655] {strides = array<i32>} : memref<1024xi32, #tpu.memory_space<vmem>>, vector<16xi32>,
    %swap3A_657 = arith.constant 16 : index
    %swap3A_658 = tpu.vector_load %arg7[%swap3A_657] {strides = array<i32>} : memref<64xi32, #tpu.memory_space<vmem>>, vector<16xi32>,
    tpu.vector_store %arg7[%swap3A_657], %get3A_656 {strides = array<i32>} : memref<64xi32, #tpu.memory_space<vmem>>, vector<16xi32>,
    %get3A_659 = arith.constant 416 : index
    %get3A_660 = tpu.vector_load %arg6[%get3A_659] {strides = array<i32>} : memref<1024xi32, #tpu.memory_space<vmem>>, vector<16xi32>,
    %swap3A_661 = arith.constant 32 : index
    %swap3A_662 = tpu.vector_load %arg7[%swap3A_661] {strides = array<i32>} : memref<64xi32, #tpu.memory_space<vmem>>, vector<16xi32>,
    tpu.vector_store %arg7[%swap3A_661], %get3A_660 {strides = array<i32>} : memref<64xi32, #tpu.memory_space<vmem>>, vector<16xi32>,
    %get3A_663 = arith.constant 432 : index
    %get3A_664 = tpu.vector_load %arg6[%get3A_663] {strides = array<i32>} : memref<1024xi32, #tpu.memory_space<vmem>>, vector<16xi32>,
    %swap3A_665 = arith.constant 48 : index
    %swap3A_666 = tpu.vector_load %arg7[%swap3A_665] {strides = array<i32>} : memref<64xi32, #tpu.memory_space<vmem>>, vector<16xi32>,
    tpu.vector_store %arg7[%swap3A_665], %get3A_664 {strides = array<i32>} : memref<64xi32, #tpu.memory_space<vmem>>, vector<16xi32>,
    %dma_start3A_667 = arith.constant 0 : i32
    %dma_start3A_668 = arith.constant 0 : i32
    %dma_start3A_669 = tpu.memref_slice %arg2[%add3A, %dma_start3A_667, %dma_start3A_668] : memref<32x1024x768xf32, #tpu.memory_space<hbm>> -> memref<1x1024x768xf32, #tpu.memory_space<hbm>>
    %dma_start3A_670 = tpu.memref_squeeze %dma_start3A_669 : memref<1x1024x768xf32, #tpu.memory_space<hbm>> -> memref<1024x768xf32, #tpu.memory_space<hbm>>
    %dma_start3A_671 = arith.constant 0 : i32
    %dma_start3A_672 = arith.constant 0 : i32
    %dma_start3A_673 = tpu.memref_slice %dma_start3A_670[%dma_start3A_671, %dma_start3A_672] : memref<1024x768xf32, #tpu.memory_space<hbm>> -> memref<1024x768xf32, #tpu.memory_space<hbm>>
    tpu.enqueue_indirect_dma source(%dma_start3A_673 : memref<1024x768xf32, #tpu.memory_space<hbm>>) target(%arg8 : memref<64x768xf32, #tpu.memory_space<vmem>>) offsets(%arg7 : memref<64xi32, #tpu.memory_space<vmem>>) semaphore(%arg10 : memref<!tpu.dma_semaphore, #tpu.memory_space<semaphore_mem>>)
    %dma_wait3A_674 = arith.constant 0 : i32
    %dma_wait3A_675 = arith.constant 0 : i32
    %dma_wait3A_676 = tpu.memref_slice %arg2[%add3A, %dma_wait3A_674, %dma_wait3A_675] : memref<32x1024x768xf32, #tpu.memory_space<hbm>> -> memref<1x1024x768xf32, #tpu.memory_space<hbm>>
    %dma_wait3A_677 = tpu.memref_squeeze %dma_wait3A_676 : memref<1x1024x768xf32, #tpu.memory_space<hbm>> -> memref<1024x768xf32, #tpu.memory_space<hbm>>
    %dma_wait3A_678 = arith.constant 0 : i32
    %dma_wait3A_679 = arith.constant 0 : i32
    %dma_wait3A_680 = tpu.memref_slice %dma_wait3A_677[%dma_wait3A_678, %dma_wait3A_679] : memref<1024x768xf32, #tpu.memory_space<hbm>> -> memref<1024x768xf32, #tpu.memory_space<hbm>>
    tpu.wait_indirect_dma semaphore(%arg10 : memref<!tpu.dma_semaphore, #tpu.memory_space<semaphore_mem>>) src(%dma_wait3A_680 : memref<1024x768xf32, #tpu.memory_space<hbm>>) dst(%arg8 : memref<64x768xf32, #tpu.memory_space<vmem>>)
    %dma_start3A_681 = arith.constant 0 : i32
    %dma_start3A_682 = arith.constant 0 : i32
    %dma_start3A_683 = tpu.memref_slice %arg4[%add3A, %dma_start3A_681, %dma_start3A_682] : memref<32x1024x768xf32, #tpu.memory_space<hbm>> -> memref<1x1024x768xf32, #tpu.memory_space<hbm>>
    %dma_start3A_684 = tpu.memref_squeeze %dma_start3A_683 : memref<1x1024x768xf32, #tpu.memory_space<hbm>> -> memref<1024x768xf32, #tpu.memory_space<hbm>>
    %dma_start3A_685 = arith.constant 384 : i32
    %dma_start3A_686 = arith.constant 0 : i32
    %dma_start3A_687 = tpu.memref_slice %dma_start3A_684[%dma_start3A_685, %dma_start3A_686] : memref<1024x768xf32, #tpu.memory_space<hbm>> -> memref<64x768xf32, #tpu.memory_space<hbm>>
    %dma_start3A_688 = arith.constant 0 : i32
    %dma_start3A_689 = arith.constant 0 : i32
    %dma_start3A_690 = tpu.memref_slice %arg4[%add3A, %dma_start3A_688, %dma_start3A_689] : memref<32x1024x768xf32, #tpu.memory_space<hbm>> -> memref<1x1024x768xf32, #tpu.memory_space<hbm>>
    %dma_start3A_691 = tpu.memref_squeeze %dma_start3A_690 : memref<1x1024x768xf32, #tpu.memory_space<hbm>> -> memref<1024x768xf32, #tpu.memory_space<hbm>>
    %dma_start3A_692 = arith.constant 384 : i32
    %dma_start3A_693 = arith.constant 0 : i32
    %dma_start3A_694 = tpu.memref_slice %dma_start3A_691[%dma_start3A_692, %dma_start3A_693] : memref<1024x768xf32, #tpu.memory_space<hbm>> -> memref<64x768xf32, #tpu.memory_space<hbm>>
    tpu.enqueue_dma source(%arg8 : memref<64x768xf32, #tpu.memory_space<vmem>>) target(%dma_start3A_694 : memref<64x768xf32, #tpu.memory_space<hbm>>) target_semaphore(%arg12 : memref<!tpu.dma_semaphore, #tpu.memory_space<semaphore_mem>>)
    %dma_wait3A_695 = arith.constant 0 : i32
    %dma_wait3A_696 = arith.constant 0 : i32
    %dma_wait3A_697 = tpu.memref_slice %arg4[%add3A, %dma_wait3A_695, %dma_wait3A_696] : memref<32x1024x768xf32, #tpu.memory_space<hbm>> -> memref<1x1024x768xf32, #tpu.memory_space<hbm>>
    %dma_wait3A_698 = tpu.memref_squeeze %dma_wait3A_697 : memref<1x1024x768xf32, #tpu.memory_space<hbm>> -> memref<1024x768xf32, #tpu.memory_space<hbm>>
    %dma_wait3A_699 = arith.constant 320 : i32
    %dma_wait3A_700 = arith.constant 0 : i32
    %dma_wait3A_701 = tpu.memref_slice %dma_wait3A_698[%dma_wait3A_699, %dma_wait3A_700] : memref<1024x768xf32, #tpu.memory_space<hbm>> -> memref<64x768xf32, #tpu.memory_space<hbm>>
    %dma_wait3A_702 = arith.constant 0 : i32
    %dma_wait3A_703 = arith.constant 0 : i32
    %dma_wait3A_704 = tpu.memref_slice %arg4[%add3A, %dma_wait3A_702, %dma_wait3A_703] : memref<32x1024x768xf32, #tpu.memory_space<hbm>> -> memref<1x1024x768xf32, #tpu.memory_space<hbm>>
    %dma_wait3A_705 = tpu.memref_squeeze %dma_wait3A_704 : memref<1x1024x768xf32, #tpu.memory_space<hbm>> -> memref<1024x768xf32, #tpu.memory_space<hbm>>
    %dma_wait3A_706 = arith.constant 320 : i32
    %dma_wait3A_707 = arith.constant 0 : i32
    %dma_wait3A_708 = tpu.memref_slice %dma_wait3A_705[%dma_wait3A_706, %dma_wait3A_707] : memref<1024x768xf32, #tpu.memory_space<hbm>> -> memref<64x768xf32, #tpu.memory_space<hbm>>
    tpu.wait_dma2 semaphore(%arg13 : memref<!tpu.dma_semaphore, #tpu.memory_space<semaphore_mem>>) src(%arg9 : memref<64x768xf32, #tpu.memory_space<vmem>>) dst(%dma_wait3A_708 : memref<64x768xf32, #tpu.memory_space<hbm>>)
    %get3A_709 = arith.constant 448 : index
    %get3A_710 = tpu.vector_load %arg6[%get3A_709] {strides = array<i32>} : memref<1024xi32, #tpu.memory_space<vmem>>, vector<16xi32>,
    %swap3A_711 = arith.constant 0 : index
    %swap3A_712 = tpu.vector_load %arg7[%swap3A_711] {strides = array<i32>} : memref<64xi32, #tpu.memory_space<vmem>>, vector<16xi32>,
    tpu.vector_store %arg7[%swap3A_711], %get3A_710 {strides = array<i32>} : memref<64xi32, #tpu.memory_space<vmem>>, vector<16xi32>,
    %get3A_713 = arith.constant 464 : index
    %get3A_714 = tpu.vector_load %arg6[%get3A_713] {strides = array<i32>} : memref<1024xi32, #tpu.memory_space<vmem>>, vector<16xi32>,
    %swap3A_715 = arith.constant 16 : index
    %swap3A_716 = tpu.vector_load %arg7[%swap3A_715] {strides = array<i32>} : memref<64xi32, #tpu.memory_space<vmem>>, vector<16xi32>,
    tpu.vector_store %arg7[%swap3A_715], %get3A_714 {strides = array<i32>} : memref<64xi32, #tpu.memory_space<vmem>>, vector<16xi32>,
    %get3A_717 = arith.constant 480 : index
    %get3A_718 = tpu.vector_load %arg6[%get3A_717] {strides = array<i32>} : memref<1024xi32, #tpu.memory_space<vmem>>, vector<16xi32>,
    %swap3A_719 = arith.constant 32 : index
    %swap3A_720 = tpu.vector_load %arg7[%swap3A_719] {strides = array<i32>} : memref<64xi32, #tpu.memory_space<vmem>>, vector<16xi32>,
    tpu.vector_store %arg7[%swap3A_719], %get3A_718 {strides = array<i32>} : memref<64xi32, #tpu.memory_space<vmem>>, vector<16xi32>,
    %get3A_721 = arith.constant 496 : index
    %get3A_722 = tpu.vector_load %arg6[%get3A_721] {strides = array<i32>} : memref<1024xi32, #tpu.memory_space<vmem>>, vector<16xi32>,
    %swap3A_723 = arith.constant 48 : index
    %swap3A_724 = tpu.vector_load %arg7[%swap3A_723] {strides = array<i32>} : memref<64xi32, #tpu.memory_space<vmem>>, vector<16xi32>,
    tpu.vector_store %arg7[%swap3A_723], %get3A_722 {strides = array<i32>} : memref<64xi32, #tpu.memory_space<vmem>>, vector<16xi32>,
    %dma_start3A_725 = arith.constant 0 : i32
    %dma_start3A_726 = arith.constant 0 : i32
    %dma_start3A_727 = tpu.memref_slice %arg2[%add3A, %dma_start3A_725, %dma_start3A_726] : memref<32x1024x768xf32, #tpu.memory_space<hbm>> -> memref<1x1024x768xf32, #tpu.memory_space<hbm>>
    %dma_start3A_728 = tpu.memref_squeeze %dma_start3A_727 : memref<1x1024x768xf32, #tpu.memory_space<hbm>> -> memref<1024x768xf32, #tpu.memory_space<hbm>>
    %dma_start3A_729 = arith.constant 0 : i32
    %dma_start3A_730 = arith.constant 0 : i32
    %dma_start3A_731 = tpu.memref_slice %dma_start3A_728[%dma_start3A_729, %dma_start3A_730] : memref<1024x768xf32, #tpu.memory_space<hbm>> -> memref<1024x768xf32, #tpu.memory_space<hbm>>
    tpu.enqueue_indirect_dma source(%dma_start3A_731 : memref<1024x768xf32, #tpu.memory_space<hbm>>) target(%arg9 : memref<64x768xf32, #tpu.memory_space<vmem>>) offsets(%arg7 : memref<64xi32, #tpu.memory_space<vmem>>) semaphore(%arg11 : memref<!tpu.dma_semaphore, #tpu.memory_space<semaphore_mem>>)
    %dma_wait3A_732 = arith.constant 0 : i32
    %dma_wait3A_733 = arith.constant 0 : i32
    %dma_wait3A_734 = tpu.memref_slice %arg2[%add3A, %dma_wait3A_732, %dma_wait3A_733] : memref<32x1024x768xf32, #tpu.memory_space<hbm>> -> memref<1x1024x768xf32, #tpu.memory_space<hbm>>
    %dma_wait3A_735 = tpu.memref_squeeze %dma_wait3A_734 : memref<1x1024x768xf32, #tpu.memory_space<hbm>> -> memref<1024x768xf32, #tpu.memory_space<hbm>>
    %dma_wait3A_736 = arith.constant 0 : i32
    %dma_wait3A_737 = arith.constant 0 : i32
    %dma_wait3A_738 = tpu.memref_slice %dma_wait3A_735[%dma_wait3A_736, %dma_wait3A_737] : memref<1024x768xf32, #tpu.memory_space<hbm>> -> memref<1024x768xf32, #tpu.memory_space<hbm>>
    tpu.wait_indirect_dma semaphore(%arg11 : memref<!tpu.dma_semaphore, #tpu.memory_space<semaphore_mem>>) src(%dma_wait3A_738 : memref<1024x768xf32, #tpu.memory_space<hbm>>) dst(%arg9 : memref<64x768xf32, #tpu.memory_space<vmem>>)
    %dma_start3A_739 = arith.constant 0 : i32
    %dma_start3A_740 = arith.constant 0 : i32
    %dma_start3A_741 = tpu.memref_slice %arg4[%add3A, %dma_start3A_739, %dma_start3A_740] : memref<32x1024x768xf32, #tpu.memory_space<hbm>> -> memref<1x1024x768xf32, #tpu.memory_space<hbm>>
    %dma_start3A_742 = tpu.memref_squeeze %dma_start3A_741 : memref<1x1024x768xf32, #tpu.memory_space<hbm>> -> memref<1024x768xf32, #tpu.memory_space<hbm>>
    %dma_start3A_743 = arith.constant 448 : i32
    %dma_start3A_744 = arith.constant 0 : i32
    %dma_start3A_745 = tpu.memref_slice %dma_start3A_742[%dma_start3A_743, %dma_start3A_744] : memref<1024x768xf32, #tpu.memory_space<hbm>> -> memref<64x768xf32, #tpu.memory_space<hbm>>
    %dma_start3A_746 = arith.constant 0 : i32
    %dma_start3A_747 = arith.constant 0 : i32
    %dma_start3A_748 = tpu.memref_slice %arg4[%add3A, %dma_start3A_746, %dma_start3A_747] : memref<32x1024x768xf32, #tpu.memory_space<hbm>> -> memref<1x1024x768xf32, #tpu.memory_space<hbm>>
    %dma_start3A_749 = tpu.memref_squeeze %dma_start3A_748 : memref<1x1024x768xf32, #tpu.memory_space<hbm>> -> memref<1024x768xf32, #tpu.memory_space<hbm>>
    %dma_start3A_750 = arith.constant 448 : i32
    %dma_start3A_751 = arith.constant 0 : i32
    %dma_start3A_752 = tpu.memref_slice %dma_start3A_749[%dma_start3A_750, %dma_start3A_751] : memref<1024x768xf32, #tpu.memory_space<hbm>> -> memref<64x768xf32, #tpu.memory_space<hbm>>
    tpu.enqueue_dma source(%arg9 : memref<64x768xf32, #tpu.memory_space<vmem>>) target(%dma_start3A_752 : memref<64x768xf32, #tpu.memory_space<hbm>>) target_semaphore(%arg13 : memref<!tpu.dma_semaphore, #tpu.memory_space<semaphore_mem>>)
    %dma_wait3A_753 = arith.constant 0 : i32
    %dma_wait3A_754 = arith.constant 0 : i32
    %dma_wait3A_755 = tpu.memref_slice %arg4[%add3A, %dma_wait3A_753, %dma_wait3A_754] : memref<32x1024x768xf32, #tpu.memory_space<hbm>> -> memref<1x1024x768xf32, #tpu.memory_space<hbm>>
    %dma_wait3A_756 = tpu.memref_squeeze %dma_wait3A_755 : memref<1x1024x768xf32, #tpu.memory_space<hbm>> -> memref<1024x768xf32, #tpu.memory_space<hbm>>
    %dma_wait3A_757 = arith.constant 384 : i32
    %dma_wait3A_758 = arith.constant 0 : i32
    %dma_wait3A_759 = tpu.memref_slice %dma_wait3A_756[%dma_wait3A_757, %dma_wait3A_758] : memref<1024x768xf32, #tpu.memory_space<hbm>> -> memref<64x768xf32, #tpu.memory_space<hbm>>
    %dma_wait3A_760 = arith.constant 0 : i32
    %dma_wait3A_761 = arith.constant 0 : i32
    %dma_wait3A_762 = tpu.memref_slice %arg4[%add3A, %dma_wait3A_760, %dma_wait3A_761] : memref<32x1024x768xf32, #tpu.memory_space<hbm>> -> memref<1x1024x768xf32, #tpu.memory_space<hbm>>
    %dma_wait3A_763 = tpu.memref_squeeze %dma_wait3A_762 : memref<1x1024x768xf32, #tpu.memory_space<hbm>> -> memref<1024x768xf32, #tpu.memory_space<hbm>>
    %dma_wait3A_764 = arith.constant 384 : i32
    %dma_wait3A_765 = arith.constant 0 : i32
    %dma_wait3A_766 = tpu.memref_slice %dma_wait3A_763[%dma_wait3A_764, %dma_wait3A_765] : memref<1024x768xf32, #tpu.memory_space<hbm>> -> memref<64x768xf32, #tpu.memory_space<hbm>>
    tpu.wait_dma2 semaphore(%arg12 : memref<!tpu.dma_semaphore, #tpu.memory_space<semaphore_mem>>) src(%arg8 : memref<64x768xf32, #tpu.memory_space<vmem>>) dst(%dma_wait3A_766 : memref<64x768xf32, #tpu.memory_space<hbm>>)
    %get3A_767 = arith.constant 512 : index
    %get3A_768 = tpu.vector_load %arg6[%get3A_767] {strides = array<i32>} : memref<1024xi32, #tpu.memory_space<vmem>>, vector<16xi32>,
    %swap3A_769 = arith.constant 0 : index
    %swap3A_770 = tpu.vector_load %arg7[%swap3A_769] {strides = array<i32>} : memref<64xi32, #tpu.memory_space<vmem>>, vector<16xi32>,
    tpu.vector_store %arg7[%swap3A_769], %get3A_768 {strides = array<i32>} : memref<64xi32, #tpu.memory_space<vmem>>, vector<16xi32>,
    %get3A_771 = arith.constant 528 : index
    %get3A_772 = tpu.vector_load %arg6[%get3A_771] {strides = array<i32>} : memref<1024xi32, #tpu.memory_space<vmem>>, vector<16xi32>,
    %swap3A_773 = arith.constant 16 : index
    %swap3A_774 = tpu.vector_load %arg7[%swap3A_773] {strides = array<i32>} : memref<64xi32, #tpu.memory_space<vmem>>, vector<16xi32>,
    tpu.vector_store %arg7[%swap3A_773], %get3A_772 {strides = array<i32>} : memref<64xi32, #tpu.memory_space<vmem>>, vector<16xi32>,
    %get3A_775 = arith.constant 544 : index
    %get3A_776 = tpu.vector_load %arg6[%get3A_775] {strides = array<i32>} : memref<1024xi32, #tpu.memory_space<vmem>>, vector<16xi32>,
    %swap3A_777 = arith.constant 32 : index
    %swap3A_778 = tpu.vector_load %arg7[%swap3A_777] {strides = array<i32>} : memref<64xi32, #tpu.memory_space<vmem>>, vector<16xi32>,
    tpu.vector_store %arg7[%swap3A_777], %get3A_776 {strides = array<i32>} : memref<64xi32, #tpu.memory_space<vmem>>, vector<16xi32>,
    %get3A_779 = arith.constant 560 : index
    %get3A_780 = tpu.vector_load %arg6[%get3A_779] {strides = array<i32>} : memref<1024xi32, #tpu.memory_space<vmem>>, vector<16xi32>,
    %swap3A_781 = arith.constant 48 : index
    %swap3A_782 = tpu.vector_load %arg7[%swap3A_781] {strides = array<i32>} : memref<64xi32, #tpu.memory_space<vmem>>, vector<16xi32>,
    tpu.vector_store %arg7[%swap3A_781], %get3A_780 {strides = array<i32>} : memref<64xi32, #tpu.memory_space<vmem>>, vector<16xi32>,
    %dma_start3A_783 = arith.constant 0 : i32
    %dma_start3A_784 = arith.constant 0 : i32
    %dma_start3A_785 = tpu.memref_slice %arg2[%add3A, %dma_start3A_783, %dma_start3A_784] : memref<32x1024x768xf32, #tpu.memory_space<hbm>> -> memref<1x1024x768xf32, #tpu.memory_space<hbm>>
    %dma_start3A_786 = tpu.memref_squeeze %dma_start3A_785 : memref<1x1024x768xf32, #tpu.memory_space<hbm>> -> memref<1024x768xf32, #tpu.memory_space<hbm>>
    %dma_start3A_787 = arith.constant 0 : i32
    %dma_start3A_788 = arith.constant 0 : i32
    %dma_start3A_789 = tpu.memref_slice %dma_start3A_786[%dma_start3A_787, %dma_start3A_788] : memref<1024x768xf32, #tpu.memory_space<hbm>> -> memref<1024x768xf32, #tpu.memory_space<hbm>>
    tpu.enqueue_indirect_dma source(%dma_start3A_789 : memref<1024x768xf32, #tpu.memory_space<hbm>>) target(%arg8 : memref<64x768xf32, #tpu.memory_space<vmem>>) offsets(%arg7 : memref<64xi32, #tpu.memory_space<vmem>>) semaphore(%arg10 : memref<!tpu.dma_semaphore, #tpu.memory_space<semaphore_mem>>)
    %dma_wait3A_790 = arith.constant 0 : i32
    %dma_wait3A_791 = arith.constant 0 : i32
    %dma_wait3A_792 = tpu.memref_slice %arg2[%add3A, %dma_wait3A_790, %dma_wait3A_791] : memref<32x1024x768xf32, #tpu.memory_space<hbm>> -> memref<1x1024x768xf32, #tpu.memory_space<hbm>>
    %dma_wait3A_793 = tpu.memref_squeeze %dma_wait3A_792 : memref<1x1024x768xf32, #tpu.memory_space<hbm>> -> memref<1024x768xf32, #tpu.memory_space<hbm>>
    %dma_wait3A_794 = arith.constant 0 : i32
    %dma_wait3A_795 = arith.constant 0 : i32
    %dma_wait3A_796 = tpu.memref_slice %dma_wait3A_793[%dma_wait3A_794, %dma_wait3A_795] : memref<1024x768xf32, #tpu.memory_space<hbm>> -> memref<1024x768xf32, #tpu.memory_space<hbm>>
    tpu.wait_indirect_dma semaphore(%arg10 : memref<!tpu.dma_semaphore, #tpu.memory_space<semaphore_mem>>) src(%dma_wait3A_796 : memref<1024x768xf32, #tpu.memory_space<hbm>>) dst(%arg8 : memref<64x768xf32, #tpu.memory_space<vmem>>)
    %dma_start3A_797 = arith.constant 0 : i32
    %dma_start3A_798 = arith.constant 0 : i32
    %dma_start3A_799 = tpu.memref_slice %arg4[%add3A, %dma_start3A_797, %dma_start3A_798] : memref<32x1024x768xf32, #tpu.memory_space<hbm>> -> memref<1x1024x768xf32, #tpu.memory_space<hbm>>
    %dma_start3A_800 = tpu.memref_squeeze %dma_start3A_799 : memref<1x1024x768xf32, #tpu.memory_space<hbm>> -> memref<1024x768xf32, #tpu.memory_space<hbm>>
    %dma_start3A_801 = arith.constant 512 : i32
    %dma_start3A_802 = arith.constant 0 : i32
    %dma_start3A_803 = tpu.memref_slice %dma_start3A_800[%dma_start3A_801, %dma_start3A_802] : memref<1024x768xf32, #tpu.memory_space<hbm>> -> memref<64x768xf32, #tpu.memory_space<hbm>>
    %dma_start3A_804 = arith.constant 0 : i32
    %dma_start3A_805 = arith.constant 0 : i32
    %dma_start3A_806 = tpu.memref_slice %arg4[%add3A, %dma_start3A_804, %dma_start3A_805] : memref<32x1024x768xf32, #tpu.memory_space<hbm>> -> memref<1x1024x768xf32, #tpu.memory_space<hbm>>
    %dma_start3A_807 = tpu.memref_squeeze %dma_start3A_806 : memref<1x1024x768xf32, #tpu.memory_space<hbm>> -> memref<1024x768xf32, #tpu.memory_space<hbm>>
    %dma_start3A_808 = arith.constant 512 : i32
    %dma_start3A_809 = arith.constant 0 : i32
    %dma_start3A_810 = tpu.memref_slice %dma_start3A_807[%dma_start3A_808, %dma_start3A_809] : memref<1024x768xf32, #tpu.memory_space<hbm>> -> memref<64x768xf32, #tpu.memory_space<hbm>>
    tpu.enqueue_dma source(%arg8 : memref<64x768xf32, #tpu.memory_space<vmem>>) target(%dma_start3A_810 : memref<64x768xf32, #tpu.memory_space<hbm>>) target_semaphore(%arg12 : memref<!tpu.dma_semaphore, #tpu.memory_space<semaphore_mem>>)
    %dma_wait3A_811 = arith.constant 0 : i32
    %dma_wait3A_812 = arith.constant 0 : i32
    %dma_wait3A_813 = tpu.memref_slice %arg4[%add3A, %dma_wait3A_811, %dma_wait3A_812] : memref<32x1024x768xf32, #tpu.memory_space<hbm>> -> memref<1x1024x768xf32, #tpu.memory_space<hbm>>
    %dma_wait3A_814 = tpu.memref_squeeze %dma_wait3A_813 : memref<1x1024x768xf32, #tpu.memory_space<hbm>> -> memref<1024x768xf32, #tpu.memory_space<hbm>>
    %dma_wait3A_815 = arith.constant 448 : i32
    %dma_wait3A_816 = arith.constant 0 : i32
    %dma_wait3A_817 = tpu.memref_slice %dma_wait3A_814[%dma_wait3A_815, %dma_wait3A_816] : memref<1024x768xf32, #tpu.memory_space<hbm>> -> memref<64x768xf32, #tpu.memory_space<hbm>>
    %dma_wait3A_818 = arith.constant 0 : i32
    %dma_wait3A_819 = arith.constant 0 : i32
    %dma_wait3A_820 = tpu.memref_slice %arg4[%add3A, %dma_wait3A_818, %dma_wait3A_819] : memref<32x1024x768xf32, #tpu.memory_space<hbm>> -> memref<1x1024x768xf32, #tpu.memory_space<hbm>>
    %dma_wait3A_821 = tpu.memref_squeeze %dma_wait3A_820 : memref<1x1024x768xf32, #tpu.memory_space<hbm>> -> memref<1024x768xf32, #tpu.memory_space<hbm>>
    %dma_wait3A_822 = arith.constant 448 : i32
    %dma_wait3A_823 = arith.constant 0 : i32
    %dma_wait3A_824 = tpu.memref_slice %dma_wait3A_821[%dma_wait3A_822, %dma_wait3A_823] : memref<1024x768xf32, #tpu.memory_space<hbm>> -> memref<64x768xf32, #tpu.memory_space<hbm>>
    tpu.wait_dma2 semaphore(%arg13 : memref<!tpu.dma_semaphore, #tpu.memory_space<semaphore_mem>>) src(%arg9 : memref<64x768xf32, #tpu.memory_space<vmem>>) dst(%dma_wait3A_824 : memref<64x768xf32, #tpu.memory_space<hbm>>)
    %get3A_825 = arith.constant 576 : index
    %get3A_826 = tpu.vector_load %arg6[%get3A_825] {strides = array<i32>} : memref<1024xi32, #tpu.memory_space<vmem>>, vector<16xi32>,
    %swap3A_827 = arith.constant 0 : index
    %swap3A_828 = tpu.vector_load %arg7[%swap3A_827] {strides = array<i32>} : memref<64xi32, #tpu.memory_space<vmem>>, vector<16xi32>,
    tpu.vector_store %arg7[%swap3A_827], %get3A_826 {strides = array<i32>} : memref<64xi32, #tpu.memory_space<vmem>>, vector<16xi32>,
    %get3A_829 = arith.constant 592 : index
    %get3A_830 = tpu.vector_load %arg6[%get3A_829] {strides = array<i32>} : memref<1024xi32, #tpu.memory_space<vmem>>, vector<16xi32>,
    %swap3A_831 = arith.constant 16 : index
    %swap3A_832 = tpu.vector_load %arg7[%swap3A_831] {strides = array<i32>} : memref<64xi32, #tpu.memory_space<vmem>>, vector<16xi32>,
    tpu.vector_store %arg7[%swap3A_831], %get3A_830 {strides = array<i32>} : memref<64xi32, #tpu.memory_space<vmem>>, vector<16xi32>,
    %get3A_833 = arith.constant 608 : index
    %get3A_834 = tpu.vector_load %arg6[%get3A_833] {strides = array<i32>} : memref<1024xi32, #tpu.memory_space<vmem>>, vector<16xi32>,
    %swap3A_835 = arith.constant 32 : index
    %swap3A_836 = tpu.vector_load %arg7[%swap3A_835] {strides = array<i32>} : memref<64xi32, #tpu.memory_space<vmem>>, vector<16xi32>,
    tpu.vector_store %arg7[%swap3A_835], %get3A_834 {strides = array<i32>} : memref<64xi32, #tpu.memory_space<vmem>>, vector<16xi32>,
    %get3A_837 = arith.constant 624 : index
    %get3A_838 = tpu.vector_load %arg6[%get3A_837] {strides = array<i32>} : memref<1024xi32, #tpu.memory_space<vmem>>, vector<16xi32>,
    %swap3A_839 = arith.constant 48 : index
    %swap3A_840 = tpu.vector_load %arg7[%swap3A_839] {strides = array<i32>} : memref<64xi32, #tpu.memory_space<vmem>>, vector<16xi32>,
    tpu.vector_store %arg7[%swap3A_839], %get3A_838 {strides = array<i32>} : memref<64xi32, #tpu.memory_space<vmem>>, vector<16xi32>,
    %dma_start3A_841 = arith.constant 0 : i32
    %dma_start3A_842 = arith.constant 0 : i32
    %dma_start3A_843 = tpu.memref_slice %arg2[%add3A, %dma_start3A_841, %dma_start3A_842] : memref<32x1024x768xf32, #tpu.memory_space<hbm>> -> memref<1x1024x768xf32, #tpu.memory_space<hbm>>
    %dma_start3A_844 = tpu.memref_squeeze %dma_start3A_843 : memref<1x1024x768xf32, #tpu.memory_space<hbm>> -> memref<1024x768xf32, #tpu.memory_space<hbm>>
    %dma_start3A_845 = arith.constant 0 : i32
    %dma_start3A_846 = arith.constant 0 : i32
    %dma_start3A_847 = tpu.memref_slice %dma_start3A_844[%dma_start3A_845, %dma_start3A_846] : memref<1024x768xf32, #tpu.memory_space<hbm>> -> memref<1024x768xf32, #tpu.memory_space<hbm>>
    tpu.enqueue_indirect_dma source(%dma_start3A_847 : memref<1024x768xf32, #tpu.memory_space<hbm>>) target(%arg9 : memref<64x768xf32, #tpu.memory_space<vmem>>) offsets(%arg7 : memref<64xi32, #tpu.memory_space<vmem>>) semaphore(%arg11 : memref<!tpu.dma_semaphore, #tpu.memory_space<semaphore_mem>>)
    %dma_wait3A_848 = arith.constant 0 : i32
    %dma_wait3A_849 = arith.constant 0 : i32
    %dma_wait3A_850 = tpu.memref_slice %arg2[%add3A, %dma_wait3A_848, %dma_wait3A_849] : memref<32x1024x768xf32, #tpu.memory_space<hbm>> -> memref<1x1024x768xf32, #tpu.memory_space<hbm>>
    %dma_wait3A_851 = tpu.memref_squeeze %dma_wait3A_850 : memref<1x1024x768xf32, #tpu.memory_space<hbm>> -> memref<1024x768xf32, #tpu.memory_space<hbm>>
    %dma_wait3A_852 = arith.constant 0 : i32
    %dma_wait3A_853 = arith.constant 0 : i32
    %dma_wait3A_854 = tpu.memref_slice %dma_wait3A_851[%dma_wait3A_852, %dma_wait3A_853] : memref<1024x768xf32, #tpu.memory_space<hbm>> -> memref<1024x768xf32, #tpu.memory_space<hbm>>
    tpu.wait_indirect_dma semaphore(%arg11 : memref<!tpu.dma_semaphore, #tpu.memory_space<semaphore_mem>>) src(%dma_wait3A_854 : memref<1024x768xf32, #tpu.memory_space<hbm>>) dst(%arg9 : memref<64x768xf32, #tpu.memory_space<vmem>>)
    %dma_start3A_855 = arith.constant 0 : i32
    %dma_start3A_856 = arith.constant 0 : i32
    %dma_start3A_857 = tpu.memref_slice %arg4[%add3A, %dma_start3A_855, %dma_start3A_856] : memref<32x1024x768xf32, #tpu.memory_space<hbm>> -> memref<1x1024x768xf32, #tpu.memory_space<hbm>>
    %dma_start3A_858 = tpu.memref_squeeze %dma_start3A_857 : memref<1x1024x768xf32, #tpu.memory_space<hbm>> -> memref<1024x768xf32, #tpu.memory_space<hbm>>
    %dma_start3A_859 = arith.constant 576 : i32
    %dma_start3A_860 = arith.constant 0 : i32
    %dma_start3A_861 = tpu.memref_slice %dma_start3A_858[%dma_start3A_859, %dma_start3A_860] : memref<1024x768xf32, #tpu.memory_space<hbm>> -> memref<64x768xf32, #tpu.memory_space<hbm>>
    %dma_start3A_862 = arith.constant 0 : i32
    %dma_start3A_863 = arith.constant 0 : i32
    %dma_start3A_864 = tpu.memref_slice %arg4[%add3A, %dma_start3A_862, %dma_start3A_863] : memref<32x1024x768xf32, #tpu.memory_space<hbm>> -> memref<1x1024x768xf32, #tpu.memory_space<hbm>>
    %dma_start3A_865 = tpu.memref_squeeze %dma_start3A_864 : memref<1x1024x768xf32, #tpu.memory_space<hbm>> -> memref<1024x768xf32, #tpu.memory_space<hbm>>
    %dma_start3A_866 = arith.constant 576 : i32
    %dma_start3A_867 = arith.constant 0 : i32
    %dma_start3A_868 = tpu.memref_slice %dma_start3A_865[%dma_start3A_866, %dma_start3A_867] : memref<1024x768xf32, #tpu.memory_space<hbm>> -> memref<64x768xf32, #tpu.memory_space<hbm>>
    tpu.enqueue_dma source(%arg9 : memref<64x768xf32, #tpu.memory_space<vmem>>) target(%dma_start3A_868 : memref<64x768xf32, #tpu.memory_space<hbm>>) target_semaphore(%arg13 : memref<!tpu.dma_semaphore, #tpu.memory_space<semaphore_mem>>)
    %dma_wait3A_869 = arith.constant 0 : i32
    %dma_wait3A_870 = arith.constant 0 : i32
    %dma_wait3A_871 = tpu.memref_slice %arg4[%add3A, %dma_wait3A_869, %dma_wait3A_870] : memref<32x1024x768xf32, #tpu.memory_space<hbm>> -> memref<1x1024x768xf32, #tpu.memory_space<hbm>>
    %dma_wait3A_872 = tpu.memref_squeeze %dma_wait3A_871 : memref<1x1024x768xf32, #tpu.memory_space<hbm>> -> memref<1024x768xf32, #tpu.memory_space<hbm>>
    %dma_wait3A_873 = arith.constant 512 : i32
    %dma_wait3A_874 = arith.constant 0 : i32
    %dma_wait3A_875 = tpu.memref_slice %dma_wait3A_872[%dma_wait3A_873, %dma_wait3A_874] : memref<1024x768xf32, #tpu.memory_space<hbm>> -> memref<64x768xf32, #tpu.memory_space<hbm>>
    %dma_wait3A_876 = arith.constant 0 : i32
    %dma_wait3A_877 = arith.constant 0 : i32
    %dma_wait3A_878 = tpu.memref_slice %arg4[%add3A, %dma_wait3A_876, %dma_wait3A_877] : memref<32x1024x768xf32, #tpu.memory_space<hbm>> -> memref<1x1024x768xf32, #tpu.memory_space<hbm>>
    %dma_wait3A_879 = tpu.memref_squeeze %dma_wait3A_878 : memref<1x1024x768xf32, #tpu.memory_space<hbm>> -> memref<1024x768xf32, #tpu.memory_space<hbm>>
    %dma_wait3A_880 = arith.constant 512 : i32
    %dma_wait3A_881 = arith.constant 0 : i32
    %dma_wait3A_882 = tpu.memref_slice %dma_wait3A_879[%dma_wait3A_880, %dma_wait3A_881] : memref<1024x768xf32, #tpu.memory_space<hbm>> -> memref<64x768xf32, #tpu.memory_space<hbm>>
    tpu.wait_dma2 semaphore(%arg12 : memref<!tpu.dma_semaphore, #tpu.memory_space<semaphore_mem>>) src(%arg8 : memref<64x768xf32, #tpu.memory_space<vmem>>) dst(%dma_wait3A_882 : memref<64x768xf32, #tpu.memory_space<hbm>>)
    %get3A_883 = arith.constant 640 : index
    %get3A_884 = tpu.vector_load %arg6[%get3A_883] {strides = array<i32>} : memref<1024xi32, #tpu.memory_space<vmem>>, vector<16xi32>,
    %swap3A_885 = arith.constant 0 : index
    %swap3A_886 = tpu.vector_load %arg7[%swap3A_885] {strides = array<i32>} : memref<64xi32, #tpu.memory_space<vmem>>, vector<16xi32>,
    tpu.vector_store %arg7[%swap3A_885], %get3A_884 {strides = array<i32>} : memref<64xi32, #tpu.memory_space<vmem>>, vector<16xi32>,
    %get3A_887 = arith.constant 656 : index
    %get3A_888 = tpu.vector_load %arg6[%get3A_887] {strides = array<i32>} : memref<1024xi32, #tpu.memory_space<vmem>>, vector<16xi32>,
    %swap3A_889 = arith.constant 16 : index
    %swap3A_890 = tpu.vector_load %arg7[%swap3A_889] {strides = array<i32>} : memref<64xi32, #tpu.memory_space<vmem>>, vector<16xi32>,
    tpu.vector_store %arg7[%swap3A_889], %get3A_888 {strides = array<i32>} : memref<64xi32, #tpu.memory_space<vmem>>, vector<16xi32>,
    %get3A_891 = arith.constant 672 : index
    %get3A_892 = tpu.vector_load %arg6[%get3A_891] {strides = array<i32>} : memref<1024xi32, #tpu.memory_space<vmem>>, vector<16xi32>,
    %swap3A_893 = arith.constant 32 : index
    %swap3A_894 = tpu.vector_load %arg7[%swap3A_893] {strides = array<i32>} : memref<64xi32, #tpu.memory_space<vmem>>, vector<16xi32>,
    tpu.vector_store %arg7[%swap3A_893], %get3A_892 {strides = array<i32>} : memref<64xi32, #tpu.memory_space<vmem>>, vector<16xi32>,
    %get3A_895 = arith.constant 688 : index
    %get3A_896 = tpu.vector_load %arg6[%get3A_895] {strides = array<i32>} : memref<1024xi32, #tpu.memory_space<vmem>>, vector<16xi32>,
    %swap3A_897 = arith.constant 48 : index
    %swap3A_898 = tpu.vector_load %arg7[%swap3A_897] {strides = array<i32>} : memref<64xi32, #tpu.memory_space<vmem>>, vector<16xi32>,
    tpu.vector_store %arg7[%swap3A_897], %get3A_896 {strides = array<i32>} : memref<64xi32, #tpu.memory_space<vmem>>, vector<16xi32>,
    %dma_start3A_899 = arith.constant 0 : i32
    %dma_start3A_900 = arith.constant 0 : i32
    %dma_start3A_901 = tpu.memref_slice %arg2[%add3A, %dma_start3A_899, %dma_start3A_900] : memref<32x1024x768xf32, #tpu.memory_space<hbm>> -> memref<1x1024x768xf32, #tpu.memory_space<hbm>>
    %dma_start3A_902 = tpu.memref_squeeze %dma_start3A_901 : memref<1x1024x768xf32, #tpu.memory_space<hbm>> -> memref<1024x768xf32, #tpu.memory_space<hbm>>
    %dma_start3A_903 = arith.constant 0 : i32
    %dma_start3A_904 = arith.constant 0 : i32
    %dma_start3A_905 = tpu.memref_slice %dma_start3A_902[%dma_start3A_903, %dma_start3A_904] : memref<1024x768xf32, #tpu.memory_space<hbm>> -> memref<1024x768xf32, #tpu.memory_space<hbm>>
    tpu.enqueue_indirect_dma source(%dma_start3A_905 : memref<1024x768xf32, #tpu.memory_space<hbm>>) target(%arg8 : memref<64x768xf32, #tpu.memory_space<vmem>>) offsets(%arg7 : memref<64xi32, #tpu.memory_space<vmem>>) semaphore(%arg10 : memref<!tpu.dma_semaphore, #tpu.memory_space<semaphore_mem>>)
    %dma_wait3A_906 = arith.constant 0 : i32
    %dma_wait3A_907 = arith.constant 0 : i32
    %dma_wait3A_908 = tpu.memref_slice %arg2[%add3A, %dma_wait3A_906, %dma_wait3A_907] : memref<32x1024x768xf32, #tpu.memory_space<hbm>> -> memref<1x1024x768xf32, #tpu.memory_space<hbm>>
    %dma_wait3A_909 = tpu.memref_squeeze %dma_wait3A_908 : memref<1x1024x768xf32, #tpu.memory_space<hbm>> -> memref<1024x768xf32, #tpu.memory_space<hbm>>
    %dma_wait3A_910 = arith.constant 0 : i32
    %dma_wait3A_911 = arith.constant 0 : i32
    %dma_wait3A_912 = tpu.memref_slice %dma_wait3A_909[%dma_wait3A_910, %dma_wait3A_911] : memref<1024x768xf32, #tpu.memory_space<hbm>> -> memref<1024x768xf32, #tpu.memory_space<hbm>>
    tpu.wait_indirect_dma semaphore(%arg10 : memref<!tpu.dma_semaphore, #tpu.memory_space<semaphore_mem>>) src(%dma_wait3A_912 : memref<1024x768xf32, #tpu.memory_space<hbm>>) dst(%arg8 : memref<64x768xf32, #tpu.memory_space<vmem>>)
    %dma_start3A_913 = arith.constant 0 : i32
    %dma_start3A_914 = arith.constant 0 : i32
    %dma_start3A_915 = tpu.memref_slice %arg4[%add3A, %dma_start3A_913, %dma_start3A_914] : memref<32x1024x768xf32, #tpu.memory_space<hbm>> -> memref<1x1024x768xf32, #tpu.memory_space<hbm>>
    %dma_start3A_916 = tpu.memref_squeeze %dma_start3A_915 : memref<1x1024x768xf32, #tpu.memory_space<hbm>> -> memref<1024x768xf32, #tpu.memory_space<hbm>>
    %dma_start3A_917 = arith.constant 640 : i32
    %dma_start3A_918 = arith.constant 0 : i32
    %dma_start3A_919 = tpu.memref_slice %dma_start3A_916[%dma_start3A_917, %dma_start3A_918] : memref<1024x768xf32, #tpu.memory_space<hbm>> -> memref<64x768xf32, #tpu.memory_space<hbm>>
    %dma_start3A_920 = arith.constant 0 : i32
    %dma_start3A_921 = arith.constant 0 : i32
    %dma_start3A_922 = tpu.memref_slice %arg4[%add3A, %dma_start3A_920, %dma_start3A_921] : memref<32x1024x768xf32, #tpu.memory_space<hbm>> -> memref<1x1024x768xf32, #tpu.memory_space<hbm>>
    %dma_start3A_923 = tpu.memref_squeeze %dma_start3A_922 : memref<1x1024x768xf32, #tpu.memory_space<hbm>> -> memref<1024x768xf32, #tpu.memory_space<hbm>>
    %dma_start3A_924 = arith.constant 640 : i32
    %dma_start3A_925 = arith.constant 0 : i32
    %dma_start3A_926 = tpu.memref_slice %dma_start3A_923[%dma_start3A_924, %dma_start3A_925] : memref<1024x768xf32, #tpu.memory_space<hbm>> -> memref<64x768xf32, #tpu.memory_space<hbm>>
    tpu.enqueue_dma source(%arg8 : memref<64x768xf32, #tpu.memory_space<vmem>>) target(%dma_start3A_926 : memref<64x768xf32, #tpu.memory_space<hbm>>) target_semaphore(%arg12 : memref<!tpu.dma_semaphore, #tpu.memory_space<semaphore_mem>>)
    %dma_wait3A_927 = arith.constant 0 : i32
    %dma_wait3A_928 = arith.constant 0 : i32
    %dma_wait3A_929 = tpu.memref_slice %arg4[%add3A, %dma_wait3A_927, %dma_wait3A_928] : memref<32x1024x768xf32, #tpu.memory_space<hbm>> -> memref<1x1024x768xf32, #tpu.memory_space<hbm>>
    %dma_wait3A_930 = tpu.memref_squeeze %dma_wait3A_929 : memref<1x1024x768xf32, #tpu.memory_space<hbm>> -> memref<1024x768xf32, #tpu.memory_space<hbm>>
    %dma_wait3A_931 = arith.constant 576 : i32
    %dma_wait3A_932 = arith.constant 0 : i32
    %dma_wait3A_933 = tpu.memref_slice %dma_wait3A_930[%dma_wait3A_931, %dma_wait3A_932] : memref<1024x768xf32, #tpu.memory_space<hbm>> -> memref<64x768xf32, #tpu.memory_space<hbm>>
    %dma_wait3A_934 = arith.constant 0 : i32
    %dma_wait3A_935 = arith.constant 0 : i32
    %dma_wait3A_936 = tpu.memref_slice %arg4[%add3A, %dma_wait3A_934, %dma_wait3A_935] : memref<32x1024x768xf32, #tpu.memory_space<hbm>> -> memref<1x1024x768xf32, #tpu.memory_space<hbm>>
    %dma_wait3A_937 = tpu.memref_squeeze %dma_wait3A_936 : memref<1x1024x768xf32, #tpu.memory_space<hbm>> -> memref<1024x768xf32, #tpu.memory_space<hbm>>
    %dma_wait3A_938 = arith.constant 576 : i32
    %dma_wait3A_939 = arith.constant 0 : i32
    %dma_wait3A_940 = tpu.memref_slice %dma_wait3A_937[%dma_wait3A_938, %dma_wait3A_939] : memref<1024x768xf32, #tpu.memory_space<hbm>> -> memref<64x768xf32, #tpu.memory_space<hbm>>
    tpu.wait_dma2 semaphore(%arg13 : memref<!tpu.dma_semaphore, #tpu.memory_space<semaphore_mem>>) src(%arg9 : memref<64x768xf32, #tpu.memory_space<vmem>>) dst(%dma_wait3A_940 : memref<64x768xf32, #tpu.memory_space<hbm>>)
    %get3A_941 = arith.constant 704 : index
    %get3A_942 = tpu.vector_load %arg6[%get3A_941] {strides = array<i32>} : memref<1024xi32, #tpu.memory_space<vmem>>, vector<16xi32>,
    %swap3A_943 = arith.constant 0 : index
    %swap3A_944 = tpu.vector_load %arg7[%swap3A_943] {strides = array<i32>} : memref<64xi32, #tpu.memory_space<vmem>>, vector<16xi32>,
    tpu.vector_store %arg7[%swap3A_943], %get3A_942 {strides = array<i32>} : memref<64xi32, #tpu.memory_space<vmem>>, vector<16xi32>,
    %get3A_945 = arith.constant 720 : index
    %get3A_946 = tpu.vector_load %arg6[%get3A_945] {strides = array<i32>} : memref<1024xi32, #tpu.memory_space<vmem>>, vector<16xi32>,
    %swap3A_947 = arith.constant 16 : index
    %swap3A_948 = tpu.vector_load %arg7[%swap3A_947] {strides = array<i32>} : memref<64xi32, #tpu.memory_space<vmem>>, vector<16xi32>,
    tpu.vector_store %arg7[%swap3A_947], %get3A_946 {strides = array<i32>} : memref<64xi32, #tpu.memory_space<vmem>>, vector<16xi32>,
    %get3A_949 = arith.constant 736 : index
    %get3A_950 = tpu.vector_load %arg6[%get3A_949] {strides = array<i32>} : memref<1024xi32, #tpu.memory_space<vmem>>, vector<16xi32>,
    %swap3A_951 = arith.constant 32 : index
    %swap3A_952 = tpu.vector_load %arg7[%swap3A_951] {strides = array<i32>} : memref<64xi32, #tpu.memory_space<vmem>>, vector<16xi32>,
    tpu.vector_store %arg7[%swap3A_951], %get3A_950 {strides = array<i32>} : memref<64xi32, #tpu.memory_space<vmem>>, vector<16xi32>,
    %get3A_953 = arith.constant 752 : index
    %get3A_954 = tpu.vector_load %arg6[%get3A_953] {strides = array<i32>} : memref<1024xi32, #tpu.memory_space<vmem>>, vector<16xi32>,
    %swap3A_955 = arith.constant 48 : index
    %swap3A_956 = tpu.vector_load %arg7[%swap3A_955] {strides = array<i32>} : memref<64xi32, #tpu.memory_space<vmem>>, vector<16xi32>,
    tpu.vector_store %arg7[%swap3A_955], %get3A_954 {strides = array<i32>} : memref<64xi32, #tpu.memory_space<vmem>>, vector<16xi32>,
    %dma_start3A_957 = arith.constant 0 : i32
    %dma_start3A_958 = arith.constant 0 : i32
    %dma_start3A_959 = tpu.memref_slice %arg2[%add3A, %dma_start3A_957, %dma_start3A_958] : memref<32x1024x768xf32, #tpu.memory_space<hbm>> -> memref<1x1024x768xf32, #tpu.memory_space<hbm>>
    %dma_start3A_960 = tpu.memref_squeeze %dma_start3A_959 : memref<1x1024x768xf32, #tpu.memory_space<hbm>> -> memref<1024x768xf32, #tpu.memory_space<hbm>>
    %dma_start3A_961 = arith.constant 0 : i32
    %dma_start3A_962 = arith.constant 0 : i32
    %dma_start3A_963 = tpu.memref_slice %dma_start3A_960[%dma_start3A_961, %dma_start3A_962] : memref<1024x768xf32, #tpu.memory_space<hbm>> -> memref<1024x768xf32, #tpu.memory_space<hbm>>
    tpu.enqueue_indirect_dma source(%dma_start3A_963 : memref<1024x768xf32, #tpu.memory_space<hbm>>) target(%arg9 : memref<64x768xf32, #tpu.memory_space<vmem>>) offsets(%arg7 : memref<64xi32, #tpu.memory_space<vmem>>) semaphore(%arg11 : memref<!tpu.dma_semaphore, #tpu.memory_space<semaphore_mem>>)
    %dma_wait3A_964 = arith.constant 0 : i32
    %dma_wait3A_965 = arith.constant 0 : i32
    %dma_wait3A_966 = tpu.memref_slice %arg2[%add3A, %dma_wait3A_964, %dma_wait3A_965] : memref<32x1024x768xf32, #tpu.memory_space<hbm>> -> memref<1x1024x768xf32, #tpu.memory_space<hbm>>
    %dma_wait3A_967 = tpu.memref_squeeze %dma_wait3A_966 : memref<1x1024x768xf32, #tpu.memory_space<hbm>> -> memref<1024x768xf32, #tpu.memory_space<hbm>>
    %dma_wait3A_968 = arith.constant 0 : i32
    %dma_wait3A_969 = arith.constant 0 : i32
    %dma_wait3A_970 = tpu.memref_slice %dma_wait3A_967[%dma_wait3A_968, %dma_wait3A_969] : memref<1024x768xf32, #tpu.memory_space<hbm>> -> memref<1024x768xf32, #tpu.memory_space<hbm>>
    tpu.wait_indirect_dma semaphore(%arg11 : memref<!tpu.dma_semaphore, #tpu.memory_space<semaphore_mem>>) src(%dma_wait3A_970 : memref<1024x768xf32, #tpu.memory_space<hbm>>) dst(%arg9 : memref<64x768xf32, #tpu.memory_space<vmem>>)
    %dma_start3A_971 = arith.constant 0 : i32
    %dma_start3A_972 = arith.constant 0 : i32
    %dma_start3A_973 = tpu.memref_slice %arg4[%add3A, %dma_start3A_971, %dma_start3A_972] : memref<32x1024x768xf32, #tpu.memory_space<hbm>> -> memref<1x1024x768xf32, #tpu.memory_space<hbm>>
    %dma_start3A_974 = tpu.memref_squeeze %dma_start3A_973 : memref<1x1024x768xf32, #tpu.memory_space<hbm>> -> memref<1024x768xf32, #tpu.memory_space<hbm>>
    %dma_start3A_975 = arith.constant 704 : i32
    %dma_start3A_976 = arith.constant 0 : i32
    %dma_start3A_977 = tpu.memref_slice %dma_start3A_974[%dma_start3A_975, %dma_start3A_976] : memref<1024x768xf32, #tpu.memory_space<hbm>> -> memref<64x768xf32, #tpu.memory_space<hbm>>
    %dma_start3A_978 = arith.constant 0 : i32
    %dma_start3A_979 = arith.constant 0 : i32
    %dma_start3A_980 = tpu.memref_slice %arg4[%add3A, %dma_start3A_978, %dma_start3A_979] : memref<32x1024x768xf32, #tpu.memory_space<hbm>> -> memref<1x1024x768xf32, #tpu.memory_space<hbm>>
    %dma_start3A_981 = tpu.memref_squeeze %dma_start3A_980 : memref<1x1024x768xf32, #tpu.memory_space<hbm>> -> memref<1024x768xf32, #tpu.memory_space<hbm>>
    %dma_start3A_982 = arith.constant 704 : i32
    %dma_start3A_983 = arith.constant 0 : i32
    %dma_start3A_984 = tpu.memref_slice %dma_start3A_981[%dma_start3A_982, %dma_start3A_983] : memref<1024x768xf32, #tpu.memory_space<hbm>> -> memref<64x768xf32, #tpu.memory_space<hbm>>
    tpu.enqueue_dma source(%arg9 : memref<64x768xf32, #tpu.memory_space<vmem>>) target(%dma_start3A_984 : memref<64x768xf32, #tpu.memory_space<hbm>>) target_semaphore(%arg13 : memref<!tpu.dma_semaphore, #tpu.memory_space<semaphore_mem>>)
    %dma_wait3A_985 = arith.constant 0 : i32
    %dma_wait3A_986 = arith.constant 0 : i32
    %dma_wait3A_987 = tpu.memref_slice %arg4[%add3A, %dma_wait3A_985, %dma_wait3A_986] : memref<32x1024x768xf32, #tpu.memory_space<hbm>> -> memref<1x1024x768xf32, #tpu.memory_space<hbm>>
    %dma_wait3A_988 = tpu.memref_squeeze %dma_wait3A_987 : memref<1x1024x768xf32, #tpu.memory_space<hbm>> -> memref<1024x768xf32, #tpu.memory_space<hbm>>
    %dma_wait3A_989 = arith.constant 640 : i32
    %dma_wait3A_990 = arith.constant 0 : i32
    %dma_wait3A_991 = tpu.memref_slice %dma_wait3A_988[%dma_wait3A_989, %dma_wait3A_990] : memref<1024x768xf32, #tpu.memory_space<hbm>> -> memref<64x768xf32, #tpu.memory_space<hbm>>
    %dma_wait3A_992 = arith.constant 0 : i32
    %dma_wait3A_993 = arith.constant 0 : i32
    %dma_wait3A_994 = tpu.memref_slice %arg4[%add3A, %dma_wait3A_992, %dma_wait3A_993] : memref<32x1024x768xf32, #tpu.memory_space<hbm>> -> memref<1x1024x768xf32, #tpu.memory_space<hbm>>
    %dma_wait3A_995 = tpu.memref_squeeze %dma_wait3A_994 : memref<1x1024x768xf32, #tpu.memory_space<hbm>> -> memref<1024x768xf32, #tpu.memory_space<hbm>>
    %dma_wait3A_996 = arith.constant 640 : i32
    %dma_wait3A_997 = arith.constant 0 : i32
    %dma_wait3A_998 = tpu.memref_slice %dma_wait3A_995[%dma_wait3A_996, %dma_wait3A_997] : memref<1024x768xf32, #tpu.memory_space<hbm>> -> memref<64x768xf32, #tpu.memory_space<hbm>>
    tpu.wait_dma2 semaphore(%arg12 : memref<!tpu.dma_semaphore, #tpu.memory_space<semaphore_mem>>) src(%arg8 : memref<64x768xf32, #tpu.memory_space<vmem>>) dst(%dma_wait3A_998 : memref<64x768xf32, #tpu.memory_space<hbm>>)
    %get3A_999 = arith.constant 768 : index
    %get3A_1000 = tpu.vector_load %arg6[%get3A_999] {strides = array<i32>} : memref<1024xi32, #tpu.memory_space<vmem>>, vector<16xi32>,
    %swap3A_1001 = arith.constant 0 : index
    %swap3A_1002 = tpu.vector_load %arg7[%swap3A_1001] {strides = array<i32>} : memref<64xi32, #tpu.memory_space<vmem>>, vector<16xi32>,
    tpu.vector_store %arg7[%swap3A_1001], %get3A_1000 {strides = array<i32>} : memref<64xi32, #tpu.memory_space<vmem>>, vector<16xi32>,
    %get3A_1003 = arith.constant 784 : index
    %get3A_1004 = tpu.vector_load %arg6[%get3A_1003] {strides = array<i32>} : memref<1024xi32, #tpu.memory_space<vmem>>, vector<16xi32>,
    %swap3A_1005 = arith.constant 16 : index
    %swap3A_1006 = tpu.vector_load %arg7[%swap3A_1005] {strides = array<i32>} : memref<64xi32, #tpu.memory_space<vmem>>, vector<16xi32>,
    tpu.vector_store %arg7[%swap3A_1005], %get3A_1004 {strides = array<i32>} : memref<64xi32, #tpu.memory_space<vmem>>, vector<16xi32>,
    %get3A_1007 = arith.constant 800 : index
    %get3A_1008 = tpu.vector_load %arg6[%get3A_1007] {strides = array<i32>} : memref<1024xi32, #tpu.memory_space<vmem>>, vector<16xi32>,
    %swap3A_1009 = arith.constant 32 : index
    %swap3A_1010 = tpu.vector_load %arg7[%swap3A_1009] {strides = array<i32>} : memref<64xi32, #tpu.memory_space<vmem>>, vector<16xi32>,
    tpu.vector_store %arg7[%swap3A_1009], %get3A_1008 {strides = array<i32>} : memref<64xi32, #tpu.memory_space<vmem>>, vector<16xi32>,
    %get3A_1011 = arith.constant 816 : index
    %get3A_1012 = tpu.vector_load %arg6[%get3A_1011] {strides = array<i32>} : memref<1024xi32, #tpu.memory_space<vmem>>, vector<16xi32>,
    %swap3A_1013 = arith.constant 48 : index
    %swap3A_1014 = tpu.vector_load %arg7[%swap3A_1013] {strides = array<i32>} : memref<64xi32, #tpu.memory_space<vmem>>, vector<16xi32>,
    tpu.vector_store %arg7[%swap3A_1013], %get3A_1012 {strides = array<i32>} : memref<64xi32, #tpu.memory_space<vmem>>, vector<16xi32>,
    %dma_start3A_1015 = arith.constant 0 : i32
    %dma_start3A_1016 = arith.constant 0 : i32
    %dma_start3A_1017 = tpu.memref_slice %arg2[%add3A, %dma_start3A_1015, %dma_start3A_1016] : memref<32x1024x768xf32, #tpu.memory_space<hbm>> -> memref<1x1024x768xf32, #tpu.memory_space<hbm>>
    %dma_start3A_1018 = tpu.memref_squeeze %dma_start3A_1017 : memref<1x1024x768xf32, #tpu.memory_space<hbm>> -> memref<1024x768xf32, #tpu.memory_space<hbm>>
    %dma_start3A_1019 = arith.constant 0 : i32
    %dma_start3A_1020 = arith.constant 0 : i32
    %dma_start3A_1021 = tpu.memref_slice %dma_start3A_1018[%dma_start3A_1019, %dma_start3A_1020] : memref<1024x768xf32, #tpu.memory_space<hbm>> -> memref<1024x768xf32, #tpu.memory_space<hbm>>
    tpu.enqueue_indirect_dma source(%dma_start3A_1021 : memref<1024x768xf32, #tpu.memory_space<hbm>>) target(%arg8 : memref<64x768xf32, #tpu.memory_space<vmem>>) offsets(%arg7 : memref<64xi32, #tpu.memory_space<vmem>>) semaphore(%arg10 : memref<!tpu.dma_semaphore, #tpu.memory_space<semaphore_mem>>)
    %dma_wait3A_1022 = arith.constant 0 : i32
    %dma_wait3A_1023 = arith.constant 0 : i32
    %dma_wait3A_1024 = tpu.memref_slice %arg2[%add3A, %dma_wait3A_1022, %dma_wait3A_1023] : memref<32x1024x768xf32, #tpu.memory_space<hbm>> -> memref<1x1024x768xf32, #tpu.memory_space<hbm>>
    %dma_wait3A_1025 = tpu.memref_squeeze %dma_wait3A_1024 : memref<1x1024x768xf32, #tpu.memory_space<hbm>> -> memref<1024x768xf32, #tpu.memory_space<hbm>>
    %dma_wait3A_1026 = arith.constant 0 : i32
    %dma_wait3A_1027 = arith.constant 0 : i32
    %dma_wait3A_1028 = tpu.memref_slice %dma_wait3A_1025[%dma_wait3A_1026, %dma_wait3A_1027] : memref<1024x768xf32, #tpu.memory_space<hbm>> -> memref<1024x768xf32, #tpu.memory_space<hbm>>
    tpu.wait_indirect_dma semaphore(%arg10 : memref<!tpu.dma_semaphore, #tpu.memory_space<semaphore_mem>>) src(%dma_wait3A_1028 : memref<1024x768xf32, #tpu.memory_space<hbm>>) dst(%arg8 : memref<64x768xf32, #tpu.memory_space<vmem>>)
    %dma_start3A_1029 = arith.constant 0 : i32
    %dma_start3A_1030 = arith.constant 0 : i32
    %dma_start3A_1031 = tpu.memref_slice %arg4[%add3A, %dma_start3A_1029, %dma_start3A_1030] : memref<32x1024x768xf32, #tpu.memory_space<hbm>> -> memref<1x1024x768xf32, #tpu.memory_space<hbm>>
    %dma_start3A_1032 = tpu.memref_squeeze %dma_start3A_1031 : memref<1x1024x768xf32, #tpu.memory_space<hbm>> -> memref<1024x768xf32, #tpu.memory_space<hbm>>
    %dma_start3A_1033 = arith.constant 768 : i32
    %dma_start3A_1034 = arith.constant 0 : i32
    %dma_start3A_1035 = tpu.memref_slice %dma_start3A_1032[%dma_start3A_1033, %dma_start3A_1034] : memref<1024x768xf32, #tpu.memory_space<hbm>> -> memref<64x768xf32, #tpu.memory_space<hbm>>
    %dma_start3A_1036 = arith.constant 0 : i32
    %dma_start3A_1037 = arith.constant 0 : i32
    %dma_start3A_1038 = tpu.memref_slice %arg4[%add3A, %dma_start3A_1036, %dma_start3A_1037] : memref<32x1024x768xf32, #tpu.memory_space<hbm>> -> memref<1x1024x768xf32, #tpu.memory_space<hbm>>
    %dma_start3A_1039 = tpu.memref_squeeze %dma_start3A_1038 : memref<1x1024x768xf32, #tpu.memory_space<hbm>> -> memref<1024x768xf32, #tpu.memory_space<hbm>>
    %dma_start3A_1040 = arith.constant 768 : i32
    %dma_start3A_1041 = arith.constant 0 : i32
    %dma_start3A_1042 = tpu.memref_slice %dma_start3A_1039[%dma_start3A_1040, %dma_start3A_1041] : memref<1024x768xf32, #tpu.memory_space<hbm>> -> memref<64x768xf32, #tpu.memory_space<hbm>>
    tpu.enqueue_dma source(%arg8 : memref<64x768xf32, #tpu.memory_space<vmem>>) target(%dma_start3A_1042 : memref<64x768xf32, #tpu.memory_space<hbm>>) target_semaphore(%arg12 : memref<!tpu.dma_semaphore, #tpu.memory_space<semaphore_mem>>)
    %dma_wait3A_1043 = arith.constant 0 : i32
    %dma_wait3A_1044 = arith.constant 0 : i32
    %dma_wait3A_1045 = tpu.memref_slice %arg4[%add3A, %dma_wait3A_1043, %dma_wait3A_1044] : memref<32x1024x768xf32, #tpu.memory_space<hbm>> -> memref<1x1024x768xf32, #tpu.memory_space<hbm>>
    %dma_wait3A_1046 = tpu.memref_squeeze %dma_wait3A_1045 : memref<1x1024x768xf32, #tpu.memory_space<hbm>> -> memref<1024x768xf32, #tpu.memory_space<hbm>>
    %dma_wait3A_1047 = arith.constant 704 : i32
    %dma_wait3A_1048 = arith.constant 0 : i32
    %dma_wait3A_1049 = tpu.memref_slice %dma_wait3A_1046[%dma_wait3A_1047, %dma_wait3A_1048] : memref<1024x768xf32, #tpu.memory_space<hbm>> -> memref<64x768xf32, #tpu.memory_space<hbm>>
    %dma_wait3A_1050 = arith.constant 0 : i32
    %dma_wait3A_1051 = arith.constant 0 : i32
    %dma_wait3A_1052 = tpu.memref_slice %arg4[%add3A, %dma_wait3A_1050, %dma_wait3A_1051] : memref<32x1024x768xf32, #tpu.memory_space<hbm>> -> memref<1x1024x768xf32, #tpu.memory_space<hbm>>
    %dma_wait3A_1053 = tpu.memref_squeeze %dma_wait3A_1052 : memref<1x1024x768xf32, #tpu.memory_space<hbm>> -> memref<1024x768xf32, #tpu.memory_space<hbm>>
    %dma_wait3A_1054 = arith.constant 704 : i32
    %dma_wait3A_1055 = arith.constant 0 : i32
    %dma_wait3A_1056 = tpu.memref_slice %dma_wait3A_1053[%dma_wait3A_1054, %dma_wait3A_1055] : memref<1024x768xf32, #tpu.memory_space<hbm>> -> memref<64x768xf32, #tpu.memory_space<hbm>>
    tpu.wait_dma2 semaphore(%arg13 : memref<!tpu.dma_semaphore, #tpu.memory_space<semaphore_mem>>) src(%arg9 : memref<64x768xf32, #tpu.memory_space<vmem>>) dst(%dma_wait3A_1056 : memref<64x768xf32, #tpu.memory_space<hbm>>)
    %get3A_1057 = arith.constant 832 : index
    %get3A_1058 = tpu.vector_load %arg6[%get3A_1057] {strides = array<i32>} : memref<1024xi32, #tpu.memory_space<vmem>>, vector<16xi32>,
    %swap3A_1059 = arith.constant 0 : index
    %swap3A_1060 = tpu.vector_load %arg7[%swap3A_1059] {strides = array<i32>} : memref<64xi32, #tpu.memory_space<vmem>>, vector<16xi32>,
    tpu.vector_store %arg7[%swap3A_1059], %get3A_1058 {strides = array<i32>} : memref<64xi32, #tpu.memory_space<vmem>>, vector<16xi32>,
    %get3A_1061 = arith.constant 848 : index
    %get3A_1062 = tpu.vector_load %arg6[%get3A_1061] {strides = array<i32>} : memref<1024xi32, #tpu.memory_space<vmem>>, vector<16xi32>,
    %swap3A_1063 = arith.constant 16 : index
    %swap3A_1064 = tpu.vector_load %arg7[%swap3A_1063] {strides = array<i32>} : memref<64xi32, #tpu.memory_space<vmem>>, vector<16xi32>,
    tpu.vector_store %arg7[%swap3A_1063], %get3A_1062 {strides = array<i32>} : memref<64xi32, #tpu.memory_space<vmem>>, vector<16xi32>,
    %get3A_1065 = arith.constant 864 : index
    %get3A_1066 = tpu.vector_load %arg6[%get3A_1065] {strides = array<i32>} : memref<1024xi32, #tpu.memory_space<vmem>>, vector<16xi32>,
    %swap3A_1067 = arith.constant 32 : index
    %swap3A_1068 = tpu.vector_load %arg7[%swap3A_1067] {strides = array<i32>} : memref<64xi32, #tpu.memory_space<vmem>>, vector<16xi32>,
    tpu.vector_store %arg7[%swap3A_1067], %get3A_1066 {strides = array<i32>} : memref<64xi32, #tpu.memory_space<vmem>>, vector<16xi32>,
    %get3A_1069 = arith.constant 880 : index
    %get3A_1070 = tpu.vector_load %arg6[%get3A_1069] {strides = array<i32>} : memref<1024xi32, #tpu.memory_space<vmem>>, vector<16xi32>,
    %swap3A_1071 = arith.constant 48 : index
    %swap3A_1072 = tpu.vector_load %arg7[%swap3A_1071] {strides = array<i32>} : memref<64xi32, #tpu.memory_space<vmem>>, vector<16xi32>,
    tpu.vector_store %arg7[%swap3A_1071], %get3A_1070 {strides = array<i32>} : memref<64xi32, #tpu.memory_space<vmem>>, vector<16xi32>,
    %dma_start3A_1073 = arith.constant 0 : i32
    %dma_start3A_1074 = arith.constant 0 : i32
    %dma_start3A_1075 = tpu.memref_slice %arg2[%add3A, %dma_start3A_1073, %dma_start3A_1074] : memref<32x1024x768xf32, #tpu.memory_space<hbm>> -> memref<1x1024x768xf32, #tpu.memory_space<hbm>>
    %dma_start3A_1076 = tpu.memref_squeeze %dma_start3A_1075 : memref<1x1024x768xf32, #tpu.memory_space<hbm>> -> memref<1024x768xf32, #tpu.memory_space<hbm>>
    %dma_start3A_1077 = arith.constant 0 : i32
    %dma_start3A_1078 = arith.constant 0 : i32
    %dma_start3A_1079 = tpu.memref_slice %dma_start3A_1076[%dma_start3A_1077, %dma_start3A_1078] : memref<1024x768xf32, #tpu.memory_space<hbm>> -> memref<1024x768xf32, #tpu.memory_space<hbm>>
    tpu.enqueue_indirect_dma source(%dma_start3A_1079 : memref<1024x768xf32, #tpu.memory_space<hbm>>) target(%arg9 : memref<64x768xf32, #tpu.memory_space<vmem>>) offsets(%arg7 : memref<64xi32, #tpu.memory_space<vmem>>) semaphore(%arg11 : memref<!tpu.dma_semaphore, #tpu.memory_space<semaphore_mem>>)
    %dma_wait3A_1080 = arith.constant 0 : i32
    %dma_wait3A_1081 = arith.constant 0 : i32
    %dma_wait3A_1082 = tpu.memref_slice %arg2[%add3A, %dma_wait3A_1080, %dma_wait3A_1081] : memref<32x1024x768xf32, #tpu.memory_space<hbm>> -> memref<1x1024x768xf32, #tpu.memory_space<hbm>>
    %dma_wait3A_1083 = tpu.memref_squeeze %dma_wait3A_1082 : memref<1x1024x768xf32, #tpu.memory_space<hbm>> -> memref<1024x768xf32, #tpu.memory_space<hbm>>
    %dma_wait3A_1084 = arith.constant 0 : i32
    %dma_wait3A_1085 = arith.constant 0 : i32
    %dma_wait3A_1086 = tpu.memref_slice %dma_wait3A_1083[%dma_wait3A_1084, %dma_wait3A_1085] : memref<1024x768xf32, #tpu.memory_space<hbm>> -> memref<1024x768xf32, #tpu.memory_space<hbm>>
    tpu.wait_indirect_dma semaphore(%arg11 : memref<!tpu.dma_semaphore, #tpu.memory_space<semaphore_mem>>) src(%dma_wait3A_1086 : memref<1024x768xf32, #tpu.memory_space<hbm>>) dst(%arg9 : memref<64x768xf32, #tpu.memory_space<vmem>>)
    %dma_start3A_1087 = arith.constant 0 : i32
    %dma_start3A_1088 = arith.constant 0 : i32
    %dma_start3A_1089 = tpu.memref_slice %arg4[%add3A, %dma_start3A_1087, %dma_start3A_1088] : memref<32x1024x768xf32, #tpu.memory_space<hbm>> -> memref<1x1024x768xf32, #tpu.memory_space<hbm>>
    %dma_start3A_1090 = tpu.memref_squeeze %dma_start3A_1089 : memref<1x1024x768xf32, #tpu.memory_space<hbm>> -> memref<1024x768xf32, #tpu.memory_space<hbm>>
    %dma_start3A_1091 = arith.constant 832 : i32
    %dma_start3A_1092 = arith.constant 0 : i32
    %dma_start3A_1093 = tpu.memref_slice %dma_start3A_1090[%dma_start3A_1091, %dma_start3A_1092] : memref<1024x768xf32, #tpu.memory_space<hbm>> -> memref<64x768xf32, #tpu.memory_space<hbm>>
    %dma_start3A_1094 = arith.constant 0 : i32
    %dma_start3A_1095 = arith.constant 0 : i32
    %dma_start3A_1096 = tpu.memref_slice %arg4[%add3A, %dma_start3A_1094, %dma_start3A_1095] : memref<32x1024x768xf32, #tpu.memory_space<hbm>> -> memref<1x1024x768xf32, #tpu.memory_space<hbm>>
    %dma_start3A_1097 = tpu.memref_squeeze %dma_start3A_1096 : memref<1x1024x768xf32, #tpu.memory_space<hbm>> -> memref<1024x768xf32, #tpu.memory_space<hbm>>
    %dma_start3A_1098 = arith.constant 832 : i32
    %dma_start3A_1099 = arith.constant 0 : i32
    %dma_start3A_1100 = tpu.memref_slice %dma_start3A_1097[%dma_start3A_1098, %dma_start3A_1099] : memref<1024x768xf32, #tpu.memory_space<hbm>> -> memref<64x768xf32, #tpu.memory_space<hbm>>
    tpu.enqueue_dma source(%arg9 : memref<64x768xf32, #tpu.memory_space<vmem>>) target(%dma_start3A_1100 : memref<64x768xf32, #tpu.memory_space<hbm>>) target_semaphore(%arg13 : memref<!tpu.dma_semaphore, #tpu.memory_space<semaphore_mem>>)
    %dma_wait3A_1101 = arith.constant 0 : i32
    %dma_wait3A_1102 = arith.constant 0 : i32
    %dma_wait3A_1103 = tpu.memref_slice %arg4[%add3A, %dma_wait3A_1101, %dma_wait3A_1102] : memref<32x1024x768xf32, #tpu.memory_space<hbm>> -> memref<1x1024x768xf32, #tpu.memory_space<hbm>>
    %dma_wait3A_1104 = tpu.memref_squeeze %dma_wait3A_1103 : memref<1x1024x768xf32, #tpu.memory_space<hbm>> -> memref<1024x768xf32, #tpu.memory_space<hbm>>
    %dma_wait3A_1105 = arith.constant 768 : i32
    %dma_wait3A_1106 = arith.constant 0 : i32
    %dma_wait3A_1107 = tpu.memref_slice %dma_wait3A_1104[%dma_wait3A_1105, %dma_wait3A_1106] : memref<1024x768xf32, #tpu.memory_space<hbm>> -> memref<64x768xf32, #tpu.memory_space<hbm>>
    %dma_wait3A_1108 = arith.constant 0 : i32
    %dma_wait3A_1109 = arith.constant 0 : i32
    %dma_wait3A_1110 = tpu.memref_slice %arg4[%add3A, %dma_wait3A_1108, %dma_wait3A_1109] : memref<32x1024x768xf32, #tpu.memory_space<hbm>> -> memref<1x1024x768xf32, #tpu.memory_space<hbm>>
    %dma_wait3A_1111 = tpu.memref_squeeze %dma_wait3A_1110 : memref<1x1024x768xf32, #tpu.memory_space<hbm>> -> memref<1024x768xf32, #tpu.memory_space<hbm>>
    %dma_wait3A_1112 = arith.constant 768 : i32
    %dma_wait3A_1113 = arith.constant 0 : i32
    %dma_wait3A_1114 = tpu.memref_slice %dma_wait3A_1111[%dma_wait3A_1112, %dma_wait3A_1113] : memref<1024x768xf32, #tpu.memory_space<hbm>> -> memref<64x768xf32, #tpu.memory_space<hbm>>
    tpu.wait_dma2 semaphore(%arg12 : memref<!tpu.dma_semaphore, #tpu.memory_space<semaphore_mem>>) src(%arg8 : memref<64x768xf32, #tpu.memory_space<vmem>>) dst(%dma_wait3A_1114 : memref<64x768xf32, #tpu.memory_space<hbm>>)
    %get3A_1115 = arith.constant 896 : index
    %get3A_1116 = tpu.vector_load %arg6[%get3A_1115] {strides = array<i32>} : memref<1024xi32, #tpu.memory_space<vmem>>, vector<16xi32>,
    %swap3A_1117 = arith.constant 0 : index
    %swap3A_1118 = tpu.vector_load %arg7[%swap3A_1117] {strides = array<i32>} : memref<64xi32, #tpu.memory_space<vmem>>, vector<16xi32>,
    tpu.vector_store %arg7[%swap3A_1117], %get3A_1116 {strides = array<i32>} : memref<64xi32, #tpu.memory_space<vmem>>, vector<16xi32>,
    %get3A_1119 = arith.constant 912 : index
    %get3A_1120 = tpu.vector_load %arg6[%get3A_1119] {strides = array<i32>} : memref<1024xi32, #tpu.memory_space<vmem>>, vector<16xi32>,
    %swap3A_1121 = arith.constant 16 : index
    %swap3A_1122 = tpu.vector_load %arg7[%swap3A_1121] {strides = array<i32>} : memref<64xi32, #tpu.memory_space<vmem>>, vector<16xi32>,
    tpu.vector_store %arg7[%swap3A_1121], %get3A_1120 {strides = array<i32>} : memref<64xi32, #tpu.memory_space<vmem>>, vector<16xi32>,
    %get3A_1123 = arith.constant 928 : index
    %get3A_1124 = tpu.vector_load %arg6[%get3A_1123] {strides = array<i32>} : memref<1024xi32, #tpu.memory_space<vmem>>, vector<16xi32>,
    %swap3A_1125 = arith.constant 32 : index
    %swap3A_1126 = tpu.vector_load %arg7[%swap3A_1125] {strides = array<i32>} : memref<64xi32, #tpu.memory_space<vmem>>, vector<16xi32>,
    tpu.vector_store %arg7[%swap3A_1125], %get3A_1124 {strides = array<i32>} : memref<64xi32, #tpu.memory_space<vmem>>, vector<16xi32>,
    %get3A_1127 = arith.constant 944 : index
    %get3A_1128 = tpu.vector_load %arg6[%get3A_1127] {strides = array<i32>} : memref<1024xi32, #tpu.memory_space<vmem>>, vector<16xi32>,
    %swap3A_1129 = arith.constant 48 : index
    %swap3A_1130 = tpu.vector_load %arg7[%swap3A_1129] {strides = array<i32>} : memref<64xi32, #tpu.memory_space<vmem>>, vector<16xi32>,
    tpu.vector_store %arg7[%swap3A_1129], %get3A_1128 {strides = array<i32>} : memref<64xi32, #tpu.memory_space<vmem>>, vector<16xi32>,
    %dma_start3A_1131 = arith.constant 0 : i32
    %dma_start3A_1132 = arith.constant 0 : i32
    %dma_start3A_1133 = tpu.memref_slice %arg2[%add3A, %dma_start3A_1131, %dma_start3A_1132] : memref<32x1024x768xf32, #tpu.memory_space<hbm>> -> memref<1x1024x768xf32, #tpu.memory_space<hbm>>
    %dma_start3A_1134 = tpu.memref_squeeze %dma_start3A_1133 : memref<1x1024x768xf32, #tpu.memory_space<hbm>> -> memref<1024x768xf32, #tpu.memory_space<hbm>>
    %dma_start3A_1135 = arith.constant 0 : i32
    %dma_start3A_1136 = arith.constant 0 : i32
    %dma_start3A_1137 = tpu.memref_slice %dma_start3A_1134[%dma_start3A_1135, %dma_start3A_1136] : memref<1024x768xf32, #tpu.memory_space<hbm>> -> memref<1024x768xf32, #tpu.memory_space<hbm>>
    tpu.enqueue_indirect_dma source(%dma_start3A_1137 : memref<1024x768xf32, #tpu.memory_space<hbm>>) target(%arg8 : memref<64x768xf32, #tpu.memory_space<vmem>>) offsets(%arg7 : memref<64xi32, #tpu.memory_space<vmem>>) semaphore(%arg10 : memref<!tpu.dma_semaphore, #tpu.memory_space<semaphore_mem>>)
    %dma_wait3A_1138 = arith.constant 0 : i32
    %dma_wait3A_1139 = arith.constant 0 : i32
    %dma_wait3A_1140 = tpu.memref_slice %arg2[%add3A, %dma_wait3A_1138, %dma_wait3A_1139] : memref<32x1024x768xf32, #tpu.memory_space<hbm>> -> memref<1x1024x768xf32, #tpu.memory_space<hbm>>
    %dma_wait3A_1141 = tpu.memref_squeeze %dma_wait3A_1140 : memref<1x1024x768xf32, #tpu.memory_space<hbm>> -> memref<1024x768xf32, #tpu.memory_space<hbm>>
    %dma_wait3A_1142 = arith.constant 0 : i32
    %dma_wait3A_1143 = arith.constant 0 : i32
    %dma_wait3A_1144 = tpu.memref_slice %dma_wait3A_1141[%dma_wait3A_1142, %dma_wait3A_1143] : memref<1024x768xf32, #tpu.memory_space<hbm>> -> memref<1024x768xf32, #tpu.memory_space<hbm>>
    tpu.wait_indirect_dma semaphore(%arg10 : memref<!tpu.dma_semaphore, #tpu.memory_space<semaphore_mem>>) src(%dma_wait3A_1144 : memref<1024x768xf32, #tpu.memory_space<hbm>>) dst(%arg8 : memref<64x768xf32, #tpu.memory_space<vmem>>)
    %dma_start3A_1145 = arith.constant 0 : i32
    %dma_start3A_1146 = arith.constant 0 : i32
    %dma_start3A_1147 = tpu.memref_slice %arg4[%add3A, %dma_start3A_1145, %dma_start3A_1146] : memref<32x1024x768xf32, #tpu.memory_space<hbm>> -> memref<1x1024x768xf32, #tpu.memory_space<hbm>>
    %dma_start3A_1148 = tpu.memref_squeeze %dma_start3A_1147 : memref<1x1024x768xf32, #tpu.memory_space<hbm>> -> memref<1024x768xf32, #tpu.memory_space<hbm>>
    %dma_start3A_1149 = arith.constant 896 : i32
    %dma_start3A_1150 = arith.constant 0 : i32
    %dma_start3A_1151 = tpu.memref_slice %dma_start3A_1148[%dma_start3A_1149, %dma_start3A_1150] : memref<1024x768xf32, #tpu.memory_space<hbm>> -> memref<64x768xf32, #tpu.memory_space<hbm>>
    %dma_start3A_1152 = arith.constant 0 : i32
    %dma_start3A_1153 = arith.constant 0 : i32
    %dma_start3A_1154 = tpu.memref_slice %arg4[%add3A, %dma_start3A_1152, %dma_start3A_1153] : memref<32x1024x768xf32, #tpu.memory_space<hbm>> -> memref<1x1024x768xf32, #tpu.memory_space<hbm>>
    %dma_start3A_1155 = tpu.memref_squeeze %dma_start3A_1154 : memref<1x1024x768xf32, #tpu.memory_space<hbm>> -> memref<1024x768xf32, #tpu.memory_space<hbm>>
    %dma_start3A_1156 = arith.constant 896 : i32
    %dma_start3A_1157 = arith.constant 0 : i32
    %dma_start3A_1158 = tpu.memref_slice %dma_start3A_1155[%dma_start3A_1156, %dma_start3A_1157] : memref<1024x768xf32, #tpu.memory_space<hbm>> -> memref<64x768xf32, #tpu.memory_space<hbm>>
    tpu.enqueue_dma source(%arg8 : memref<64x768xf32, #tpu.memory_space<vmem>>) target(%dma_start3A_1158 : memref<64x768xf32, #tpu.memory_space<hbm>>) target_semaphore(%arg12 : memref<!tpu.dma_semaphore, #tpu.memory_space<semaphore_mem>>)
    %dma_wait3A_1159 = arith.constant 0 : i32
    %dma_wait3A_1160 = arith.constant 0 : i32
    %dma_wait3A_1161 = tpu.memref_slice %arg4[%add3A, %dma_wait3A_1159, %dma_wait3A_1160] : memref<32x1024x768xf32, #tpu.memory_space<hbm>> -> memref<1x1024x768xf32, #tpu.memory_space<hbm>>
    %dma_wait3A_1162 = tpu.memref_squeeze %dma_wait3A_1161 : memref<1x1024x768xf32, #tpu.memory_space<hbm>> -> memref<1024x768xf32, #tpu.memory_space<hbm>>
    %dma_wait3A_1163 = arith.constant 832 : i32
    %dma_wait3A_1164 = arith.constant 0 : i32
    %dma_wait3A_1165 = tpu.memref_slice %dma_wait3A_1162[%dma_wait3A_1163, %dma_wait3A_1164] : memref<1024x768xf32, #tpu.memory_space<hbm>> -> memref<64x768xf32, #tpu.memory_space<hbm>>
    %dma_wait3A_1166 = arith.constant 0 : i32
    %dma_wait3A_1167 = arith.constant 0 : i32
    %dma_wait3A_1168 = tpu.memref_slice %arg4[%add3A, %dma_wait3A_1166, %dma_wait3A_1167] : memref<32x1024x768xf32, #tpu.memory_space<hbm>> -> memref<1x1024x768xf32, #tpu.memory_space<hbm>>
    %dma_wait3A_1169 = tpu.memref_squeeze %dma_wait3A_1168 : memref<1x1024x768xf32, #tpu.memory_space<hbm>> -> memref<1024x768xf32, #tpu.memory_space<hbm>>
    %dma_wait3A_1170 = arith.constant 832 : i32
    %dma_wait3A_1171 = arith.constant 0 : i32
    %dma_wait3A_1172 = tpu.memref_slice %dma_wait3A_1169[%dma_wait3A_1170, %dma_wait3A_1171] : memref<1024x768xf32, #tpu.memory_space<hbm>> -> memref<64x768xf32, #tpu.memory_space<hbm>>
    tpu.wait_dma2 semaphore(%arg13 : memref<!tpu.dma_semaphore, #tpu.memory_space<semaphore_mem>>) src(%arg9 : memref<64x768xf32, #tpu.memory_space<vmem>>) dst(%dma_wait3A_1172 : memref<64x768xf32, #tpu.memory_space<hbm>>)
    %get3A_1173 = arith.constant 960 : index
    %get3A_1174 = tpu.vector_load %arg6[%get3A_1173] {strides = array<i32>} : memref<1024xi32, #tpu.memory_space<vmem>>, vector<16xi32>,
    %swap3A_1175 = arith.constant 0 : index
    %swap3A_1176 = tpu.vector_load %arg7[%swap3A_1175] {strides = array<i32>} : memref<64xi32, #tpu.memory_space<vmem>>, vector<16xi32>,
    tpu.vector_store %arg7[%swap3A_1175], %get3A_1174 {strides = array<i32>} : memref<64xi32, #tpu.memory_space<vmem>>, vector<16xi32>,
    %get3A_1177 = arith.constant 976 : index
    %get3A_1178 = tpu.vector_load %arg6[%get3A_1177] {strides = array<i32>} : memref<1024xi32, #tpu.memory_space<vmem>>, vector<16xi32>,
    %swap3A_1179 = arith.constant 16 : index
    %swap3A_1180 = tpu.vector_load %arg7[%swap3A_1179] {strides = array<i32>} : memref<64xi32, #tpu.memory_space<vmem>>, vector<16xi32>,
    tpu.vector_store %arg7[%swap3A_1179], %get3A_1178 {strides = array<i32>} : memref<64xi32, #tpu.memory_space<vmem>>, vector<16xi32>,
    %get3A_1181 = arith.constant 992 : index
    %get3A_1182 = tpu.vector_load %arg6[%get3A_1181] {strides = array<i32>} : memref<1024xi32, #tpu.memory_space<vmem>>, vector<16xi32>,
    %swap3A_1183 = arith.constant 32 : index
    %swap3A_1184 = tpu.vector_load %arg7[%swap3A_1183] {strides = array<i32>} : memref<64xi32, #tpu.memory_space<vmem>>, vector<16xi32>,
    tpu.vector_store %arg7[%swap3A_1183], %get3A_1182 {strides = array<i32>} : memref<64xi32, #tpu.memory_space<vmem>>, vector<16xi32>,
    %get3A_1185 = arith.constant 1008 : index
    %get3A_1186 = tpu.vector_load %arg6[%get3A_1185] {strides = array<i32>} : memref<1024xi32, #tpu.memory_space<vmem>>, vector<16xi32>,
    %swap3A_1187 = arith.constant 48 : index
    %swap3A_1188 = tpu.vector_load %arg7[%swap3A_1187] {strides = array<i32>} : memref<64xi32, #tpu.memory_space<vmem>>, vector<16xi32>,
    tpu.vector_store %arg7[%swap3A_1187], %get3A_1186 {strides = array<i32>} : memref<64xi32, #tpu.memory_space<vmem>>, vector<16xi32>,
    %dma_start3A_1189 = arith.constant 0 : i32
    %dma_start3A_1190 = arith.constant 0 : i32
    %dma_start3A_1191 = tpu.memref_slice %arg2[%add3A, %dma_start3A_1189, %dma_start3A_1190] : memref<32x1024x768xf32, #tpu.memory_space<hbm>> -> memref<1x1024x768xf32, #tpu.memory_space<hbm>>
    %dma_start3A_1192 = tpu.memref_squeeze %dma_start3A_1191 : memref<1x1024x768xf32, #tpu.memory_space<hbm>> -> memref<1024x768xf32, #tpu.memory_space<hbm>>
    %dma_start3A_1193 = arith.constant 0 : i32
    %dma_start3A_1194 = arith.constant 0 : i32
    %dma_start3A_1195 = tpu.memref_slice %dma_start3A_1192[%dma_start3A_1193, %dma_start3A_1194] : memref<1024x768xf32, #tpu.memory_space<hbm>> -> memref<1024x768xf32, #tpu.memory_space<hbm>>
    tpu.enqueue_indirect_dma source(%dma_start3A_1195 : memref<1024x768xf32, #tpu.memory_space<hbm>>) target(%arg9 : memref<64x768xf32, #tpu.memory_space<vmem>>) offsets(%arg7 : memref<64xi32, #tpu.memory_space<vmem>>) semaphore(%arg11 : memref<!tpu.dma_semaphore, #tpu.memory_space<semaphore_mem>>)
    %dma_wait3A_1196 = arith.constant 0 : i32
    %dma_wait3A_1197 = arith.constant 0 : i32
    %dma_wait3A_1198 = tpu.memref_slice %arg2[%add3A, %dma_wait3A_1196, %dma_wait3A_1197] : memref<32x1024x768xf32, #tpu.memory_space<hbm>> -> memref<1x1024x768xf32, #tpu.memory_space<hbm>>
    %dma_wait3A_1199 = tpu.memref_squeeze %dma_wait3A_1198 : memref<1x1024x768xf32, #tpu.memory_space<hbm>> -> memref<1024x768xf32, #tpu.memory_space<hbm>>
    %dma_wait3A_1200 = arith.constant 0 : i32
    %dma_wait3A_1201 = arith.constant 0 : i32
    %dma_wait3A_1202 = tpu.memref_slice %dma_wait3A_1199[%dma_wait3A_1200, %dma_wait3A_1201] : memref<1024x768xf32, #tpu.memory_space<hbm>> -> memref<1024x768xf32, #tpu.memory_space<hbm>>
    tpu.wait_indirect_dma semaphore(%arg11 : memref<!tpu.dma_semaphore, #tpu.memory_space<semaphore_mem>>) src(%dma_wait3A_1202 : memref<1024x768xf32, #tpu.memory_space<hbm>>) dst(%arg9 : memref<64x768xf32, #tpu.memory_space<vmem>>)
    %dma_start3A_1203 = arith.constant 0 : i32
    %dma_start3A_1204 = arith.constant 0 : i32
    %dma_start3A_1205 = tpu.memref_slice %arg4[%add3A, %dma_start3A_1203, %dma_start3A_1204] : memref<32x1024x768xf32, #tpu.memory_space<hbm>> -> memref<1x1024x768xf32, #tpu.memory_space<hbm>>
    %dma_start3A_1206 = tpu.memref_squeeze %dma_start3A_1205 : memref<1x1024x768xf32, #tpu.memory_space<hbm>> -> memref<1024x768xf32, #tpu.memory_space<hbm>>
    %dma_start3A_1207 = arith.constant 960 : i32
    %dma_start3A_1208 = arith.constant 0 : i32
    %dma_start3A_1209 = tpu.memref_slice %dma_start3A_1206[%dma_start3A_1207, %dma_start3A_1208] : memref<1024x768xf32, #tpu.memory_space<hbm>> -> memref<64x768xf32, #tpu.memory_space<hbm>>
    %dma_start3A_1210 = arith.constant 0 : i32
    %dma_start3A_1211 = arith.constant 0 : i32
    %dma_start3A_1212 = tpu.memref_slice %arg4[%add3A, %dma_start3A_1210, %dma_start3A_1211] : memref<32x1024x768xf32, #tpu.memory_space<hbm>> -> memref<1x1024x768xf32, #tpu.memory_space<hbm>>
    %dma_start3A_1213 = tpu.memref_squeeze %dma_start3A_1212 : memref<1x1024x768xf32, #tpu.memory_space<hbm>> -> memref<1024x768xf32, #tpu.memory_space<hbm>>
    %dma_start3A_1214 = arith.constant 960 : i32
    %dma_start3A_1215 = arith.constant 0 : i32
    %dma_start3A_1216 = tpu.memref_slice %dma_start3A_1213[%dma_start3A_1214, %dma_start3A_1215] : memref<1024x768xf32, #tpu.memory_space<hbm>> -> memref<64x768xf32, #tpu.memory_space<hbm>>
    tpu.enqueue_dma source(%arg9 : memref<64x768xf32, #tpu.memory_space<vmem>>) target(%dma_start3A_1216 : memref<64x768xf32, #tpu.memory_space<hbm>>) target_semaphore(%arg13 : memref<!tpu.dma_semaphore, #tpu.memory_space<semaphore_mem>>)
    %dma_wait3A_1217 = arith.constant 0 : i32
    %dma_wait3A_1218 = arith.constant 0 : i32
    %dma_wait3A_1219 = tpu.memref_slice %arg4[%add3A, %dma_wait3A_1217, %dma_wait3A_1218] : memref<32x1024x768xf32, #tpu.memory_space<hbm>> -> memref<1x1024x768xf32, #tpu.memory_space<hbm>>
    %dma_wait3A_1220 = tpu.memref_squeeze %dma_wait3A_1219 : memref<1x1024x768xf32, #tpu.memory_space<hbm>> -> memref<1024x768xf32, #tpu.memory_space<hbm>>
    %dma_wait3A_1221 = arith.constant 896 : i32
    %dma_wait3A_1222 = arith.constant 0 : i32
    %dma_wait3A_1223 = tpu.memref_slice %dma_wait3A_1220[%dma_wait3A_1221, %dma_wait3A_1222] : memref<1024x768xf32, #tpu.memory_space<hbm>> -> memref<64x768xf32, #tpu.memory_space<hbm>>
    %dma_wait3A_1224 = arith.constant 0 : i32
    %dma_wait3A_1225 = arith.constant 0 : i32
    %dma_wait3A_1226 = tpu.memref_slice %arg4[%add3A, %dma_wait3A_1224, %dma_wait3A_1225] : memref<32x1024x768xf32, #tpu.memory_space<hbm>> -> memref<1x1024x768xf32, #tpu.memory_space<hbm>>
    %dma_wait3A_1227 = tpu.memref_squeeze %dma_wait3A_1226 : memref<1x1024x768xf32, #tpu.memory_space<hbm>> -> memref<1024x768xf32, #tpu.memory_space<hbm>>
    %dma_wait3A_1228 = arith.constant 896 : i32
    %dma_wait3A_1229 = arith.constant 0 : i32
    %dma_wait3A_1230 = tpu.memref_slice %dma_wait3A_1227[%dma_wait3A_1228, %dma_wait3A_1229] : memref<1024x768xf32, #tpu.memory_space<hbm>> -> memref<64x768xf32, #tpu.memory_space<hbm>>
    tpu.wait_dma2 semaphore(%arg12 : memref<!tpu.dma_semaphore, #tpu.memory_space<semaphore_mem>>) src(%arg8 : memref<64x768xf32, #tpu.memory_space<vmem>>) dst(%dma_wait3A_1230 : memref<64x768xf32, #tpu.memory_space<hbm>>)
    %dma_wait3A_1231 = arith.constant 0 : i32
    %dma_wait3A_1232 = arith.constant 0 : i32
    %dma_wait3A_1233 = tpu.memref_slice %arg4[%add3A, %dma_wait3A_1231, %dma_wait3A_1232] : memref<32x1024x768xf32, #tpu.memory_space<hbm>> -> memref<1x1024x768xf32, #tpu.memory_space<hbm>>
    %dma_wait3A_1234 = tpu.memref_squeeze %dma_wait3A_1233 : memref<1x1024x768xf32, #tpu.memory_space<hbm>> -> memref<1024x768xf32, #tpu.memory_space<hbm>>
    %dma_wait3A_1235 = arith.constant 960 : i32
    %dma_wait3A_1236 = arith.constant 0 : i32
    %dma_wait3A_1237 = tpu.memref_slice %dma_wait3A_1234[%dma_wait3A_1235, %dma_wait3A_1236] : memref<1024x768xf32, #tpu.memory_space<hbm>> -> memref<64x768xf32, #tpu.memory_space<hbm>>
    %dma_wait3A_1238 = arith.constant 0 : i32
    %dma_wait3A_1239 = arith.constant 0 : i32
    %dma_wait3A_1240 = tpu.memref_slice %arg4[%add3A, %dma_wait3A_1238, %dma_wait3A_1239] : memref<32x1024x768xf32, #tpu.memory_space<hbm>> -> memref<1x1024x768xf32, #tpu.memory_space<hbm>>
    %dma_wait3A_1241 = tpu.memref_squeeze %dma_wait3A_1240 : memref<1x1024x768xf32, #tpu.memory_space<hbm>> -> memref<1024x768xf32, #tpu.memory_space<hbm>>
    %dma_wait3A_1242 = arith.constant 960 : i32
    %dma_wait3A_1243 = arith.constant 0 : i32
    %dma_wait3A_1244 = tpu.memref_slice %dma_wait3A_1241[%dma_wait3A_1242, %dma_wait3A_1243] : memref<1024x768xf32, #tpu.memory_space<hbm>> -> memref<64x768xf32, #tpu.memory_space<hbm>>
    tpu.wait_dma2 semaphore(%arg13 : memref<!tpu.dma_semaphore, #tpu.memory_space<semaphore_mem>>) src(%arg9 : memref<64x768xf32, #tpu.memory_space<vmem>>) dst(%dma_wait3A_1244 : memref<64x768xf32, #tpu.memory_space<hbm>>)
    return
  }
}

</mosaic_0001>

<sc_bundles>
// kernel: kernel.3.cloned.1.call-start
scs
__scs_entry_jumppad:
0x0: {  	(pc) =	sbr.rel $0x88, $3  }
0x1: {  	(tag) =	ssettag $0x0;
	lr =	simm.s32 $0x1  }
0x2: {  	[smem:$0x3F9F] =	sst lr;
	_ =	strace $0xD0000000  }
0x3: {  	_ = 	snop  }
0x4: {  	_ = 	snop  }
0x5: {  	_ = 	snop  }
0x6: {  	_ = 	snop  }
0x7: {  	_ = 	snop  }
__scs_overlays_trampoline_lowered:
0x8: {  	[smem:$0x3FAE] =	sst s0  }
0x9: {  	[smem:$0x3FAF] =	sst s1  }
0xa: {  	[smem:$0x3FB0] =	sst s2  }
0xb: {  	[smem:$0x3FB1] =	sst s3  }
0xc: {  	[smem:$0x3FB2] =	sst s4  }
0xd: {  	[smem:$0x3FB3] =	sst s5  }
0xe: {  	[smem:$0x3FB4] =	sst s6  }
0xf: {  	[smem:$0x3FB5] =	sst s7  }
0x10: {  	[smem:$0x3FB6] =	sst s8  }
0x11: {  	[smem:$0x3FB7] =	sst s9;
	s0 =	simm.s32 @!p0 $0x0  }
0x12: {  	s1 =	sld [smem:$0x3F9D];
	s0 =	simm.s32 @p0 $0x1  }
0x13: {  	[smem:$0x3FB8] =	sst s0;
	s0 =	simm.s32 @!p1 $0x0  }
0x14: {  	s2 =	sld [smem:$0x3F9C];
	s0 =	simm.s32 @p1 $0x1  }
0x15: {  	[smem:$0x3FB9] =	sst s0;
	s0 =	simm.s32 @!p2 $0x0  }
0x16: {  	s3 =	sld [smem:$0x3FDB];
	s0 =	simm.s32 @p2 $0x1  }
0x17: {  	s4 =	simm.s32 $0x1BF5;
	[smem:$0x3FBB] =	sst s0  }
0x18: {  	s0 =	sld [smem:$0x3F9E];
	_ =	swait.ge [sflag:s4], $0x0  }
0x19: {  	s7 =	sld [smem:$0x3F9F]  }
0x1a: {  	s8 =	sadd.s32 $0xFFFFE003, lr  }
0x1b: {  	s9 =	sadd.s32 $0xFFFFFEF7, lr;
	s5 =	simm.s32 $0xFFFFFFFF;
	p2 =	slt.u32 s8, $0xFFFFF086  }
0x1c: {  	p1 =	slt.u32 s9, $0xF7A;
	s5 =	simm.s32 @!p2 $0x0  }
0x1d: {  	s5 =	simm.s32 @p1 $0x1;
	p0 =	seq.s32 s7, s2  }
0x1e: {  	s7 =	smul.u32 @!p0 $0xF7A, s2;
	p2 =	seq.s32 @!p0 s5, $0x0  }
0x1f: {  	s9 =	smul.u32 $0xF7A, s1;
	s8 =	simm.s32 @!p0 $0x1BF5;
	p2 =	por !p2, p0  }
0x20: {  	[sflag:s8] =	ssyncset.s32 @!p0 $0xFFFFF086;
	s6 =	sadd.s32 @!p0 s3, s7;
	s7 =	simm.s32 @!p0 $0x108  }
0x21: {  	s3 =	sadd.s32 s3, s9;
	s6 =	sadd.s32 @!p0 $0x88, s6;
	s7 =	simm.s32 @p2 $0x1082  }
0x22: {  	[simem:s7], [sflag:s8] =	dma.local @!p0 [hbm:s6], $0xF7A  }
0x23: {  	s9 =	sor.u32 $0xD0000000, s2;
	s6 =	simm.s32 $0x108;
	_ =	swait.ge @!p0 [sflag:s8], $0x0  }
0x24: {  	s3 =	sadd.s32 $0x88, s3;
	s6 =	simm.s32 @!p1 $0x1082;
	[sflag:s4] =	ssyncset.s32 $0xFFFFF086  }
0x25: {  	[simem:s6], [sflag:s4] =	dma.local [hbm:s3], $0xF7A  }
0x26: {  	[smem:$0x3F9F] =	sst s1;
	(tag) =	ssettag s2;
	_ =	strace s9  }
0x27: {  	s1 =	sld [smem:$0x3FAF]  }
0x28: {  	s2 =	sld [smem:$0x3FB0]  }
0x29: {  	s4 =	sld [smem:$0x3FB2]  }
0x2a: {  	p0 =	seq.s32 s5, $0x0;
	s5 =	sld [smem:$0x3FB3]  }
0x2b: {  	s6 =	sld [smem:$0x3FB4]  }
0x2c: {  	s7 =	sld [smem:$0x3FB5]  }
0x2d: {  	s3 =	simm.s32 $0x108;
	s8 =	sld [smem:$0x3FB6]  }
0x2e: {  	s3 =	simm.s32 @!p0 $0x1082;
	s9 =	sld [smem:$0x3FB7]  }
0x2f: {  	lr =	sadd.s32 s0, s3;
	s0 =	sld [smem:$0x3FAE]  }
0x30: {  	s3 =	sld [smem:$0x3FB1]  }
0x31: {  	[smem:$0x3FBA] =	sst s10  }
0x32: {  	s10 =	sld [smem:$0x3FB8];
	_ =	sdelay $0x3  }
0x33: {  	p0 =	seq.s32 s10, $0x1;
	s10 =	sld [smem:$0x3FBA];
	_ =	sdelay $0x3  }
0x34: {  	[smem:$0x3FBA] =	sst s10  }
0x35: {  	s10 =	sld [smem:$0x3FB9];
	_ =	sdelay $0x3  }
0x36: {  	p1 =	seq.s32 s10, $0x1;
	s10 =	sld [smem:$0x3FBA];
	_ =	sdelay $0x3  }
0x37: {  	[smem:$0x3FBA] =	sst s10  }
0x38: {  	s10 =	sld [smem:$0x3FBB]  }
0x39: {  	_ = 	snop;
	(pc) =	sbr.ind lr, $3  }
0x3a: {  	_ = 	snop  }
0x3b: {  	_ = 	snop  }
0x3c: {  	p2 =	seq.s32 s10, $0x1;
	s10 =	sld [smem:$0x3FBA]  }
0x3d: {  	_ =	shalt  }
0x3e: {  	_ =	shalt  }
0x3f: {  	_ =	shalt  }
0x40: {  	_ =	shalt  }
0x41: {  	_ =	shalt  }
0x42: {  	_ =	shalt  }
0x43: {  	_ =	shalt  }
0x44: {  	_ =	shalt  }
0x45: {  	_ =	shalt  }
0x46: {  	_ =	shalt  }
0x47: {  	_ =	shalt  }
0x48: {  	_ =	shalt  }
0x49: {  	_ =	shalt  }
0x4a: {  	_ =	shalt  }
0x4b: {  	_ =	shalt  }
0x4c: {  	_ =	shalt  }
0x4d: {  	_ =	shalt  }
0x4e: {  	_ =	shalt  }
0x4f: {  	_ =	shalt  }
0x50: {  	_ =	shalt  }
0x51: {  	_ =	shalt  }
0x52: {  	_ =	shalt  }
0x53: {  	_ =	shalt  }
0x54: {  	_ =	shalt  }
0x55: {  	_ =	shalt  }
0x56: {  	_ =	shalt  }
0x57: {  	_ =	shalt  }
0x58: {  	_ =	shalt  }
0x59: {  	_ =	shalt  }
0x5a: {  	_ =	shalt  }
0x5b: {  	_ =	shalt  }
0x5c: {  	_ =	shalt  }
0x5d: {  	_ =	shalt  }
0x5e: {  	_ =	shalt  }
0x5f: {  	_ =	shalt  }
0x60: {  	_ =	shalt  }
0x61: {  	_ =	shalt  }
0x62: {  	_ =	shalt  }
0x63: {  	_ =	shalt  }
0x64: {  	_ =	shalt  }
0x65: {  	_ =	shalt  }
0x66: {  	_ =	shalt  }
0x67: {  	_ =	shalt  }
0x68: {  	_ =	shalt  }
0x69: {  	_ =	shalt  }
0x6a: {  	_ =	shalt  }
0x6b: {  	_ =	shalt  }
0x6c: {  	_ =	shalt  }
0x6d: {  	_ =	shalt  }
0x6e: {  	_ =	shalt  }
0x6f: {  	_ =	shalt  }
0x70: {  	_ =	shalt  }
0x71: {  	_ =	shalt  }
0x72: {  	_ =	shalt  }
0x73: {  	_ =	shalt  }
0x74: {  	_ =	shalt  }
0x75: {  	_ =	shalt  }
0x76: {  	_ =	shalt  }
0x77: {  	_ =	shalt  }
0x78: {  	_ =	shalt  }
0x79: {  	_ =	shalt  }
0x7a: {  	_ =	shalt  }
0x7b: {  	_ =	shalt  }
0x7c: {  	_ =	shalt  }
0x7d: {  	_ =	shalt  }
0x7e: {  	_ =	shalt  }
0x7f: {  	_ =	shalt  }
0x80: {  	_ =	shalt  }
0x81: {  	_ =	shalt  }
0x82: {  	_ =	shalt  }
0x83: {  	_ =	shalt  }
0x84: {  	_ =	shalt  }
0x85: {  	_ =	shalt  }
0x86: {  	_ =	shalt  }
0x87: {  	_ =	shalt  }
.Lfunc_end0:
.L_simem_size_0:
called_computation_lowered:
.L_overlay_start_0:
0x88: {  	s2 =	sld [smem:$0x3FD9]  }
0x89: {  	s3 =	sld [smem:$0x3FFE];
	_ =	sdelay $0x1  }
0x8a: {  	s1 =	srdreg.scid  }
0x8b: {  	s0 =	sand.u32 $0x1, s1  }
0x8c: {  	s18 =	sshll.u32 s0, $0xA;
	s2 =	sadd.s32 s3, s2  }
0x8d: {  	s2 =	sadd.s32 s2, s18  }
0x8e: {  	[smem:$0x3FC6] =	sst s2  }
0x8f: {  	_ = 	snop  }
0x90: {  	s2 =	sld [smem:$0x3FC9]  }
0x91: {  	s19 =	sld [smem:$0x3FC8]  }
0x92: {  	s4 =	sld [smem:$0x3FD0];
	(tm) =	ssettm $0x1  }
0x93: {  	s5 =	sld [smem:$0x3FFB];
	_ =	sdelay $0x3  }
0x94: {  	_ =	strace s5  }
0x95: {  	s5 =	sld [smem:$0x3FFC];
	_ =	sdelay $0x3  }
0x96: {  	_ =	strace s5  }
0x97: {  	s5 =	sld [smem:$0x3FFD];
	_ =	sdelay $0x3  }
0x98: {  	_ =	strace s5  }
0x99: {  	_ =	strace $0x8FFFFFFF  }
0x9a: {  	s20 =	sld [smem:$0x3FDB];
	_ =	sdelay $0x1  }
0x9b: {  	s6 =	simm.s32 $_scs_section_size  }
0x9c: {  	s7 =	simm.s32 $_size__tile_overlayer_lowered;
	s8 =	simm.s32 $_tile_overlayer_lowered  }
0x9d: {  	s23 =	simm.s32 $0x1BFF;
	s22 =	sshll.u32 s8, $0x1;
	s5 =	sadd.s32 s6, s20  }
0x9e: {  	s9 =	simm.s32 $0x0;
	s21 =	sshll.u32 s7, $0x1;
	s7 =	sadd.s32 s22, s5  }
0x9f: {  	[timem:s9], [sflag:s23] =	dma.local [hbm:s7], s21  }
0xa0: {  	_ =	swait.ge [sflag:s23], s21  }
0xa1: {  	s6 =	ssub.s32 $0x0, s21;
	[sflag:s23] =	ssyncset.done $0x0  }
0xa2: {  	[sflag:s23] =	ssyncadd.s32 s6;
	_ =	sdelay $0x1  }
0xa3: {  	s24 =	simm.s32 $0x1B8B  }
0xa4: {  	_ =	swait.ge [sflag:s24], $0x1  }
0xa5: {  	[sflag:s24] =	ssyncset.done $0x0  }
0xa6: {  	s25 =	simm.s32 $0x1B8E;
	[sflag:s24] =	ssyncadd.s32 $0xFFFFFFFF  }
0xa7: {  	s26 =	simm.s32 $execute0_lowered;
	[smem:$0x3FD2] =	sst s25  }
0xa8: {  	s6 =	sshll.u32 s26, $0x1;
	_ =	strace $0x80000046;
	[dreg:$0x1] =	wrdreg $0xFFFFFFFF  }
0xa9: {  	s28 =	simm.s32 $_size_execute0_lowered;
	s5 =	sadd.s32 s5, s6;
	[dreg:$0x0] =	wrdreg $0x0  }
0xaa: {  	s6 =	sshll.u32 s28, $0x1;
	[dreg:$0x2] =	wrdreg s5  }
0xab: {  	[dreg:$0x3] =	wrdreg s6  }
0xac: {  	[dreg:$0x4] =	wrdreg $0xC0  }
0xad: {  	_ =	task [dreg:s9], $0x5FFFF  }
0xae: {  	[dreg:$0x1] =	wrdreg $0xFFFFFFFF  }
0xaf: {  	[dreg:$0x0] =	wrdreg $0x60  }
0xb0: {  	[dreg:$0x2] =	wrdreg s2  }
0xb1: {  	[dreg:$0x3] =	wrdreg s19  }
0xb2: {  	[dreg:$0x4] =	wrdreg s4  }
0xb3: {  	[dreg:$0x5] =	wrdreg $0x9  }
0xb4: {  	_ =	task.clear_ibuf [dreg:s9], $0x6FFFF;
	_ =	strace $0x90000046  }
0xb5: {  	s29 =	simm.s32 $0x9;
	_ =	strace $0x80000048  }
0xb6: {  	_ =	swait.ge [sflag:s29], $0x1  }
0xb7: {  	[sflag:s29] =	ssyncadd.s32 $0xFFFFFFFF  }
0xb8: {  	_ =	strace $0x90000048  }
0xb9: {  	_ =	sfence  }
0xba: {  	s30 =	sld [smem:$0x0];
	_ =	sdelay $0x2  }
0xbb: {  	s31 =	sshll.u32 s1, $0xD;
	s1 =	sshrl.u32 s1, $0x2  }
0xbc: {  	s3 =	sand.u32 $0x4000, s31;
	s1 =	sadd.s32 s1, s30  }
0xbd: {  	s0 =	sor.u32 s3, s0;
	s1 =	sshll.u32 s1, $0x11  }
0xbe: {  	s0 =	sor.u32 s1, s0  }
0xbf: {  	s0 =	sadd.s32 $0x8F2B, s0  }
0xc0: {  	[sflag:s0] =	ssyncadd.remote.s32 $0x1  }
0xc1: {  	_ =	sfence.sel $0xFFFF  }
0xc2: {  	[dreg:$0x0] =	wrdreg $0xFFFFFFFF;
	(pc) =	sbr.abs _section_cstart, $3  }
0xc3: {  	[dreg:$0x1] =	wrdreg $0xFFFFFFFF  }
0xc4: {  	_ =	task.clear_ibuf [dreg:s9], $0x2FFFF;
	_ =	strace $0x9FFFFFFF  }
0xc5: {  	(tm) =	ssettm $0x7FFFFFFF  }
tec
execute0_lowered:
.L_overlay_start_1:
0x0: {  	(tag) =	ssettag $0x1  }
0x1: {  	vm0 =	vmmov $0xffff;
	v0 =	vlaneseq.u32  }
0x2: {  	v1 =	vor.u32 $0x10, v0;
	v10 =	vor.u32 $0xA0, v0;
	v11 =	vor.u32 $0xB0, v0  }
0x3: {  	v12 =	vor.u32 $0xC0, v0;
	v13 =	vor.u32 $0xD0, v0;
	v14 =	vor.u32 $0xE0, v0  }
0x4: {  	v15 =	vor.u32 $0xF0, v0;
	v16 =	vor.u32 $0x100, v0;
	v17 =	vor.u32 $0x110, v0  }
0x5: {  	v18 =	vor.u32 $0x120, v0;
	v19 =	vor.u32 $0x130, v0;
	v20 =	vor.u32 $0x140, v0  }
0x6: {  	v21 =	vor.u32 $0x150, v0;
	v22 =	vor.u32 $0x160, v0;
	v23 =	vor.u32 $0x170, v0  }
0x7: {  	v24 =	vor.u32 $0x180, v0;
	v25 =	vor.u32 $0x190, v0;
	v26 =	vor.u32 $0x1A0, v0  }
0x8: {  	v27 =	vor.u32 $0x1B0, v0;
	v28 =	vor.u32 $0x1C0, v0;
	v29 =	vor.u32 $0x1D0, v0  }
0x9: {  	v30 =	vor.u32 $0x1E0, v0;
	v31 =	vor.u32 $0x1F0, v0;
	v32 =	vor.u32 $0x200, v0  }
0xa: {  	s0 =	rddreg [dreg:$0x0];
	v33 =	vor.u32 $0x210, v0;
	v34 =	vor.u32 $0x220, v0;
	v35 =	vor.u32 $0x230, v0  }
0xb: {  	s1 =	rddreg [dreg:$0x1];
	s2 =	stileid.u32;
	v36 =	vor.u32 $0x240, v0;
	v37 =	vor.u32 $0x250, v0;
	v38 =	vor.u32 $0x260, v0  }
0xc: {  	[dreg:$0x4] =	wrdreg s1;
	s3 =	sshll.u32 s2, $0x1;
	s2 =	simm.s32 $0x0;
	v39 =	vor.u32 $0x270, v0;
	v40 =	vor.u32 $0x280, v0;
	v41 =	vor.u32 $0x290, v0  }
0xd: {  	v42 =	vor.u32 $0x2A0, v0;
	v43 =	vor.u32 $0x2B0, v0;
	v44 =	vor.u32 $0x2C0, v0;
	[smem:$0x7FF] =	sst s2  }
0xe: {  	s4 =	rddreg [dreg:$0x2];
	v45 =	vor.u32 $0x2D0, v0;
	v46 =	vor.u32 $0x2E0, v0;
	_ =	strace $0x80000047;
	[tilespmem:$0x1FF70] =	vst v1;
	v1 =	vor.u32 $0x20, v0  }
0xf: {  	v47 =	vor.u32 $0x2F0, v0;
	v48 =	vor.u32 $0x300, v0;
	[tilespmem:$0x1FF80] =	vst v1;
	v1 =	vor.u32 $0x30, v0  }
0x10: {  	s30 =	srdreg.scid;
	v49 =	vor.u32 $0x310, v0;
	v50 =	vor.u32 $0x320, v0;
	[tilespmem:$0x1FF90] =	vst v1;
	v1 =	vor.u32 $0x40, v0  }
0x11: {  	s7 =	simm.s32 $0x400;
	s26 =	simm.s32 $0x1;
	s1 =	sand.u32 $0x1, s30;
	v51 =	vor.u32 $0x330, v0;
	v52 =	vor.u32 $0x340, v0;
	[tilespmem:$0x1FFA0] =	vst v1;
	v1 =	vor.u32 $0x50, v0  }
0x12: {  	s15 =	simm.s32 $0x2;
	s16 =	simm.s32 $0x3;
	v53 =	vor.u32 $0x350, v0;
	v54 =	vor.u32 $0x360, v0;
	s3 =	sor.u32 s1, s3;
	[tilespmem:$0x1FFB0] =	vst v1;
	v1 =	vor.u32 $0x60, v0  }
0x13: {  	s17 =	simm.s32 $0x4;
	v55 =	vor.u32 $0x370, v0;
	v56 =	vor.u32 $0x380, v0;
	s1 =	ssub.s32 $0x2, s1;
	s5 =	smul.u32 $0x18000, s3;
	[tilespmem:$0x1FFC0] =	vst v1;
	v1 =	vor.u32 $0x70, v0  }
0x14: {  	s28 =	simm.s32 $0x880;
	s29 =	simm.s32 $0xC880;
	v57 =	vor.u32 $0x390, v0;
	v58 =	vor.u32 $0x3A0, v0;
	s31 =	sshrl.u32 s1, $0x1;
	[tilespmem:$0x1FFD0] =	vst v1;
	v1 =	vor.u32 $0x80, v0  }
0x15: {  	v59 =	vor.u32 $0x3B0, v0;
	v60 =	vor.u32 $0x3C0, v0;
	s1 =	ssub.s32 s1, s31;
	s3 =	sadd.s32 s0, s5;
	s4 =	sadd.s32 s4, s5;
	[tilespmem:$0x1FFE0] =	vst v1;
	v1 =	vor.u32 $0x90, v0  }
0x16: {  	v61 =	vor.u32 $0x3D0, v0;
	v62 =	vor.u32 $0x3E0, v0;
	v63 =	vor.u32 $0x3F0, v0;
	s0 =	smax.u32 s1, $0x1;
	s9 =	sadd.s32 $0x100, s3;
	s11 =	sadd.s32 $0x200, s3;
	[tilespmem:$0x1FFF0] =	vst v1  }
.LBB2_1:
0x17: {  	[dreg:$0x5] =	wrdreg s0  }
0x18: {  	s18 =	rddreg [dreg:$0x4];
	s5 =	simm.s32 $0x5  }
0x19: {  	[tilespmem:s2], [sflag:$0x5] =	stream.linear.gather [hbm4b:s18+s2], $0x400, $0x38;
	[tilespmem:$0x18880] =	vst v63  }
0x1a: {  	_ =	swait.ge [sflag:s5], $0x400  }
0x1b: {  	[sflag:s5] =	ssyncset.done $0x0  }
0x1c: {  	[sflag:s5] =	ssyncadd.s32 $0xFFFFFC00  }
0x1d: {  	v1 =	vld [tilespmem:$0x0];
	_ =	sdelay $0x7  }
0x1e: {  	[tilespmem:v1+s7+$0x0] =	vst.idx.msk $0xffff, v0  }
0x1f: {  	v1 =	vld [tilespmem:$0x10];
	_ =	sdelay $0x2  }
0x20: {  	v2 =	vld [tilespmem:$0x1FF70];
	_ =	sdelay $0x4  }
0x21: {  	[tilespmem:v1+s7+$0x0] =	vst.idx.msk $0xffff, v2  }
0x22: {  	v1 =	vld [tilespmem:$0x20];
	_ =	sdelay $0x2  }
0x23: {  	v2 =	vld [tilespmem:$0x1FF80];
	_ =	sdelay $0x4  }
0x24: {  	[tilespmem:v1+s7+$0x0] =	vst.idx.msk $0xffff, v2  }
0x25: {  	v1 =	vld [tilespmem:$0x30];
	_ =	sdelay $0x2  }
0x26: {  	v2 =	vld [tilespmem:$0x1FF90];
	_ =	sdelay $0x4  }
0x27: {  	[tilespmem:v1+s7+$0x0] =	vst.idx.msk $0xffff, v2  }
0x28: {  	v1 =	vld [tilespmem:$0x40];
	_ =	sdelay $0x2  }
0x29: {  	v2 =	vld [tilespmem:$0x1FFA0];
	_ =	sdelay $0x4  }
0x2a: {  	[tilespmem:v1+s7+$0x0] =	vst.idx.msk $0xffff, v2  }
0x2b: {  	v1 =	vld [tilespmem:$0x50];
	_ =	sdelay $0x2  }
0x2c: {  	v2 =	vld [tilespmem:$0x1FFB0];
	_ =	sdelay $0x4  }
0x2d: {  	[tilespmem:v1+s7+$0x0] =	vst.idx.msk $0xffff, v2  }
0x2e: {  	v1 =	vld [tilespmem:$0x60];
	_ =	sdelay $0x2  }
0x2f: {  	v2 =	vld [tilespmem:$0x1FFC0];
	_ =	sdelay $0x4  }
0x30: {  	[tilespmem:v1+s7+$0x0] =	vst.idx.msk $0xffff, v2  }
0x31: {  	v1 =	vld [tilespmem:$0x70];
	_ =	sdelay $0x2  }
0x32: {  	v2 =	vld [tilespmem:$0x1FFD0];
	_ =	sdelay $0x4  }
0x33: {  	[tilespmem:v1+s7+$0x0] =	vst.idx.msk $0xffff, v2  }
0x34: {  	v1 =	vld [tilespmem:$0x80];
	_ =	sdelay $0x2  }
0x35: {  	v2 =	vld [tilespmem:$0x1FFE0];
	_ =	sdelay $0x4  }
0x36: {  	[tilespmem:v1+s7+$0x0] =	vst.idx.msk $0xffff, v2  }
0x37: {  	v1 =	vld [tilespmem:$0x90];
	_ =	sdelay $0x2  }
0x38: {  	v2 =	vld [tilespmem:$0x1FFF0];
	_ =	sdelay $0x4  }
0x39: {  	[tilespmem:v1+s7+$0x0] =	vst.idx.msk $0xffff, v2  }
0x3a: {  	v1 =	vld [tilespmem:$0xA0];
	_ =	sdelay $0x7  }
0x3b: {  	[tilespmem:v1+s7+$0x0] =	vst.idx.msk $0xffff, v10  }
0x3c: {  	v1 =	vld [tilespmem:$0xB0];
	_ =	sdelay $0x7  }
0x3d: {  	[tilespmem:v1+s7+$0x0] =	vst.idx.msk $0xffff, v11  }
0x3e: {  	v1 =	vld [tilespmem:$0xC0];
	_ =	sdelay $0x7  }
0x3f: {  	[tilespmem:v1+s7+$0x0] =	vst.idx.msk $0xffff, v12  }
0x40: {  	v1 =	vld [tilespmem:$0xD0];
	_ =	sdelay $0x7  }
0x41: {  	[tilespmem:v1+s7+$0x0] =	vst.idx.msk $0xffff, v13  }
0x42: {  	v1 =	vld [tilespmem:$0xE0];
	_ =	sdelay $0x7  }
0x43: {  	[tilespmem:v1+s7+$0x0] =	vst.idx.msk $0xffff, v14  }
0x44: {  	v1 =	vld [tilespmem:$0xF0];
	_ =	sdelay $0x7  }
0x45: {  	[tilespmem:v1+s7+$0x0] =	vst.idx.msk $0xffff, v15  }
0x46: {  	v1 =	vld [tilespmem:$0x100];
	_ =	sdelay $0x7  }
0x47: {  	[tilespmem:v1+s7+$0x0] =	vst.idx.msk $0xffff, v16  }
0x48: {  	v1 =	vld [tilespmem:$0x110];
	_ =	sdelay $0x7  }
0x49: {  	[tilespmem:v1+s7+$0x0] =	vst.idx.msk $0xffff, v17  }
0x4a: {  	v1 =	vld [tilespmem:$0x120];
	_ =	sdelay $0x7  }
0x4b: {  	[tilespmem:v1+s7+$0x0] =	vst.idx.msk $0xffff, v18  }
0x4c: {  	v1 =	vld [tilespmem:$0x130];
	_ =	sdelay $0x7  }
0x4d: {  	[tilespmem:v1+s7+$0x0] =	vst.idx.msk $0xffff, v19  }
0x4e: {  	v1 =	vld [tilespmem:$0x140];
	_ =	sdelay $0x7  }
0x4f: {  	[tilespmem:v1+s7+$0x0] =	vst.idx.msk $0xffff, v20  }
0x50: {  	v1 =	vld [tilespmem:$0x150];
	_ =	sdelay $0x7  }
0x51: {  	[tilespmem:v1+s7+$0x0] =	vst.idx.msk $0xffff, v21  }
0x52: {  	v1 =	vld [tilespmem:$0x160];
	_ =	sdelay $0x7  }
0x53: {  	[tilespmem:v1+s7+$0x0] =	vst.idx.msk $0xffff, v22  }
0x54: {  	v1 =	vld [tilespmem:$0x170];
	_ =	sdelay $0x7  }
0x55: {  	[tilespmem:v1+s7+$0x0] =	vst.idx.msk $0xffff, v23  }
0x56: {  	v1 =	vld [tilespmem:$0x180];
	_ =	sdelay $0x7  }
0x57: {  	[tilespmem:v1+s7+$0x0] =	vst.idx.msk $0xffff, v24  }
0x58: {  	v1 =	vld [tilespmem:$0x190];
	_ =	sdelay $0x7  }
0x59: {  	[tilespmem:v1+s7+$0x0] =	vst.idx.msk $0xffff, v25  }
0x5a: {  	v1 =	vld [tilespmem:$0x1A0];
	_ =	sdelay $0x7  }
0x5b: {  	[tilespmem:v1+s7+$0x0] =	vst.idx.msk $0xffff, v26  }
0x5c: {  	v1 =	vld [tilespmem:$0x1B0];
	_ =	sdelay $0x7  }
0x5d: {  	[tilespmem:v1+s7+$0x0] =	vst.idx.msk $0xffff, v27  }
0x5e: {  	v1 =	vld [tilespmem:$0x1C0];
	_ =	sdelay $0x7  }
0x5f: {  	[tilespmem:v1+s7+$0x0] =	vst.idx.msk $0xffff, v28  }
0x60: {  	v1 =	vld [tilespmem:$0x1D0];
	_ =	sdelay $0x7  }
0x61: {  	[tilespmem:v1+s7+$0x0] =	vst.idx.msk $0xffff, v29  }
0x62: {  	v1 =	vld [tilespmem:$0x1E0];
	_ =	sdelay $0x7  }
0x63: {  	[tilespmem:v1+s7+$0x0] =	vst.idx.msk $0xffff, v30  }
0x64: {  	v1 =	vld [tilespmem:$0x1F0];
	_ =	sdelay $0x7  }
0x65: {  	[tilespmem:v1+s7+$0x0] =	vst.idx.msk $0xffff, v31  }
0x66: {  	v1 =	vld [tilespmem:$0x200];
	_ =	sdelay $0x7  }
0x67: {  	[tilespmem:v1+s7+$0x0] =	vst.idx.msk $0xffff, v32  }
0x68: {  	v1 =	vld [tilespmem:$0x210];
	_ =	sdelay $0x7  }
0x69: {  	[tilespmem:v1+s7+$0x0] =	vst.idx.msk $0xffff, v33  }
0x6a: {  	v1 =	vld [tilespmem:$0x220];
	_ =	sdelay $0x7  }
0x6b: {  	[tilespmem:v1+s7+$0x0] =	vst.idx.msk $0xffff, v34  }
0x6c: {  	v1 =	vld [tilespmem:$0x230];
	_ =	sdelay $0x7  }
0x6d: {  	[tilespmem:v1+s7+$0x0] =	vst.idx.msk $0xffff, v35  }
0x6e: {  	v1 =	vld [tilespmem:$0x240];
	_ =	sdelay $0x7  }
0x6f: {  	[tilespmem:v1+s7+$0x0] =	vst.idx.msk $0xffff, v36  }
0x70: {  	v1 =	vld [tilespmem:$0x250];
	_ =	sdelay $0x7  }
0x71: {  	[tilespmem:v1+s7+$0x0] =	vst.idx.msk $0xffff, v37  }
0x72: {  	v1 =	vld [tilespmem:$0x260];
	_ =	sdelay $0x7  }
0x73: {  	[tilespmem:v1+s7+$0x0] =	vst.idx.msk $0xffff, v38  }
0x74: {  	v1 =	vld [tilespmem:$0x270];
	_ =	sdelay $0x7  }
0x75: {  	[tilespmem:v1+s7+$0x0] =	vst.idx.msk $0xffff, v39  }
0x76: {  	v1 =	vld [tilespmem:$0x280];
	_ =	sdelay $0x7  }
0x77: {  	[tilespmem:v1+s7+$0x0] =	vst.idx.msk $0xffff, v40  }
0x78: {  	v1 =	vld [tilespmem:$0x290];
	_ =	sdelay $0x7  }
0x79: {  	[tilespmem:v1+s7+$0x0] =	vst.idx.msk $0xffff, v41  }
0x7a: {  	v1 =	vld [tilespmem:$0x2A0];
	_ =	sdelay $0x7  }
0x7b: {  	[tilespmem:v1+s7+$0x0] =	vst.idx.msk $0xffff, v42  }
0x7c: {  	v1 =	vld [tilespmem:$0x2B0];
	_ =	sdelay $0x7  }
0x7d: {  	[tilespmem:v1+s7+$0x0] =	vst.idx.msk $0xffff, v43  }
0x7e: {  	v1 =	vld [tilespmem:$0x2C0];
	_ =	sdelay $0x7  }
0x7f: {  	[tilespmem:v1+s7+$0x0] =	vst.idx.msk $0xffff, v44  }
0x80: {  	v1 =	vld [tilespmem:$0x2D0];
	_ =	sdelay $0x7  }
0x81: {  	[tilespmem:v1+s7+$0x0] =	vst.idx.msk $0xffff, v45  }
0x82: {  	v1 =	vld [tilespmem:$0x2E0];
	_ =	sdelay $0x7  }
0x83: {  	[tilespmem:v1+s7+$0x0] =	vst.idx.msk $0xffff, v46  }
0x84: {  	v1 =	vld [tilespmem:$0x2F0];
	_ =	sdelay $0x7  }
0x85: {  	[tilespmem:v1+s7+$0x0] =	vst.idx.msk $0xffff, v47  }
0x86: {  	v1 =	vld [tilespmem:$0x300];
	_ =	sdelay $0x7  }
0x87: {  	[tilespmem:v1+s7+$0x0] =	vst.idx.msk $0xffff, v48  }
0x88: {  	v1 =	vld [tilespmem:$0x310];
	_ =	sdelay $0x7  }
0x89: {  	[tilespmem:v1+s7+$0x0] =	vst.idx.msk $0xffff, v49  }
0x8a: {  	v1 =	vld [tilespmem:$0x320];
	_ =	sdelay $0x7  }
0x8b: {  	[tilespmem:v1+s7+$0x0] =	vst.idx.msk $0xffff, v50  }
0x8c: {  	v1 =	vld [tilespmem:$0x330];
	_ =	sdelay $0x7  }
0x8d: {  	[tilespmem:v1+s7+$0x0] =	vst.idx.msk $0xffff, v51  }
0x8e: {  	v1 =	vld [tilespmem:$0x340];
	_ =	sdelay $0x7  }
0x8f: {  	[tilespmem:v1+s7+$0x0] =	vst.idx.msk $0xffff, v52  }
0x90: {  	v1 =	vld [tilespmem:$0x350];
	_ =	sdelay $0x7  }
0x91: {  	[tilespmem:v1+s7+$0x0] =	vst.idx.msk $0xffff, v53  }
0x92: {  	v1 =	vld [tilespmem:$0x360];
	_ =	sdelay $0x7  }
0x93: {  	[tilespmem:v1+s7+$0x0] =	vst.idx.msk $0xffff, v54  }
0x94: {  	v1 =	vld [tilespmem:$0x370];
	_ =	sdelay $0x7  }
0x95: {  	[tilespmem:v1+s7+$0x0] =	vst.idx.msk $0xffff, v55  }
0x96: {  	v1 =	vld [tilespmem:$0x380];
	_ =	sdelay $0x7  }
0x97: {  	[tilespmem:v1+s7+$0x0] =	vst.idx.msk $0xffff, v56  }
0x98: {  	v1 =	vld [tilespmem:$0x390];
	_ =	sdelay $0x7  }
0x99: {  	[tilespmem:v1+s7+$0x0] =	vst.idx.msk $0xffff, v57  }
0x9a: {  	v1 =	vld [tilespmem:$0x3A0];
	_ =	sdelay $0x7  }
0x9b: {  	[tilespmem:v1+s7+$0x0] =	vst.idx.msk $0xffff, v58  }
0x9c: {  	v1 =	vld [tilespmem:$0x3B0];
	_ =	sdelay $0x7  }
0x9d: {  	[tilespmem:v1+s7+$0x0] =	vst.idx.msk $0xffff, v59  }
0x9e: {  	v1 =	vld [tilespmem:$0x3C0];
	_ =	sdelay $0x7  }
0x9f: {  	[tilespmem:v1+s7+$0x0] =	vst.idx.msk $0xffff, v60  }
0xa0: {  	v1 =	vld [tilespmem:$0x3D0];
	_ =	sdelay $0x7  }
0xa1: {  	[tilespmem:v1+s7+$0x0] =	vst.idx.msk $0xffff, v61  }
0xa2: {  	v1 =	vld [tilespmem:$0x3E0];
	_ =	sdelay $0x7  }
0xa3: {  	[tilespmem:v1+s7+$0x0] =	vst.idx.msk $0xffff, v62  }
0xa4: {  	v1 =	vld [tilespmem:$0x3F0];
	_ =	sdelay $0x7  }
0xa5: {  	[tilespmem:v1+s7+$0x0] =	vst.idx.msk $0xffff, v63  }
0xa6: {  	v3 =	vld [tilespmem:$0x400];
	_ =	sdelay $0x4  }
0xa7: {  	v1 =	vshrl.u32 v3, $0x3  }
0xa8: {  	v1 =	vmul.u32 $0x30, v1  }
0xa9: {  	v2 =	vand.u32 $0x7, v3  }
0xaa: {  	v4 =	vld [tilespmem:$0x410];
	v5 =	vor.u32 v2, v1;
	v1 =	vand.u32 $0x7, v0;
	v2 =	vshrl.u32 v0, $0x3  }
0xab: {  	v6 =	vld [tilespmem:$0x420];
	v7 =	vperm.xlane v5, v1;
	v2 =	vmul.u32 $0x8, v2  }
0xac: {  	v8 =	vld [tilespmem:$0x430]  }
0xad: {  	v7 =	vadd.s32 v2, v7  }
0xae: {  	[tilespmem:$0x800] =	vst v3  }
0xaf: {  	[tilespmem:$0x810] =	vst v4  }
0xb0: {  	[tilespmem:$0x820] =	vst v6;
	v3 =	vor.u32 $0x8, v0  }
0xb1: {  	[tilespmem:$0x830] =	vst v8;
	v4 =	vperm.xlane v5, v3  }
0xb2: {  	[tilespmem:s28], [sflag:$0x1] =	stream.indirect_vreg.gather [hbm4b:s3+s2], $0x80, v7, vm0, $0xb8;
	[tilespmem:$0x18880] =	vst v63  }
0xb3: {  	s6 =	simm.s32 $0x1080;
	v4 =	vadd.s32 v2, v4  }
0xb4: {  	[tilespmem:s6], [sflag:$0x1] =	stream.indirect_vreg.gather [hbm4b:s9+s2], $0x80, v7, vm0, $0xb8;
	[tilespmem:$0x18880] =	vst v63  }
0xb5: {  	s8 =	simm.s32 $0x1880  }
0xb6: {  	[tilespmem:s8], [sflag:$0x1] =	stream.indirect_vreg.gather [hbm4b:s11+s2], $0x80, v7, vm0, $0xb8;
	[tilespmem:$0x18880] =	vst v63  }
0xb7: {  	s10 =	simm.s32 $0x2080  }
0xb8: {  	[tilespmem:s10], [sflag:$0x1] =	stream.indirect_vreg.gather [hbm4b:s3+s2], $0x80, v4, vm0, $0xb8;
	[tilespmem:$0x18880] =	vst v63  }
0xb9: {  	s12 =	simm.s32 $0x2880  }
0xba: {  	[tilespmem:s12], [sflag:$0x1] =	stream.indirect_vreg.gather [hbm4b:s9+s2], $0x80, v4, vm0, $0xb8;
	[tilespmem:$0x18880] =	vst v63  }
0xbb: {  	s13 =	simm.s32 $0x3080  }
0xbc: {  	[tilespmem:s13], [sflag:$0x1] =	stream.indirect_vreg.gather [hbm4b:s11+s2], $0x80, v4, vm0, $0xb8;
	[tilespmem:$0x18880] =	vst v63  }
0xbd: {  	v4 =	vld [tilespmem:$0x810];
	_ =	sdelay $0x4  }
0xbe: {  	v5 =	vshrl.u32 v4, $0x3  }
0xbf: {  	v5 =	vmul.u32 $0x30, v5  }
0xc0: {  	v4 =	vand.u32 $0x7, v4  }
0xc1: {  	v4 =	vor.u32 v4, v5  }
0xc2: {  	v5 =	vperm.xlane v4, v1;
	_ =	sdelay $0x1  }
0xc3: {  	v5 =	vadd.s32 v2, v5;
	_ =	sdelay $0x3  }
0xc4: {  	s14 =	simm.s32 $0x3880;
	v4 =	vperm.xlane v4, v3  }
0xc5: {  	[tilespmem:s14], [sflag:$0x1] =	stream.indirect_vreg.gather [hbm4b:s3+s2], $0x80, v5, vm0, $0xb8;
	[tilespmem:$0x18880] =	vst v63  }
0xc6: {  	s18 =	simm.s32 $0x4080;
	v4 =	vadd.s32 v2, v4  }
0xc7: {  	[tilespmem:s18], [sflag:$0x1] =	stream.indirect_vreg.gather [hbm4b:s9+s2], $0x80, v5, vm0, $0xb8;
	[tilespmem:$0x18880] =	vst v63  }
0xc8: {  	s19 =	simm.s32 $0x4880  }
0xc9: {  	[tilespmem:s19], [sflag:$0x1] =	stream.indirect_vreg.gather [hbm4b:s11+s2], $0x80, v5, vm0, $0xb8;
	[tilespmem:$0x18880] =	vst v63  }
0xca: {  	s20 =	simm.s32 $0x5080  }
0xcb: {  	[tilespmem:s20], [sflag:$0x1] =	stream.indirect_vreg.gather [hbm4b:s3+s2], $0x80, v4, vm0, $0xb8;
	[tilespmem:$0x18880] =	vst v63  }
0xcc: {  	s21 =	simm.s32 $0x5880  }
0xcd: {  	[tilespmem:s21], [sflag:$0x1] =	stream.indirect_vreg.gather [hbm4b:s9+s2], $0x80, v4, vm0, $0xb8;
	[tilespmem:$0x18880] =	vst v63  }
0xce: {  	s22 =	simm.s32 $0x6080  }
0xcf: {  	[tilespmem:s22], [sflag:$0x1] =	stream.indirect_vreg.gather [hbm4b:s11+s2], $0x80, v4, vm0, $0xb8;
	[tilespmem:$0x18880] =	vst v63  }
0xd0: {  	v4 =	vld [tilespmem:$0x820];
	_ =	sdelay $0x4  }
0xd1: {  	v5 =	vshrl.u32 v4, $0x3  }
0xd2: {  	v5 =	vmul.u32 $0x30, v5  }
0xd3: {  	v4 =	vand.u32 $0x7, v4  }
0xd4: {  	v4 =	vor.u32 v4, v5  }
0xd5: {  	v5 =	vperm.xlane v4, v1;
	_ =	sdelay $0x1  }
0xd6: {  	v5 =	vadd.s32 v2, v5;
	_ =	sdelay $0x3  }
0xd7: {  	s23 =	simm.s32 $0x6880;
	v4 =	vperm.xlane v4, v3  }
0xd8: {  	[tilespmem:s23], [sflag:$0x1] =	stream.indirect_vreg.gather [hbm4b:s3+s2], $0x80, v5, vm0, $0xb8;
	[tilespmem:$0x18880] =	vst v63  }
0xd9: {  	s24 =	simm.s32 $0x7080;
	v4 =	vadd.s32 v2, v4  }
0xda: {  	[tilespmem:s24], [sflag:$0x1] =	stream.indirect_vreg.gather [hbm4b:s9+s2], $0x80, v5, vm0, $0xb8;
	[tilespmem:$0x18880] =	vst v63  }
0xdb: {  	s25 =	simm.s32 $0x7880  }
0xdc: {  	[tilespmem:s25], [sflag:$0x1] =	stream.indirect_vreg.gather [hbm4b:s11+s2], $0x80, v5, vm0, $0xb8;
	[tilespmem:$0x18880] =	vst v63  }
0xdd: {  	s30 =	simm.s32 $0x8080  }
0xde: {  	[tilespmem:s30], [sflag:$0x1] =	stream.indirect_vreg.gather [hbm4b:s3+s2], $0x80, v4, vm0, $0xb8;
	[tilespmem:$0x18880] =	vst v63  }
0xdf: {  	s31 =	simm.s32 $0x8880  }
0xe0: {  	[tilespmem:s31], [sflag:$0x1] =	stream.indirect_vreg.gather [hbm4b:s9+s2], $0x80, v4, vm0, $0xb8;
	[tilespmem:$0x18880] =	vst v63  }
0xe1: {  	s1 =	simm.s32 $0x9080  }
0xe2: {  	[tilespmem:s1], [sflag:$0x1] =	stream.indirect_vreg.gather [hbm4b:s11+s2], $0x80, v4, vm0, $0xb8;
	[tilespmem:$0x18880] =	vst v63  }
0xe3: {  	v4 =	vld [tilespmem:$0x830];
	_ =	sdelay $0x4  }
0xe4: {  	v5 =	vshrl.u32 v4, $0x3  }
0xe5: {  	v5 =	vmul.u32 $0x30, v5  }
0xe6: {  	v4 =	vand.u32 $0x7, v4  }
0xe7: {  	v4 =	vor.u32 v4, v5  }
0xe8: {  	v5 =	vperm.xlane v4, v1;
	_ =	sdelay $0x1  }
0xe9: {  	v5 =	vadd.s32 v2, v5;
	_ =	sdelay $0x3  }
0xea: {  	s5 =	simm.s32 $0x9880;
	v4 =	vperm.xlane v4, v3  }
0xeb: {  	[tilespmem:s5], [sflag:$0x1] =	stream.indirect_vreg.gather [hbm4b:s3+s2], $0x80, v5, vm0, $0xb8;
	[tilespmem:$0x18880] =	vst v63  }
0xec: {  	s6 =	simm.s32 $0xA080;
	v4 =	vadd.s32 v2, v4  }
0xed: {  	[tilespmem:s6], [sflag:$0x1] =	stream.indirect_vreg.gather [hbm4b:s9+s2], $0x80, v5, vm0, $0xb8;
	[tilespmem:$0x18880] =	vst v63  }
0xee: {  	s12 =	simm.s32 $0xA880  }
0xef: {  	[tilespmem:s12], [sflag:$0x1] =	stream.indirect_vreg.gather [hbm4b:s11+s2], $0x80, v5, vm0, $0xb8;
	[tilespmem:$0x18880] =	vst v63  }
0xf0: {  	s13 =	simm.s32 $0xB080  }
0xf1: {  	[tilespmem:s13], [sflag:$0x1] =	stream.indirect_vreg.gather [hbm4b:s3+s2], $0x80, v4, vm0, $0xb8;
	[tilespmem:$0x18880] =	vst v63  }
0xf2: {  	s18 =	simm.s32 $0xB880  }
0xf3: {  	[tilespmem:s18], [sflag:$0x1] =	stream.indirect_vreg.gather [hbm4b:s9+s2], $0x80, v4, vm0, $0xb8;
	[tilespmem:$0x18880] =	vst v63  }
0xf4: {  	s20 =	simm.s32 $0xC080  }
0xf5: {  	[tilespmem:s20], [sflag:$0x1] =	stream.indirect_vreg.gather [hbm4b:s11+s2], $0x80, v4, vm0, $0xb8;
	[tilespmem:$0x18880] =	vst v63  }
0xf6: {  	_ =	swait.ge [sflag:s26], $0xC000  }
0xf7: {  	[sflag:s26] =	ssyncset.done $0x0  }
0xf8: {  	[sflag:s26] =	ssyncadd.s32 $0xFFFF4000  }
0xf9: {  	[hbm4b:s4+s2] =	stream.linear.scatter [tilespmem:s28], [sflag:$0x3], $0xC000, $0x38;
	[tilespmem:$0x18880] =	vst v63  }
0xfa: {  	v4 =	vld [tilespmem:$0x440];
	_ =	sdelay $0x4  }
0xfb: {  	v5 =	vshrl.u32 v4, $0x3  }
0xfc: {  	v5 =	vmul.u32 $0x30, v5  }
0xfd: {  	v6 =	vand.u32 $0x7, v4  }
0xfe: {  	v7 =	vld [tilespmem:$0x450];
	v5 =	vor.u32 v6, v5  }
0xff: {  	v9 =	vld [tilespmem:$0x470];
	v8 =	vperm.xlane v5, v1  }
0x100: {  	v6 =	vld [tilespmem:$0x460]  }
0x101: {  	v8 =	vadd.s32 v2, v8  }
0x102: {  	[tilespmem:$0x800] =	vst v4  }
0x103: {  	[tilespmem:$0x810] =	vst v7  }
0x104: {  	[tilespmem:$0x830] =	vst v9  }
0x105: {  	v4 =	vperm.xlane v5, v3;
	[tilespmem:$0x820] =	vst v6  }
0x106: {  	[tilespmem:s29], [sflag:$0x2] =	stream.indirect_vreg.gather [hbm4b:s3+s2], $0x80, v8, vm0, $0xb8;
	[tilespmem:$0x18880] =	vst v63  }
0x107: {  	s21 =	simm.s32 $0xD080;
	v4 =	vadd.s32 v2, v4  }
0x108: {  	[tilespmem:s21], [sflag:$0x2] =	stream.indirect_vreg.gather [hbm4b:s9+s2], $0x80, v8, vm0, $0xb8;
	[tilespmem:$0x18880] =	vst v63  }
0x109: {  	s24 =	simm.s32 $0xD880  }
0x10a: {  	[tilespmem:s24], [sflag:$0x2] =	stream.indirect_vreg.gather [hbm4b:s11+s2], $0x80, v8, vm0, $0xb8;
	[tilespmem:$0x18880] =	vst v63  }
0x10b: {  	s25 =	simm.s32 $0xE080  }
0x10c: {  	[tilespmem:s25], [sflag:$0x2] =	stream.indirect_vreg.gather [hbm4b:s3+s2], $0x80, v4, vm0, $0xb8;
	[tilespmem:$0x18880] =	vst v63  }
0x10d: {  	s31 =	simm.s32 $0xE880  }
0x10e: {  	[tilespmem:s31], [sflag:$0x2] =	stream.indirect_vreg.gather [hbm4b:s9+s2], $0x80, v4, vm0, $0xb8;
	[tilespmem:$0x18880] =	vst v63  }
0x10f: {  	s0 =	simm.s32 $0xF080  }
0x110: {  	[tilespmem:s0], [sflag:$0x2] =	stream.indirect_vreg.gather [hbm4b:s11+s2], $0x80, v4, vm0, $0xb8;
	[tilespmem:$0x18880] =	vst v63  }
0x111: {  	v4 =	vld [tilespmem:$0x810];
	_ =	sdelay $0x4  }
0x112: {  	v5 =	vshrl.u32 v4, $0x3  }
0x113: {  	v5 =	vmul.u32 $0x30, v5  }
0x114: {  	v4 =	vand.u32 $0x7, v4  }
0x115: {  	v4 =	vor.u32 v4, v5  }
0x116: {  	v5 =	vperm.xlane v4, v1;
	_ =	sdelay $0x1  }
0x117: {  	v5 =	vadd.s32 v2, v5;
	_ =	sdelay $0x3  }
0x118: {  	s1 =	simm.s32 $0xF880;
	v4 =	vperm.xlane v4, v3  }
0x119: {  	[tilespmem:s1], [sflag:$0x2] =	stream.indirect_vreg.gather [hbm4b:s3+s2], $0x80, v5, vm0, $0xb8;
	[tilespmem:$0x18880] =	vst v63  }
0x11a: {  	s5 =	simm.s32 $0x10080;
	v4 =	vadd.s32 v2, v4  }
0x11b: {  	[tilespmem:s5], [sflag:$0x2] =	stream.indirect_vreg.gather [hbm4b:s9+s2], $0x80, v5, vm0, $0xb8;
	[tilespmem:$0x18880] =	vst v63  }
0x11c: {  	s6 =	simm.s32 $0x10880  }
0x11d: {  	[tilespmem:s6], [sflag:$0x2] =	stream.indirect_vreg.gather [hbm4b:s11+s2], $0x80, v5, vm0, $0xb8;
	[tilespmem:$0x18880] =	vst v63  }
0x11e: {  	s12 =	simm.s32 $0x11080  }
0x11f: {  	[tilespmem:s12], [sflag:$0x2] =	stream.indirect_vreg.gather [hbm4b:s3+s2], $0x80, v4, vm0, $0xb8;
	[tilespmem:$0x18880] =	vst v63  }
0x120: {  	s13 =	simm.s32 $0x11880  }
0x121: {  	[tilespmem:s13], [sflag:$0x2] =	stream.indirect_vreg.gather [hbm4b:s9+s2], $0x80, v4, vm0, $0xb8;
	[tilespmem:$0x18880] =	vst v63  }
0x122: {  	s20 =	simm.s32 $0x12080  }
0x123: {  	[tilespmem:s20], [sflag:$0x2] =	stream.indirect_vreg.gather [hbm4b:s11+s2], $0x80, v4, vm0, $0xb8;
	[tilespmem:$0x18880] =	vst v63  }
0x124: {  	v4 =	vld [tilespmem:$0x820];
	_ =	sdelay $0x4  }
0x125: {  	v5 =	vshrl.u32 v4, $0x3  }
0x126: {  	v5 =	vmul.u32 $0x30, v5  }
0x127: {  	v4 =	vand.u32 $0x7, v4  }
0x128: {  	v4 =	vor.u32 v4, v5  }
0x129: {  	v5 =	vperm.xlane v4, v1;
	_ =	sdelay $0x1  }
0x12a: {  	v5 =	vadd.s32 v2, v5;
	_ =	sdelay $0x3  }
0x12b: {  	s21 =	simm.s32 $0x12880;
	v4 =	vperm.xlane v4, v3  }
0x12c: {  	[tilespmem:s21], [sflag:$0x2] =	stream.indirect_vreg.gather [hbm4b:s3+s2], $0x80, v5, vm0, $0xb8;
	[tilespmem:$0x18880] =	vst v63  }
0x12d: {  	s24 =	simm.s32 $0x13080;
	v4 =	vadd.s32 v2, v4  }
0x12e: {  	[tilespmem:s24], [sflag:$0x2] =	stream.indirect_vreg.gather [hbm4b:s9+s2], $0x80, v5, vm0, $0xb8;
	[tilespmem:$0x18880] =	vst v63  }
0x12f: {  	s25 =	simm.s32 $0x13880  }
0x130: {  	[tilespmem:s25], [sflag:$0x2] =	stream.indirect_vreg.gather [hbm4b:s11+s2], $0x80, v5, vm0, $0xb8;
	[tilespmem:$0x18880] =	vst v63  }
0x131: {  	s0 =	simm.s32 $0x14080  }
0x132: {  	[tilespmem:s0], [sflag:$0x2] =	stream.indirect_vreg.gather [hbm4b:s3+s2], $0x80, v4, vm0, $0xb8;
	[tilespmem:$0x18880] =	vst v63  }
0x133: {  	s1 =	simm.s32 $0x14880  }
0x134: {  	[tilespmem:s1], [sflag:$0x2] =	stream.indirect_vreg.gather [hbm4b:s9+s2], $0x80, v4, vm0, $0xb8;
	[tilespmem:$0x18880] =	vst v63  }
0x135: {  	s5 =	simm.s32 $0x15080  }
0x136: {  	[tilespmem:s5], [sflag:$0x2] =	stream.indirect_vreg.gather [hbm4b:s11+s2], $0x80, v4, vm0, $0xb8;
	[tilespmem:$0x18880] =	vst v63  }
0x137: {  	v4 =	vld [tilespmem:$0x830];
	_ =	sdelay $0x4  }
0x138: {  	v5 =	vshrl.u32 v4, $0x3  }
0x139: {  	v5 =	vmul.u32 $0x30, v5  }
0x13a: {  	v4 =	vand.u32 $0x7, v4  }
0x13b: {  	v4 =	vor.u32 v4, v5  }
0x13c: {  	v5 =	vperm.xlane v4, v1;
	_ =	sdelay $0x1  }
0x13d: {  	v5 =	vadd.s32 v2, v5;
	_ =	sdelay $0x3  }
0x13e: {  	s6 =	simm.s32 $0x15880;
	v4 =	vperm.xlane v4, v3  }
0x13f: {  	[tilespmem:s6], [sflag:$0x2] =	stream.indirect_vreg.gather [hbm4b:s3+s2], $0x80, v5, vm0, $0xb8;
	[tilespmem:$0x18880] =	vst v63  }
0x140: {  	s12 =	simm.s32 $0x16080;
	v4 =	vadd.s32 v2, v4  }
0x141: {  	[tilespmem:s12], [sflag:$0x2] =	stream.indirect_vreg.gather [hbm4b:s9+s2], $0x80, v5, vm0, $0xb8;
	[tilespmem:$0x18880] =	vst v63  }
0x142: {  	s13 =	simm.s32 $0x16880  }
0x143: {  	[tilespmem:s13], [sflag:$0x2] =	stream.indirect_vreg.gather [hbm4b:s11+s2], $0x80, v5, vm0, $0xb8;
	[tilespmem:$0x18880] =	vst v63  }
0x144: {  	s20 =	simm.s32 $0x17080  }
0x145: {  	[tilespmem:s20], [sflag:$0x2] =	stream.indirect_vreg.gather [hbm4b:s3+s2], $0x80, v4, vm0, $0xb8;
	[tilespmem:$0x18880] =	vst v63  }
0x146: {  	s21 =	simm.s32 $0x17880  }
0x147: {  	[tilespmem:s21], [sflag:$0x2] =	stream.indirect_vreg.gather [hbm4b:s9+s2], $0x80, v4, vm0, $0xb8;
	[tilespmem:$0x18880] =	vst v63  }
0x148: {  	s24 =	simm.s32 $0x18080  }
0x149: {  	[tilespmem:s24], [sflag:$0x2] =	stream.indirect_vreg.gather [hbm4b:s11+s2], $0x80, v4, vm0, $0xb8;
	[tilespmem:$0x18880] =	vst v63  }
0x14a: {  	_ =	swait.ge [sflag:s15], $0xC000  }
0x14b: {  	[sflag:s15] =	ssyncset.done $0x0  }
0x14c: {  	s25 =	sadd.s32 $0x1800, s4;
	[sflag:s15] =	ssyncadd.s32 $0xFFFF4000  }
0x14d: {  	[hbm4b:s25+s2] =	stream.linear.scatter [tilespmem:s29], [sflag:$0x4], $0xC000, $0x38;
	[tilespmem:$0x18880] =	vst v63  }
0x14e: {  	_ =	swait.ge [sflag:s16], $0xC000  }
0x14f: {  	[sflag:s16] =	ssyncset.done $0x0  }
0x150: {  	[sflag:s16] =	ssyncadd.s32 $0xFFFF4000  }
0x151: {  	v4 =	vld [tilespmem:$0x480];
	_ =	sdelay $0x4  }
0x152: {  	v5 =	vshrl.u32 v4, $0x3  }
0x153: {  	v5 =	vmul.u32 $0x30, v5  }
0x154: {  	v6 =	vand.u32 $0x7, v4  }
0x155: {  	v7 =	vld [tilespmem:$0x490];
	v5 =	vor.u32 v6, v5  }
0x156: {  	v9 =	vld [tilespmem:$0x4B0];
	v8 =	vperm.xlane v5, v1  }
0x157: {  	v6 =	vld [tilespmem:$0x4A0]  }
0x158: {  	v8 =	vadd.s32 v2, v8  }
0x159: {  	[tilespmem:$0x800] =	vst v4  }
0x15a: {  	[tilespmem:$0x810] =	vst v7  }
0x15b: {  	[tilespmem:$0x830] =	vst v9  }
0x15c: {  	v4 =	vperm.xlane v5, v3;
	[tilespmem:$0x820] =	vst v6  }
0x15d: {  	[tilespmem:s28], [sflag:$0x1] =	stream.indirect_vreg.gather [hbm4b:s3+s2], $0x80, v8, vm0, $0xb8;
	[tilespmem:$0x18880] =	vst v63  }
0x15e: {  	s0 =	simm.s32 $0x1080;
	v4 =	vadd.s32 v2, v4  }
0x15f: {  	[tilespmem:s0], [sflag:$0x1] =	stream.indirect_vreg.gather [hbm4b:s9+s2], $0x80, v8, vm0, $0xb8;
	[tilespmem:$0x18880] =	vst v63  }
0x160: {  	s1 =	simm.s32 $0x1880  }
0x161: {  	[tilespmem:s1], [sflag:$0x1] =	stream.indirect_vreg.gather [hbm4b:s11+s2], $0x80, v8, vm0, $0xb8;
	[tilespmem:$0x18880] =	vst v63  }
0x162: {  	s5 =	simm.s32 $0x2080  }
0x163: {  	[tilespmem:s5], [sflag:$0x1] =	stream.indirect_vreg.gather [hbm4b:s3+s2], $0x80, v4, vm0, $0xb8;
	[tilespmem:$0x18880] =	vst v63  }
0x164: {  	s6 =	simm.s32 $0x2880  }
0x165: {  	[tilespmem:s6], [sflag:$0x1] =	stream.indirect_vreg.gather [hbm4b:s9+s2], $0x80, v4, vm0, $0xb8;
	[tilespmem:$0x18880] =	vst v63  }
0x166: {  	s8 =	simm.s32 $0x3080  }
0x167: {  	[tilespmem:s8], [sflag:$0x1] =	stream.indirect_vreg.gather [hbm4b:s11+s2], $0x80, v4, vm0, $0xb8;
	[tilespmem:$0x18880] =	vst v63  }
0x168: {  	v4 =	vld [tilespmem:$0x810];
	_ =	sdelay $0x4  }
0x169: {  	v5 =	vshrl.u32 v4, $0x3  }
0x16a: {  	v5 =	vmul.u32 $0x30, v5  }
0x16b: {  	v4 =	vand.u32 $0x7, v4  }
0x16c: {  	v4 =	vor.u32 v4, v5  }
0x16d: {  	v5 =	vperm.xlane v4, v1;
	_ =	sdelay $0x1  }
0x16e: {  	v5 =	vadd.s32 v2, v5;
	_ =	sdelay $0x3  }
0x16f: {  	s10 =	simm.s32 $0x3880;
	v4 =	vperm.xlane v4, v3  }
0x170: {  	[tilespmem:s10], [sflag:$0x1] =	stream.indirect_vreg.gather [hbm4b:s3+s2], $0x80, v5, vm0, $0xb8;
	[tilespmem:$0x18880] =	vst v63  }
0x171: {  	s8 =	simm.s32 $0x4080;
	v4 =	vadd.s32 v2, v4  }
0x172: {  	[tilespmem:s8], [sflag:$0x1] =	stream.indirect_vreg.gather [hbm4b:s9+s2], $0x80, v5, vm0, $0xb8;
	[tilespmem:$0x18880] =	vst v63  }
0x173: {  	s10 =	simm.s32 $0x4880  }
0x174: {  	[tilespmem:s10], [sflag:$0x1] =	stream.indirect_vreg.gather [hbm4b:s11+s2], $0x80, v5, vm0, $0xb8;
	[tilespmem:$0x18880] =	vst v63  }
0x175: {  	s12 =	simm.s32 $0x5080  }
0x176: {  	[tilespmem:s12], [sflag:$0x1] =	stream.indirect_vreg.gather [hbm4b:s3+s2], $0x80, v4, vm0, $0xb8;
	[tilespmem:$0x18880] =	vst v63  }
0x177: {  	s13 =	simm.s32 $0x5880  }
0x178: {  	[tilespmem:s13], [sflag:$0x1] =	stream.indirect_vreg.gather [hbm4b:s9+s2], $0x80, v4, vm0, $0xb8;
	[tilespmem:$0x18880] =	vst v63  }
0x179: {  	s14 =	simm.s32 $0x6080  }
0x17a: {  	[tilespmem:s14], [sflag:$0x1] =	stream.indirect_vreg.gather [hbm4b:s11+s2], $0x80, v4, vm0, $0xb8;
	[tilespmem:$0x18880] =	vst v63  }
0x17b: {  	v4 =	vld [tilespmem:$0x820];
	_ =	sdelay $0x4  }
0x17c: {  	v5 =	vshrl.u32 v4, $0x3  }
0x17d: {  	v5 =	vmul.u32 $0x30, v5  }
0x17e: {  	v4 =	vand.u32 $0x7, v4  }
0x17f: {  	v4 =	vor.u32 v4, v5  }
0x180: {  	v5 =	vperm.xlane v4, v1;
	_ =	sdelay $0x1  }
0x181: {  	v5 =	vadd.s32 v2, v5;
	_ =	sdelay $0x3  }
0x182: {  	s19 =	simm.s32 $0x6880;
	v4 =	vperm.xlane v4, v3  }
0x183: {  	[tilespmem:s19], [sflag:$0x1] =	stream.indirect_vreg.gather [hbm4b:s3+s2], $0x80, v5, vm0, $0xb8;
	[tilespmem:$0x18880] =	vst v63  }
0x184: {  	s14 =	simm.s32 $0x7080;
	v4 =	vadd.s32 v2, v4  }
0x185: {  	[tilespmem:s14], [sflag:$0x1] =	stream.indirect_vreg.gather [hbm4b:s9+s2], $0x80, v5, vm0, $0xb8;
	[tilespmem:$0x18880] =	vst v63  }
0x186: {  	s19 =	simm.s32 $0x7880  }
0x187: {  	[tilespmem:s19], [sflag:$0x1] =	stream.indirect_vreg.gather [hbm4b:s11+s2], $0x80, v5, vm0, $0xb8;
	[tilespmem:$0x18880] =	vst v63  }
0x188: {  	s20 =	simm.s32 $0x8080  }
0x189: {  	[tilespmem:s20], [sflag:$0x1] =	stream.indirect_vreg.gather [hbm4b:s3+s2], $0x80, v4, vm0, $0xb8;
	[tilespmem:$0x18880] =	vst v63  }
0x18a: {  	s21 =	simm.s32 $0x8880  }
0x18b: {  	[tilespmem:s21], [sflag:$0x1] =	stream.indirect_vreg.gather [hbm4b:s9+s2], $0x80, v4, vm0, $0xb8;
	[tilespmem:$0x18880] =	vst v63  }
0x18c: {  	s22 =	simm.s32 $0x9080  }
0x18d: {  	[tilespmem:s22], [sflag:$0x1] =	stream.indirect_vreg.gather [hbm4b:s11+s2], $0x80, v4, vm0, $0xb8;
	[tilespmem:$0x18880] =	vst v63  }
0x18e: {  	v4 =	vld [tilespmem:$0x830];
	_ =	sdelay $0x4  }
0x18f: {  	v5 =	vshrl.u32 v4, $0x3  }
0x190: {  	v5 =	vmul.u32 $0x30, v5  }
0x191: {  	v4 =	vand.u32 $0x7, v4  }
0x192: {  	v4 =	vor.u32 v4, v5  }
0x193: {  	v5 =	vperm.xlane v4, v1;
	_ =	sdelay $0x1  }
0x194: {  	v5 =	vadd.s32 v2, v5;
	_ =	sdelay $0x3  }
0x195: {  	s23 =	simm.s32 $0x9880;
	v4 =	vperm.xlane v4, v3  }
0x196: {  	[tilespmem:s23], [sflag:$0x1] =	stream.indirect_vreg.gather [hbm4b:s3+s2], $0x80, v5, vm0, $0xb8;
	[tilespmem:$0x18880] =	vst v63  }
0x197: {  	s22 =	simm.s32 $0xA080;
	v4 =	vadd.s32 v2, v4  }
0x198: {  	[tilespmem:s22], [sflag:$0x1] =	stream.indirect_vreg.gather [hbm4b:s9+s2], $0x80, v5, vm0, $0xb8;
	[tilespmem:$0x18880] =	vst v63  }
0x199: {  	s23 =	simm.s32 $0xA880  }
0x19a: {  	[tilespmem:s23], [sflag:$0x1] =	stream.indirect_vreg.gather [hbm4b:s11+s2], $0x80, v5, vm0, $0xb8;
	[tilespmem:$0x18880] =	vst v63  }
0x19b: {  	s24 =	simm.s32 $0xB080  }
0x19c: {  	[tilespmem:s24], [sflag:$0x1] =	stream.indirect_vreg.gather [hbm4b:s3+s2], $0x80, v4, vm0, $0xb8;
	[tilespmem:$0x18880] =	vst v63  }
0x19d: {  	s25 =	simm.s32 $0xB880  }
0x19e: {  	[tilespmem:s25], [sflag:$0x1] =	stream.indirect_vreg.gather [hbm4b:s9+s2], $0x80, v4, vm0, $0xb8;
	[tilespmem:$0x18880] =	vst v63  }
0x19f: {  	s30 =	simm.s32 $0xC080  }
0x1a0: {  	[tilespmem:s30], [sflag:$0x1] =	stream.indirect_vreg.gather [hbm4b:s11+s2], $0x80, v4, vm0, $0xb8;
	[tilespmem:$0x18880] =	vst v63  }
0x1a1: {  	_ =	swait.ge [sflag:s26], $0xC000  }
0x1a2: {  	[sflag:s26] =	ssyncset.done $0x0  }
0x1a3: {  	s30 =	sadd.s32 $0x3000, s4;
	[sflag:s26] =	ssyncadd.s32 $0xFFFF4000  }
0x1a4: {  	[hbm4b:s30+s2] =	stream.linear.scatter [tilespmem:s28], [sflag:$0x3], $0xC000, $0x38;
	[tilespmem:$0x18880] =	vst v63  }
0x1a5: {  	_ =	swait.ge [sflag:s17], $0xC000  }
0x1a6: {  	[sflag:s17] =	ssyncset.done $0x0  }
0x1a7: {  	[sflag:s17] =	ssyncadd.s32 $0xFFFF4000  }
0x1a8: {  	v4 =	vld [tilespmem:$0x4C0];
	_ =	sdelay $0x4  }
0x1a9: {  	v5 =	vshrl.u32 v4, $0x3  }
0x1aa: {  	v5 =	vmul.u32 $0x30, v5  }
0x1ab: {  	v6 =	vand.u32 $0x7, v4  }
0x1ac: {  	v7 =	vld [tilespmem:$0x4D0];
	v5 =	vor.u32 v6, v5  }
0x1ad: {  	v9 =	vld [tilespmem:$0x4F0];
	v8 =	vperm.xlane v5, v1  }
0x1ae: {  	v6 =	vld [tilespmem:$0x4E0]  }
0x1af: {  	v8 =	vadd.s32 v2, v8  }
0x1b0: {  	[tilespmem:$0x800] =	vst v4  }
0x1b1: {  	[tilespmem:$0x810] =	vst v7  }
0x1b2: {  	[tilespmem:$0x830] =	vst v9  }
0x1b3: {  	v4 =	vperm.xlane v5, v3;
	[tilespmem:$0x820] =	vst v6  }
0x1b4: {  	[tilespmem:s29], [sflag:$0x2] =	stream.indirect_vreg.gather [hbm4b:s3+s2], $0x80, v8, vm0, $0xb8;
	[tilespmem:$0x18880] =	vst v63  }
0x1b5: {  	s30 =	simm.s32 $0xD080;
	v4 =	vadd.s32 v2, v4  }
0x1b6: {  	[tilespmem:s30], [sflag:$0x2] =	stream.indirect_vreg.gather [hbm4b:s9+s2], $0x80, v8, vm0, $0xb8;
	[tilespmem:$0x18880] =	vst v63  }
0x1b7: {  	s18 =	simm.s32 $0xD880  }
0x1b8: {  	[tilespmem:s18], [sflag:$0x2] =	stream.indirect_vreg.gather [hbm4b:s11+s2], $0x80, v8, vm0, $0xb8;
	[tilespmem:$0x18880] =	vst v63  }
0x1b9: {  	s18 =	simm.s32 $0xE080  }
0x1ba: {  	[tilespmem:s18], [sflag:$0x2] =	stream.indirect_vreg.gather [hbm4b:s3+s2], $0x80, v4, vm0, $0xb8;
	[tilespmem:$0x18880] =	vst v63  }
0x1bb: {  	s18 =	simm.s32 $0xE880  }
0x1bc: {  	[tilespmem:s18], [sflag:$0x2] =	stream.indirect_vreg.gather [hbm4b:s9+s2], $0x80, v4, vm0, $0xb8;
	[tilespmem:$0x18880] =	vst v63  }
0x1bd: {  	s18 =	simm.s32 $0xF080  }
0x1be: {  	[tilespmem:s18], [sflag:$0x2] =	stream.indirect_vreg.gather [hbm4b:s11+s2], $0x80, v4, vm0, $0xb8;
	[tilespmem:$0x18880] =	vst v63  }
0x1bf: {  	v4 =	vld [tilespmem:$0x810];
	_ =	sdelay $0x4  }
0x1c0: {  	v5 =	vshrl.u32 v4, $0x3  }
0x1c1: {  	v5 =	vmul.u32 $0x30, v5  }
0x1c2: {  	v4 =	vand.u32 $0x7, v4  }
0x1c3: {  	v4 =	vor.u32 v4, v5  }
0x1c4: {  	v5 =	vperm.xlane v4, v1;
	_ =	sdelay $0x1  }
0x1c5: {  	v5 =	vadd.s32 v2, v5;
	_ =	sdelay $0x3  }
0x1c6: {  	s31 =	simm.s32 $0xF880;
	v4 =	vperm.xlane v4, v3  }
0x1c7: {  	[tilespmem:s31], [sflag:$0x2] =	stream.indirect_vreg.gather [hbm4b:s3+s2], $0x80, v5, vm0, $0xb8;
	[tilespmem:$0x18880] =	vst v63  }
0x1c8: {  	v4 =	vadd.s32 v2, v4;
	s31 =	simm.s32 $0x10080  }
0x1c9: {  	[tilespmem:s31], [sflag:$0x2] =	stream.indirect_vreg.gather [hbm4b:s9+s2], $0x80, v5, vm0, $0xb8;
	[tilespmem:$0x18880] =	vst v63  }
0x1ca: {  	s18 =	simm.s32 $0x10880  }
0x1cb: {  	[tilespmem:s18], [sflag:$0x2] =	stream.indirect_vreg.gather [hbm4b:s11+s2], $0x80, v5, vm0, $0xb8;
	[tilespmem:$0x18880] =	vst v63  }
0x1cc: {  	s18 =	simm.s32 $0x11080  }
0x1cd: {  	[tilespmem:s18], [sflag:$0x2] =	stream.indirect_vreg.gather [hbm4b:s3+s2], $0x80, v4, vm0, $0xb8;
	[tilespmem:$0x18880] =	vst v63  }
0x1ce: {  	s18 =	simm.s32 $0x11880  }
0x1cf: {  	[tilespmem:s18], [sflag:$0x2] =	stream.indirect_vreg.gather [hbm4b:s9+s2], $0x80, v4, vm0, $0xb8;
	[tilespmem:$0x18880] =	vst v63  }
0x1d0: {  	s18 =	simm.s32 $0x12080  }
0x1d1: {  	[tilespmem:s18], [sflag:$0x2] =	stream.indirect_vreg.gather [hbm4b:s11+s2], $0x80, v4, vm0, $0xb8;
	[tilespmem:$0x18880] =	vst v63  }
0x1d2: {  	v4 =	vld [tilespmem:$0x820];
	_ =	sdelay $0x4  }
0x1d3: {  	v5 =	vshrl.u32 v4, $0x3  }
0x1d4: {  	v5 =	vmul.u32 $0x30, v5  }
0x1d5: {  	v4 =	vand.u32 $0x7, v4  }
0x1d6: {  	v4 =	vor.u32 v4, v5  }
0x1d7: {  	v5 =	vperm.xlane v4, v1;
	_ =	sdelay $0x1  }
0x1d8: {  	v5 =	vadd.s32 v2, v5;
	_ =	sdelay $0x3  }
0x1d9: {  	s18 =	simm.s32 $0x12880;
	v4 =	vperm.xlane v4, v3  }
0x1da: {  	[tilespmem:s18], [sflag:$0x2] =	stream.indirect_vreg.gather [hbm4b:s3+s2], $0x80, v5, vm0, $0xb8;
	[tilespmem:$0x18880] =	vst v63  }
0x1db: {  	v4 =	vadd.s32 v2, v4;
	s18 =	simm.s32 $0x13080  }
0x1dc: {  	[tilespmem:s18], [sflag:$0x2] =	stream.indirect_vreg.gather [hbm4b:s9+s2], $0x80, v5, vm0, $0xb8;
	[tilespmem:$0x18880] =	vst v63  }
0x1dd: {  	s18 =	simm.s32 $0x13880  }
0x1de: {  	[tilespmem:s18], [sflag:$0x2] =	stream.indirect_vreg.gather [hbm4b:s11+s2], $0x80, v5, vm0, $0xb8;
	[tilespmem:$0x18880] =	vst v63  }
0x1df: {  	s18 =	simm.s32 $0x14080  }
0x1e0: {  	[tilespmem:s18], [sflag:$0x2] =	stream.indirect_vreg.gather [hbm4b:s3+s2], $0x80, v4, vm0, $0xb8;
	[tilespmem:$0x18880] =	vst v63  }
0x1e1: {  	s18 =	simm.s32 $0x14880  }
0x1e2: {  	[tilespmem:s18], [sflag:$0x2] =	stream.indirect_vreg.gather [hbm4b:s9+s2], $0x80, v4, vm0, $0xb8;
	[tilespmem:$0x18880] =	vst v63  }
0x1e3: {  	s18 =	simm.s32 $0x15080  }
0x1e4: {  	[tilespmem:s18], [sflag:$0x2] =	stream.indirect_vreg.gather [hbm4b:s11+s2], $0x80, v4, vm0, $0xb8;
	[tilespmem:$0x18880] =	vst v63  }
0x1e5: {  	v4 =	vld [tilespmem:$0x830];
	_ =	sdelay $0x4  }
0x1e6: {  	v5 =	vshrl.u32 v4, $0x3  }
0x1e7: {  	v5 =	vmul.u32 $0x30, v5  }
0x1e8: {  	v4 =	vand.u32 $0x7, v4  }
0x1e9: {  	v4 =	vor.u32 v4, v5  }
0x1ea: {  	v5 =	vperm.xlane v4, v1;
	_ =	sdelay $0x1  }
0x1eb: {  	v5 =	vadd.s32 v2, v5;
	_ =	sdelay $0x3  }
0x1ec: {  	s18 =	simm.s32 $0x15880;
	v4 =	vperm.xlane v4, v3  }
0x1ed: {  	[tilespmem:s18], [sflag:$0x2] =	stream.indirect_vreg.gather [hbm4b:s3+s2], $0x80, v5, vm0, $0xb8;
	[tilespmem:$0x18880] =	vst v63  }
0x1ee: {  	v4 =	vadd.s32 v2, v4;
	s18 =	simm.s32 $0x16080  }
0x1ef: {  	[tilespmem:s18], [sflag:$0x2] =	stream.indirect_vreg.gather [hbm4b:s9+s2], $0x80, v5, vm0, $0xb8;
	[tilespmem:$0x18880] =	vst v63  }
0x1f0: {  	s18 =	simm.s32 $0x16880  }
0x1f1: {  	[tilespmem:s18], [sflag:$0x2] =	stream.indirect_vreg.gather [hbm4b:s11+s2], $0x80, v5, vm0, $0xb8;
	[tilespmem:$0x18880] =	vst v63  }
0x1f2: {  	s18 =	simm.s32 $0x17080  }
0x1f3: {  	[tilespmem:s18], [sflag:$0x2] =	stream.indirect_vreg.gather [hbm4b:s3+s2], $0x80, v4, vm0, $0xb8;
	[tilespmem:$0x18880] =	vst v63  }
0x1f4: {  	s18 =	simm.s32 $0x17880  }
0x1f5: {  	[tilespmem:s18], [sflag:$0x2] =	stream.indirect_vreg.gather [hbm4b:s9+s2], $0x80, v4, vm0, $0xb8;
	[tilespmem:$0x18880] =	vst v63  }
0x1f6: {  	s18 =	simm.s32 $0x18080  }
0x1f7: {  	[tilespmem:s18], [sflag:$0x2] =	stream.indirect_vreg.gather [hbm4b:s11+s2], $0x80, v4, vm0, $0xb8;
	[tilespmem:$0x18880] =	vst v63  }
0x1f8: {  	_ =	swait.ge [sflag:s15], $0xC000  }
0x1f9: {  	[sflag:s15] =	ssyncset.done $0x0  }
0x1fa: {  	s18 =	sadd.s32 $0x4800, s4;
	[sflag:s15] =	ssyncadd.s32 $0xFFFF4000  }
0x1fb: {  	[hbm4b:s18+s2] =	stream.linear.scatter [tilespmem:s29], [sflag:$0x4], $0xC000, $0x38;
	[tilespmem:$0x18880] =	vst v63  }
0x1fc: {  	_ =	swait.ge [sflag:s16], $0xC000  }
0x1fd: {  	[sflag:s16] =	ssyncset.done $0x0  }
0x1fe: {  	[sflag:s16] =	ssyncadd.s32 $0xFFFF4000  }
0x1ff: {  	v4 =	vld [tilespmem:$0x500];
	_ =	sdelay $0x4  }
0x200: {  	v5 =	vshrl.u32 v4, $0x3  }
0x201: {  	v5 =	vmul.u32 $0x30, v5  }
0x202: {  	v6 =	vand.u32 $0x7, v4  }
0x203: {  	v7 =	vld [tilespmem:$0x510];
	v5 =	vor.u32 v6, v5  }
0x204: {  	v9 =	vld [tilespmem:$0x530];
	v8 =	vperm.xlane v5, v1  }
0x205: {  	v6 =	vld [tilespmem:$0x520]  }
0x206: {  	v8 =	vadd.s32 v2, v8  }
0x207: {  	[tilespmem:$0x800] =	vst v4  }
0x208: {  	[tilespmem:$0x810] =	vst v7  }
0x209: {  	[tilespmem:$0x830] =	vst v9  }
0x20a: {  	v4 =	vperm.xlane v5, v3;
	[tilespmem:$0x820] =	vst v6  }
0x20b: {  	[tilespmem:s28], [sflag:$0x1] =	stream.indirect_vreg.gather [hbm4b:s3+s2], $0x80, v8, vm0, $0xb8;
	[tilespmem:$0x18880] =	vst v63  }
0x20c: {  	v4 =	vadd.s32 v2, v4  }
0x20d: {  	[tilespmem:s0], [sflag:$0x1] =	stream.indirect_vreg.gather [hbm4b:s9+s2], $0x80, v8, vm0, $0xb8;
	[tilespmem:$0x18880] =	vst v63  }
0x20e: {  	_ = 	snop  }
0x20f: {  	[tilespmem:s1], [sflag:$0x1] =	stream.indirect_vreg.gather [hbm4b:s11+s2], $0x80, v8, vm0, $0xb8;
	[tilespmem:$0x18880] =	vst v63  }
0x210: {  	_ = 	snop  }
0x211: {  	[tilespmem:s5], [sflag:$0x1] =	stream.indirect_vreg.gather [hbm4b:s3+s2], $0x80, v4, vm0, $0xb8;
	[tilespmem:$0x18880] =	vst v63  }
0x212: {  	_ = 	snop  }
0x213: {  	[tilespmem:s6], [sflag:$0x1] =	stream.indirect_vreg.gather [hbm4b:s9+s2], $0x80, v4, vm0, $0xb8;
	[tilespmem:$0x18880] =	vst v63  }
0x214: {  	s18 =	simm.s32 $0x3080  }
0x215: {  	[tilespmem:s18], [sflag:$0x1] =	stream.indirect_vreg.gather [hbm4b:s11+s2], $0x80, v4, vm0, $0xb8;
	[tilespmem:$0x18880] =	vst v63  }
0x216: {  	v4 =	vld [tilespmem:$0x810];
	_ =	sdelay $0x4  }
0x217: {  	v5 =	vshrl.u32 v4, $0x3  }
0x218: {  	v5 =	vmul.u32 $0x30, v5  }
0x219: {  	v4 =	vand.u32 $0x7, v4  }
0x21a: {  	v4 =	vor.u32 v4, v5  }
0x21b: {  	v5 =	vperm.xlane v4, v1;
	_ =	sdelay $0x1  }
0x21c: {  	v5 =	vadd.s32 v2, v5;
	_ =	sdelay $0x3  }
0x21d: {  	s18 =	simm.s32 $0x3880;
	v4 =	vperm.xlane v4, v3  }
0x21e: {  	[tilespmem:s18], [sflag:$0x1] =	stream.indirect_vreg.gather [hbm4b:s3+s2], $0x80, v5, vm0, $0xb8;
	[tilespmem:$0x18880] =	vst v63  }
0x21f: {  	v4 =	vadd.s32 v2, v4  }
0x220: {  	[tilespmem:s8], [sflag:$0x1] =	stream.indirect_vreg.gather [hbm4b:s9+s2], $0x80, v5, vm0, $0xb8;
	[tilespmem:$0x18880] =	vst v63  }
0x221: {  	_ = 	snop  }
0x222: {  	[tilespmem:s10], [sflag:$0x1] =	stream.indirect_vreg.gather [hbm4b:s11+s2], $0x80, v5, vm0, $0xb8;
	[tilespmem:$0x18880] =	vst v63  }
0x223: {  	_ = 	snop  }
0x224: {  	[tilespmem:s12], [sflag:$0x1] =	stream.indirect_vreg.gather [hbm4b:s3+s2], $0x80, v4, vm0, $0xb8;
	[tilespmem:$0x18880] =	vst v63  }
0x225: {  	_ = 	snop  }
0x226: {  	[tilespmem:s13], [sflag:$0x1] =	stream.indirect_vreg.gather [hbm4b:s9+s2], $0x80, v4, vm0, $0xb8;
	[tilespmem:$0x18880] =	vst v63  }
0x227: {  	s18 =	simm.s32 $0x6080  }
0x228: {  	[tilespmem:s18], [sflag:$0x1] =	stream.indirect_vreg.gather [hbm4b:s11+s2], $0x80, v4, vm0, $0xb8;
	[tilespmem:$0x18880] =	vst v63  }
0x229: {  	v4 =	vld [tilespmem:$0x820];
	_ =	sdelay $0x4  }
0x22a: {  	v5 =	vshrl.u32 v4, $0x3  }
0x22b: {  	v5 =	vmul.u32 $0x30, v5  }
0x22c: {  	v4 =	vand.u32 $0x7, v4  }
0x22d: {  	v4 =	vor.u32 v4, v5  }
0x22e: {  	v5 =	vperm.xlane v4, v1;
	_ =	sdelay $0x1  }
0x22f: {  	v5 =	vadd.s32 v2, v5;
	_ =	sdelay $0x3  }
0x230: {  	s18 =	simm.s32 $0x6880;
	v4 =	vperm.xlane v4, v3  }
0x231: {  	[tilespmem:s18], [sflag:$0x1] =	stream.indirect_vreg.gather [hbm4b:s3+s2], $0x80, v5, vm0, $0xb8;
	[tilespmem:$0x18880] =	vst v63  }
0x232: {  	v4 =	vadd.s32 v2, v4  }
0x233: {  	[tilespmem:s14], [sflag:$0x1] =	stream.indirect_vreg.gather [hbm4b:s9+s2], $0x80, v5, vm0, $0xb8;
	[tilespmem:$0x18880] =	vst v63  }
0x234: {  	_ = 	snop  }
0x235: {  	[tilespmem:s19], [sflag:$0x1] =	stream.indirect_vreg.gather [hbm4b:s11+s2], $0x80, v5, vm0, $0xb8;
	[tilespmem:$0x18880] =	vst v63  }
0x236: {  	_ = 	snop  }
0x237: {  	[tilespmem:s20], [sflag:$0x1] =	stream.indirect_vreg.gather [hbm4b:s3+s2], $0x80, v4, vm0, $0xb8;
	[tilespmem:$0x18880] =	vst v63  }
0x238: {  	_ = 	snop  }
0x239: {  	[tilespmem:s21], [sflag:$0x1] =	stream.indirect_vreg.gather [hbm4b:s9+s2], $0x80, v4, vm0, $0xb8;
	[tilespmem:$0x18880] =	vst v63  }
0x23a: {  	s18 =	simm.s32 $0x9080  }
0x23b: {  	[tilespmem:s18], [sflag:$0x1] =	stream.indirect_vreg.gather [hbm4b:s11+s2], $0x80, v4, vm0, $0xb8;
	[tilespmem:$0x18880] =	vst v63  }
0x23c: {  	v4 =	vld [tilespmem:$0x830];
	_ =	sdelay $0x4  }
0x23d: {  	v5 =	vshrl.u32 v4, $0x3  }
0x23e: {  	v5 =	vmul.u32 $0x30, v5  }
0x23f: {  	v4 =	vand.u32 $0x7, v4  }
0x240: {  	v4 =	vor.u32 v4, v5  }
0x241: {  	v5 =	vperm.xlane v4, v1;
	_ =	sdelay $0x1  }
0x242: {  	v5 =	vadd.s32 v2, v5;
	_ =	sdelay $0x3  }
0x243: {  	s18 =	simm.s32 $0x9880;
	v4 =	vperm.xlane v4, v3  }
0x244: {  	[tilespmem:s18], [sflag:$0x1] =	stream.indirect_vreg.gather [hbm4b:s3+s2], $0x80, v5, vm0, $0xb8;
	[tilespmem:$0x18880] =	vst v63  }
0x245: {  	v4 =	vadd.s32 v2, v4  }
0x246: {  	[tilespmem:s22], [sflag:$0x1] =	stream.indirect_vreg.gather [hbm4b:s9+s2], $0x80, v5, vm0, $0xb8;
	[tilespmem:$0x18880] =	vst v63  }
0x247: {  	_ = 	snop  }
0x248: {  	[tilespmem:s23], [sflag:$0x1] =	stream.indirect_vreg.gather [hbm4b:s11+s2], $0x80, v5, vm0, $0xb8;
	[tilespmem:$0x18880] =	vst v63  }
0x249: {  	_ = 	snop  }
0x24a: {  	[tilespmem:s24], [sflag:$0x1] =	stream.indirect_vreg.gather [hbm4b:s3+s2], $0x80, v4, vm0, $0xb8;
	[tilespmem:$0x18880] =	vst v63  }
0x24b: {  	_ = 	snop  }
0x24c: {  	[tilespmem:s25], [sflag:$0x1] =	stream.indirect_vreg.gather [hbm4b:s9+s2], $0x80, v4, vm0, $0xb8;
	[tilespmem:$0x18880] =	vst v63  }
0x24d: {  	s18 =	simm.s32 $0xC080  }
0x24e: {  	[tilespmem:s18], [sflag:$0x1] =	stream.indirect_vreg.gather [hbm4b:s11+s2], $0x80, v4, vm0, $0xb8;
	[tilespmem:$0x18880] =	vst v63  }
0x24f: {  	_ =	swait.ge [sflag:s26], $0xC000  }
0x250: {  	[sflag:s26] =	ssyncset.done $0x0  }
0x251: {  	s1 =	sadd.s32 $0x6000, s4;
	[sflag:s26] =	ssyncadd.s32 $0xFFFF4000  }
0x252: {  	[hbm4b:s1+s2] =	stream.linear.scatter [tilespmem:s28], [sflag:$0x3], $0xC000, $0x38;
	[tilespmem:$0x18880] =	vst v63  }
0x253: {  	_ =	swait.ge [sflag:s17], $0xC000  }
0x254: {  	[sflag:s17] =	ssyncset.done $0x0  }
0x255: {  	[sflag:s17] =	ssyncadd.s32 $0xFFFF4000  }
0x256: {  	v4 =	vld [tilespmem:$0x540];
	_ =	sdelay $0x4  }
0x257: {  	v5 =	vshrl.u32 v4, $0x3  }
0x258: {  	v5 =	vmul.u32 $0x30, v5  }
0x259: {  	v6 =	vand.u32 $0x7, v4  }
0x25a: {  	v7 =	vld [tilespmem:$0x550];
	v5 =	vor.u32 v6, v5  }
0x25b: {  	v9 =	vld [tilespmem:$0x570];
	v8 =	vperm.xlane v5, v1  }
0x25c: {  	v6 =	vld [tilespmem:$0x560]  }
0x25d: {  	v8 =	vadd.s32 v2, v8  }
0x25e: {  	[tilespmem:$0x800] =	vst v4  }
0x25f: {  	[tilespmem:$0x810] =	vst v7  }
0x260: {  	[tilespmem:$0x830] =	vst v9  }
0x261: {  	v4 =	vperm.xlane v5, v3;
	[tilespmem:$0x820] =	vst v6  }
0x262: {  	[tilespmem:s29], [sflag:$0x2] =	stream.indirect_vreg.gather [hbm4b:s3+s2], $0x80, v8, vm0, $0xb8;
	[tilespmem:$0x18880] =	vst v63  }
0x263: {  	s30 =	simm.s32 $0xD080;
	v4 =	vadd.s32 v2, v4  }
0x264: {  	[tilespmem:s30], [sflag:$0x2] =	stream.indirect_vreg.gather [hbm4b:s9+s2], $0x80, v8, vm0, $0xb8;
	[tilespmem:$0x18880] =	vst v63  }
0x265: {  	s18 =	simm.s32 $0xD880  }
0x266: {  	[tilespmem:s18], [sflag:$0x2] =	stream.indirect_vreg.gather [hbm4b:s11+s2], $0x80, v8, vm0, $0xb8;
	[tilespmem:$0x18880] =	vst v63  }
0x267: {  	s18 =	simm.s32 $0xE080  }
0x268: {  	[tilespmem:s18], [sflag:$0x2] =	stream.indirect_vreg.gather [hbm4b:s3+s2], $0x80, v4, vm0, $0xb8;
	[tilespmem:$0x18880] =	vst v63  }
0x269: {  	s18 =	simm.s32 $0xE880  }
0x26a: {  	[tilespmem:s18], [sflag:$0x2] =	stream.indirect_vreg.gather [hbm4b:s9+s2], $0x80, v4, vm0, $0xb8;
	[tilespmem:$0x18880] =	vst v63  }
0x26b: {  	s18 =	simm.s32 $0xF080  }
0x26c: {  	[tilespmem:s18], [sflag:$0x2] =	stream.indirect_vreg.gather [hbm4b:s11+s2], $0x80, v4, vm0, $0xb8;
	[tilespmem:$0x18880] =	vst v63  }
0x26d: {  	v4 =	vld [tilespmem:$0x810];
	_ =	sdelay $0x4  }
0x26e: {  	v5 =	vshrl.u32 v4, $0x3  }
0x26f: {  	v5 =	vmul.u32 $0x30, v5  }
0x270: {  	v4 =	vand.u32 $0x7, v4  }
0x271: {  	v4 =	vor.u32 v4, v5  }
0x272: {  	v5 =	vperm.xlane v4, v1;
	_ =	sdelay $0x1  }
0x273: {  	v5 =	vadd.s32 v2, v5;
	_ =	sdelay $0x3  }
0x274: {  	s18 =	simm.s32 $0xF880;
	v4 =	vperm.xlane v4, v3  }
0x275: {  	[tilespmem:s18], [sflag:$0x2] =	stream.indirect_vreg.gather [hbm4b:s3+s2], $0x80, v5, vm0, $0xb8;
	[tilespmem:$0x18880] =	vst v63  }
0x276: {  	s31 =	simm.s32 $0x10080;
	v4 =	vadd.s32 v2, v4  }
0x277: {  	[tilespmem:s31], [sflag:$0x2] =	stream.indirect_vreg.gather [hbm4b:s9+s2], $0x80, v5, vm0, $0xb8;
	[tilespmem:$0x18880] =	vst v63  }
0x278: {  	s18 =	simm.s32 $0x10880  }
0x279: {  	[tilespmem:s18], [sflag:$0x2] =	stream.indirect_vreg.gather [hbm4b:s11+s2], $0x80, v5, vm0, $0xb8;
	[tilespmem:$0x18880] =	vst v63  }
0x27a: {  	s18 =	simm.s32 $0x11080  }
0x27b: {  	[tilespmem:s18], [sflag:$0x2] =	stream.indirect_vreg.gather [hbm4b:s3+s2], $0x80, v4, vm0, $0xb8;
	[tilespmem:$0x18880] =	vst v63  }
0x27c: {  	s18 =	simm.s32 $0x11880  }
0x27d: {  	[tilespmem:s18], [sflag:$0x2] =	stream.indirect_vreg.gather [hbm4b:s9+s2], $0x80, v4, vm0, $0xb8;
	[tilespmem:$0x18880] =	vst v63  }
0x27e: {  	s18 =	simm.s32 $0x12080  }
0x27f: {  	[tilespmem:s18], [sflag:$0x2] =	stream.indirect_vreg.gather [hbm4b:s11+s2], $0x80, v4, vm0, $0xb8;
	[tilespmem:$0x18880] =	vst v63  }
0x280: {  	v4 =	vld [tilespmem:$0x820];
	_ =	sdelay $0x4  }
0x281: {  	v5 =	vshrl.u32 v4, $0x3  }
0x282: {  	v5 =	vmul.u32 $0x30, v5  }
0x283: {  	v4 =	vand.u32 $0x7, v4  }
0x284: {  	v4 =	vor.u32 v4, v5  }
0x285: {  	v5 =	vperm.xlane v4, v1;
	_ =	sdelay $0x1  }
0x286: {  	v5 =	vadd.s32 v2, v5;
	_ =	sdelay $0x3  }
0x287: {  	s18 =	simm.s32 $0x12880;
	v4 =	vperm.xlane v4, v3  }
0x288: {  	[tilespmem:s18], [sflag:$0x2] =	stream.indirect_vreg.gather [hbm4b:s3+s2], $0x80, v5, vm0, $0xb8;
	[tilespmem:$0x18880] =	vst v63  }
0x289: {  	v4 =	vadd.s32 v2, v4;
	s18 =	simm.s32 $0x13080  }
0x28a: {  	[tilespmem:s18], [sflag:$0x2] =	stream.indirect_vreg.gather [hbm4b:s9+s2], $0x80, v5, vm0, $0xb8;
	[tilespmem:$0x18880] =	vst v63  }
0x28b: {  	s18 =	simm.s32 $0x13880  }
0x28c: {  	[tilespmem:s18], [sflag:$0x2] =	stream.indirect_vreg.gather [hbm4b:s11+s2], $0x80, v5, vm0, $0xb8;
	[tilespmem:$0x18880] =	vst v63  }
0x28d: {  	s18 =	simm.s32 $0x14080  }
0x28e: {  	[tilespmem:s18], [sflag:$0x2] =	stream.indirect_vreg.gather [hbm4b:s3+s2], $0x80, v4, vm0, $0xb8;
	[tilespmem:$0x18880] =	vst v63  }
0x28f: {  	s18 =	simm.s32 $0x14880  }
0x290: {  	[tilespmem:s18], [sflag:$0x2] =	stream.indirect_vreg.gather [hbm4b:s9+s2], $0x80, v4, vm0, $0xb8;
	[tilespmem:$0x18880] =	vst v63  }
0x291: {  	s18 =	simm.s32 $0x15080  }
0x292: {  	[tilespmem:s18], [sflag:$0x2] =	stream.indirect_vreg.gather [hbm4b:s11+s2], $0x80, v4, vm0, $0xb8;
	[tilespmem:$0x18880] =	vst v63  }
0x293: {  	v4 =	vld [tilespmem:$0x830];
	_ =	sdelay $0x4  }
0x294: {  	v5 =	vshrl.u32 v4, $0x3  }
0x295: {  	v5 =	vmul.u32 $0x30, v5  }
0x296: {  	v4 =	vand.u32 $0x7, v4  }
0x297: {  	v4 =	vor.u32 v4, v5  }
0x298: {  	v5 =	vperm.xlane v4, v1;
	_ =	sdelay $0x1  }
0x299: {  	v5 =	vadd.s32 v2, v5;
	_ =	sdelay $0x3  }
0x29a: {  	s18 =	simm.s32 $0x15880;
	v4 =	vperm.xlane v4, v3  }
0x29b: {  	[tilespmem:s18], [sflag:$0x2] =	stream.indirect_vreg.gather [hbm4b:s3+s2], $0x80, v5, vm0, $0xb8;
	[tilespmem:$0x18880] =	vst v63  }
0x29c: {  	v4 =	vadd.s32 v2, v4;
	s18 =	simm.s32 $0x16080  }
0x29d: {  	[tilespmem:s18], [sflag:$0x2] =	stream.indirect_vreg.gather [hbm4b:s9+s2], $0x80, v5, vm0, $0xb8;
	[tilespmem:$0x18880] =	vst v63  }
0x29e: {  	s18 =	simm.s32 $0x16880  }
0x29f: {  	[tilespmem:s18], [sflag:$0x2] =	stream.indirect_vreg.gather [hbm4b:s11+s2], $0x80, v5, vm0, $0xb8;
	[tilespmem:$0x18880] =	vst v63  }
0x2a0: {  	s18 =	simm.s32 $0x17080  }
0x2a1: {  	[tilespmem:s18], [sflag:$0x2] =	stream.indirect_vreg.gather [hbm4b:s3+s2], $0x80, v4, vm0, $0xb8;
	[tilespmem:$0x18880] =	vst v63  }
0x2a2: {  	s18 =	simm.s32 $0x17880  }
0x2a3: {  	[tilespmem:s18], [sflag:$0x2] =	stream.indirect_vreg.gather [hbm4b:s9+s2], $0x80, v4, vm0, $0xb8;
	[tilespmem:$0x18880] =	vst v63  }
0x2a4: {  	s18 =	simm.s32 $0x18080  }
0x2a5: {  	[tilespmem:s18], [sflag:$0x2] =	stream.indirect_vreg.gather [hbm4b:s11+s2], $0x80, v4, vm0, $0xb8;
	[tilespmem:$0x18880] =	vst v63  }
0x2a6: {  	_ =	swait.ge [sflag:s15], $0xC000  }
0x2a7: {  	[sflag:s15] =	ssyncset.done $0x0  }
0x2a8: {  	s18 =	sadd.s32 $0x7800, s4;
	[sflag:s15] =	ssyncadd.s32 $0xFFFF4000  }
0x2a9: {  	[hbm4b:s18+s2] =	stream.linear.scatter [tilespmem:s29], [sflag:$0x4], $0xC000, $0x38;
	[tilespmem:$0x18880] =	vst v63  }
0x2aa: {  	_ =	swait.ge [sflag:s16], $0xC000  }
0x2ab: {  	[sflag:s16] =	ssyncset.done $0x0  }
0x2ac: {  	[sflag:s16] =	ssyncadd.s32 $0xFFFF4000  }
0x2ad: {  	v4 =	vld [tilespmem:$0x580];
	_ =	sdelay $0x4  }
0x2ae: {  	v5 =	vshrl.u32 v4, $0x3  }
0x2af: {  	v5 =	vmul.u32 $0x30, v5  }
0x2b0: {  	v6 =	vand.u32 $0x7, v4  }
0x2b1: {  	v7 =	vld [tilespmem:$0x590];
	v5 =	vor.u32 v6, v5  }
0x2b2: {  	v9 =	vld [tilespmem:$0x5B0];
	v8 =	vperm.xlane v5, v1  }
0x2b3: {  	v6 =	vld [tilespmem:$0x5A0]  }
0x2b4: {  	v8 =	vadd.s32 v2, v8  }
0x2b5: {  	[tilespmem:$0x800] =	vst v4  }
0x2b6: {  	[tilespmem:$0x810] =	vst v7  }
0x2b7: {  	[tilespmem:$0x830] =	vst v9  }
0x2b8: {  	v4 =	vperm.xlane v5, v3;
	[tilespmem:$0x820] =	vst v6  }
0x2b9: {  	[tilespmem:s28], [sflag:$0x1] =	stream.indirect_vreg.gather [hbm4b:s3+s2], $0x80, v8, vm0, $0xb8;
	[tilespmem:$0x18880] =	vst v63  }
0x2ba: {  	s18 =	simm.s32 $0x1080;
	v4 =	vadd.s32 v2, v4  }
0x2bb: {  	[tilespmem:s18], [sflag:$0x1] =	stream.indirect_vreg.gather [hbm4b:s9+s2], $0x80, v8, vm0, $0xb8;
	[tilespmem:$0x18880] =	vst v63  }
0x2bc: {  	s0 =	simm.s32 $0x1880  }
0x2bd: {  	[tilespmem:s0], [sflag:$0x1] =	stream.indirect_vreg.gather [hbm4b:s11+s2], $0x80, v8, vm0, $0xb8;
	[tilespmem:$0x18880] =	vst v63  }
0x2be: {  	s5 =	simm.s32 $0x2080  }
0x2bf: {  	[tilespmem:s5], [sflag:$0x1] =	stream.indirect_vreg.gather [hbm4b:s3+s2], $0x80, v4, vm0, $0xb8;
	[tilespmem:$0x18880] =	vst v63  }
0x2c0: {  	s6 =	simm.s32 $0x2880  }
0x2c1: {  	[tilespmem:s6], [sflag:$0x1] =	stream.indirect_vreg.gather [hbm4b:s9+s2], $0x80, v4, vm0, $0xb8;
	[tilespmem:$0x18880] =	vst v63  }
0x2c2: {  	s18 =	simm.s32 $0x3080  }
0x2c3: {  	[tilespmem:s18], [sflag:$0x1] =	stream.indirect_vreg.gather [hbm4b:s11+s2], $0x80, v4, vm0, $0xb8;
	[tilespmem:$0x18880] =	vst v63  }
0x2c4: {  	v4 =	vld [tilespmem:$0x810];
	_ =	sdelay $0x4  }
0x2c5: {  	v5 =	vshrl.u32 v4, $0x3  }
0x2c6: {  	v5 =	vmul.u32 $0x30, v5  }
0x2c7: {  	v4 =	vand.u32 $0x7, v4  }
0x2c8: {  	v4 =	vor.u32 v4, v5  }
0x2c9: {  	v5 =	vperm.xlane v4, v1;
	_ =	sdelay $0x1  }
0x2ca: {  	v5 =	vadd.s32 v2, v5;
	_ =	sdelay $0x3  }
0x2cb: {  	s18 =	simm.s32 $0x3880;
	v4 =	vperm.xlane v4, v3  }
0x2cc: {  	[tilespmem:s18], [sflag:$0x1] =	stream.indirect_vreg.gather [hbm4b:s3+s2], $0x80, v5, vm0, $0xb8;
	[tilespmem:$0x18880] =	vst v63  }
0x2cd: {  	s8 =	simm.s32 $0x4080;
	v4 =	vadd.s32 v2, v4  }
0x2ce: {  	[tilespmem:s8], [sflag:$0x1] =	stream.indirect_vreg.gather [hbm4b:s9+s2], $0x80, v5, vm0, $0xb8;
	[tilespmem:$0x18880] =	vst v63  }
0x2cf: {  	s10 =	simm.s32 $0x4880  }
0x2d0: {  	[tilespmem:s10], [sflag:$0x1] =	stream.indirect_vreg.gather [hbm4b:s11+s2], $0x80, v5, vm0, $0xb8;
	[tilespmem:$0x18880] =	vst v63  }
0x2d1: {  	s12 =	simm.s32 $0x5080  }
0x2d2: {  	[tilespmem:s12], [sflag:$0x1] =	stream.indirect_vreg.gather [hbm4b:s3+s2], $0x80, v4, vm0, $0xb8;
	[tilespmem:$0x18880] =	vst v63  }
0x2d3: {  	s13 =	simm.s32 $0x5880  }
0x2d4: {  	[tilespmem:s13], [sflag:$0x1] =	stream.indirect_vreg.gather [hbm4b:s9+s2], $0x80, v4, vm0, $0xb8;
	[tilespmem:$0x18880] =	vst v63  }
0x2d5: {  	s18 =	simm.s32 $0x6080  }
0x2d6: {  	[tilespmem:s18], [sflag:$0x1] =	stream.indirect_vreg.gather [hbm4b:s11+s2], $0x80, v4, vm0, $0xb8;
	[tilespmem:$0x18880] =	vst v63  }
0x2d7: {  	v4 =	vld [tilespmem:$0x820];
	_ =	sdelay $0x4  }
0x2d8: {  	v5 =	vshrl.u32 v4, $0x3  }
0x2d9: {  	v5 =	vmul.u32 $0x30, v5  }
0x2da: {  	v4 =	vand.u32 $0x7, v4  }
0x2db: {  	v4 =	vor.u32 v4, v5  }
0x2dc: {  	v5 =	vperm.xlane v4, v1;
	_ =	sdelay $0x1  }
0x2dd: {  	v5 =	vadd.s32 v2, v5;
	_ =	sdelay $0x3  }
0x2de: {  	s18 =	simm.s32 $0x6880;
	v4 =	vperm.xlane v4, v3  }
0x2df: {  	[tilespmem:s18], [sflag:$0x1] =	stream.indirect_vreg.gather [hbm4b:s3+s2], $0x80, v5, vm0, $0xb8;
	[tilespmem:$0x18880] =	vst v63  }
0x2e0: {  	s14 =	simm.s32 $0x7080;
	v4 =	vadd.s32 v2, v4  }
0x2e1: {  	[tilespmem:s14], [sflag:$0x1] =	stream.indirect_vreg.gather [hbm4b:s9+s2], $0x80, v5, vm0, $0xb8;
	[tilespmem:$0x18880] =	vst v63  }
0x2e2: {  	s19 =	simm.s32 $0x7880  }
0x2e3: {  	[tilespmem:s19], [sflag:$0x1] =	stream.indirect_vreg.gather [hbm4b:s11+s2], $0x80, v5, vm0, $0xb8;
	[tilespmem:$0x18880] =	vst v63  }
0x2e4: {  	s20 =	simm.s32 $0x8080  }
0x2e5: {  	[tilespmem:s20], [sflag:$0x1] =	stream.indirect_vreg.gather [hbm4b:s3+s2], $0x80, v4, vm0, $0xb8;
	[tilespmem:$0x18880] =	vst v63  }
0x2e6: {  	s21 =	simm.s32 $0x8880  }
0x2e7: {  	[tilespmem:s21], [sflag:$0x1] =	stream.indirect_vreg.gather [hbm4b:s9+s2], $0x80, v4, vm0, $0xb8;
	[tilespmem:$0x18880] =	vst v63  }
0x2e8: {  	s18 =	simm.s32 $0x9080  }
0x2e9: {  	[tilespmem:s18], [sflag:$0x1] =	stream.indirect_vreg.gather [hbm4b:s11+s2], $0x80, v4, vm0, $0xb8;
	[tilespmem:$0x18880] =	vst v63  }
0x2ea: {  	v4 =	vld [tilespmem:$0x830];
	_ =	sdelay $0x4  }
0x2eb: {  	v5 =	vshrl.u32 v4, $0x3  }
0x2ec: {  	v5 =	vmul.u32 $0x30, v5  }
0x2ed: {  	v4 =	vand.u32 $0x7, v4  }
0x2ee: {  	v4 =	vor.u32 v4, v5  }
0x2ef: {  	v5 =	vperm.xlane v4, v1;
	_ =	sdelay $0x1  }
0x2f0: {  	v5 =	vadd.s32 v2, v5;
	_ =	sdelay $0x3  }
0x2f1: {  	s18 =	simm.s32 $0x9880;
	v4 =	vperm.xlane v4, v3  }
0x2f2: {  	[tilespmem:s18], [sflag:$0x1] =	stream.indirect_vreg.gather [hbm4b:s3+s2], $0x80, v5, vm0, $0xb8;
	[tilespmem:$0x18880] =	vst v63  }
0x2f3: {  	s22 =	simm.s32 $0xA080;
	v4 =	vadd.s32 v2, v4  }
0x2f4: {  	[tilespmem:s22], [sflag:$0x1] =	stream.indirect_vreg.gather [hbm4b:s9+s2], $0x80, v5, vm0, $0xb8;
	[tilespmem:$0x18880] =	vst v63  }
0x2f5: {  	s23 =	simm.s32 $0xA880  }
0x2f6: {  	[tilespmem:s23], [sflag:$0x1] =	stream.indirect_vreg.gather [hbm4b:s11+s2], $0x80, v5, vm0, $0xb8;
	[tilespmem:$0x18880] =	vst v63  }
0x2f7: {  	s24 =	simm.s32 $0xB080  }
0x2f8: {  	[tilespmem:s24], [sflag:$0x1] =	stream.indirect_vreg.gather [hbm4b:s3+s2], $0x80, v4, vm0, $0xb8;
	[tilespmem:$0x18880] =	vst v63  }
0x2f9: {  	s25 =	simm.s32 $0xB880  }
0x2fa: {  	[tilespmem:s25], [sflag:$0x1] =	stream.indirect_vreg.gather [hbm4b:s9+s2], $0x80, v4, vm0, $0xb8;
	[tilespmem:$0x18880] =	vst v63  }
0x2fb: {  	s18 =	simm.s32 $0xC080  }
0x2fc: {  	[tilespmem:s18], [sflag:$0x1] =	stream.indirect_vreg.gather [hbm4b:s11+s2], $0x80, v4, vm0, $0xb8;
	[tilespmem:$0x18880] =	vst v63  }
0x2fd: {  	_ =	swait.ge [sflag:s26], $0xC000  }
0x2fe: {  	[sflag:s26] =	ssyncset.done $0x0  }
0x2ff: {  	s18 =	sadd.s32 $0x9000, s4;
	[sflag:s26] =	ssyncadd.s32 $0xFFFF4000  }
0x300: {  	[hbm4b:s18+s2] =	stream.linear.scatter [tilespmem:s28], [sflag:$0x3], $0xC000, $0x38;
	[tilespmem:$0x18880] =	vst v63  }
0x301: {  	_ =	swait.ge [sflag:s17], $0xC000  }
0x302: {  	[sflag:s17] =	ssyncset.done $0x0  }
0x303: {  	[sflag:s17] =	ssyncadd.s32 $0xFFFF4000  }
0x304: {  	v4 =	vld [tilespmem:$0x5C0];
	_ =	sdelay $0x4  }
0x305: {  	v5 =	vshrl.u32 v4, $0x3  }
0x306: {  	v5 =	vmul.u32 $0x30, v5  }
0x307: {  	v6 =	vand.u32 $0x7, v4  }
0x308: {  	v7 =	vld [tilespmem:$0x5D0];
	v5 =	vor.u32 v6, v5  }
0x309: {  	v9 =	vld [tilespmem:$0x5F0];
	v8 =	vperm.xlane v5, v1  }
0x30a: {  	v6 =	vld [tilespmem:$0x5E0]  }
0x30b: {  	v8 =	vadd.s32 v2, v8  }
0x30c: {  	[tilespmem:$0x800] =	vst v4  }
0x30d: {  	[tilespmem:$0x810] =	vst v7  }
0x30e: {  	[tilespmem:$0x830] =	vst v9  }
0x30f: {  	v4 =	vperm.xlane v5, v3;
	[tilespmem:$0x820] =	vst v6  }
0x310: {  	[tilespmem:s29], [sflag:$0x2] =	stream.indirect_vreg.gather [hbm4b:s3+s2], $0x80, v8, vm0, $0xb8;
	[tilespmem:$0x18880] =	vst v63  }
0x311: {  	s30 =	simm.s32 $0xD080;
	v4 =	vadd.s32 v2, v4  }
0x312: {  	[tilespmem:s30], [sflag:$0x2] =	stream.indirect_vreg.gather [hbm4b:s9+s2], $0x80, v8, vm0, $0xb8;
	[tilespmem:$0x18880] =	vst v63  }
0x313: {  	s1 =	simm.s32 $0xD880  }
0x314: {  	[tilespmem:s1], [sflag:$0x2] =	stream.indirect_vreg.gather [hbm4b:s11+s2], $0x80, v8, vm0, $0xb8;
	[tilespmem:$0x18880] =	vst v63  }
0x315: {  	s18 =	simm.s32 $0xE080  }
0x316: {  	[tilespmem:s18], [sflag:$0x2] =	stream.indirect_vreg.gather [hbm4b:s3+s2], $0x80, v4, vm0, $0xb8;
	[tilespmem:$0x18880] =	vst v63  }
0x317: {  	s18 =	simm.s32 $0xE880  }
0x318: {  	[tilespmem:s18], [sflag:$0x2] =	stream.indirect_vreg.gather [hbm4b:s9+s2], $0x80, v4, vm0, $0xb8;
	[tilespmem:$0x18880] =	vst v63  }
0x319: {  	s18 =	simm.s32 $0xF080  }
0x31a: {  	[tilespmem:s18], [sflag:$0x2] =	stream.indirect_vreg.gather [hbm4b:s11+s2], $0x80, v4, vm0, $0xb8;
	[tilespmem:$0x18880] =	vst v63  }
0x31b: {  	v4 =	vld [tilespmem:$0x810];
	_ =	sdelay $0x4  }
0x31c: {  	v5 =	vshrl.u32 v4, $0x3  }
0x31d: {  	v5 =	vmul.u32 $0x30, v5  }
0x31e: {  	v4 =	vand.u32 $0x7, v4  }
0x31f: {  	v4 =	vor.u32 v4, v5  }
0x320: {  	v5 =	vperm.xlane v4, v1;
	_ =	sdelay $0x1  }
0x321: {  	v5 =	vadd.s32 v2, v5;
	_ =	sdelay $0x3  }
0x322: {  	s18 =	simm.s32 $0xF880;
	v4 =	vperm.xlane v4, v3  }
0x323: {  	[tilespmem:s18], [sflag:$0x2] =	stream.indirect_vreg.gather [hbm4b:s3+s2], $0x80, v5, vm0, $0xb8;
	[tilespmem:$0x18880] =	vst v63  }
0x324: {  	s31 =	simm.s32 $0x10080;
	v4 =	vadd.s32 v2, v4  }
0x325: {  	[tilespmem:s31], [sflag:$0x2] =	stream.indirect_vreg.gather [hbm4b:s9+s2], $0x80, v5, vm0, $0xb8;
	[tilespmem:$0x18880] =	vst v63  }
0x326: {  	s18 =	simm.s32 $0x10880  }
0x327: {  	[tilespmem:s18], [sflag:$0x2] =	stream.indirect_vreg.gather [hbm4b:s11+s2], $0x80, v5, vm0, $0xb8;
	[tilespmem:$0x18880] =	vst v63  }
0x328: {  	s18 =	simm.s32 $0x11080  }
0x329: {  	[tilespmem:s18], [sflag:$0x2] =	stream.indirect_vreg.gather [hbm4b:s3+s2], $0x80, v4, vm0, $0xb8;
	[tilespmem:$0x18880] =	vst v63  }
0x32a: {  	s18 =	simm.s32 $0x11880  }
0x32b: {  	[tilespmem:s18], [sflag:$0x2] =	stream.indirect_vreg.gather [hbm4b:s9+s2], $0x80, v4, vm0, $0xb8;
	[tilespmem:$0x18880] =	vst v63  }
0x32c: {  	s18 =	simm.s32 $0x12080  }
0x32d: {  	[tilespmem:s18], [sflag:$0x2] =	stream.indirect_vreg.gather [hbm4b:s11+s2], $0x80, v4, vm0, $0xb8;
	[tilespmem:$0x18880] =	vst v63  }
0x32e: {  	v4 =	vld [tilespmem:$0x820];
	_ =	sdelay $0x4  }
0x32f: {  	v5 =	vshrl.u32 v4, $0x3  }
0x330: {  	v5 =	vmul.u32 $0x30, v5  }
0x331: {  	v4 =	vand.u32 $0x7, v4  }
0x332: {  	v4 =	vor.u32 v4, v5  }
0x333: {  	v5 =	vperm.xlane v4, v1;
	_ =	sdelay $0x1  }
0x334: {  	v5 =	vadd.s32 v2, v5;
	_ =	sdelay $0x3  }
0x335: {  	s18 =	simm.s32 $0x12880;
	v4 =	vperm.xlane v4, v3  }
0x336: {  	[tilespmem:s18], [sflag:$0x2] =	stream.indirect_vreg.gather [hbm4b:s3+s2], $0x80, v5, vm0, $0xb8;
	[tilespmem:$0x18880] =	vst v63  }
0x337: {  	v4 =	vadd.s32 v2, v4;
	s18 =	simm.s32 $0x13080  }
0x338: {  	[tilespmem:s18], [sflag:$0x2] =	stream.indirect_vreg.gather [hbm4b:s9+s2], $0x80, v5, vm0, $0xb8;
	[tilespmem:$0x18880] =	vst v63  }
0x339: {  	s18 =	simm.s32 $0x13880  }
0x33a: {  	[tilespmem:s18], [sflag:$0x2] =	stream.indirect_vreg.gather [hbm4b:s11+s2], $0x80, v5, vm0, $0xb8;
	[tilespmem:$0x18880] =	vst v63  }
0x33b: {  	s18 =	simm.s32 $0x14080  }
0x33c: {  	[tilespmem:s18], [sflag:$0x2] =	stream.indirect_vreg.gather [hbm4b:s3+s2], $0x80, v4, vm0, $0xb8;
	[tilespmem:$0x18880] =	vst v63  }
0x33d: {  	s18 =	simm.s32 $0x14880  }
0x33e: {  	[tilespmem:s18], [sflag:$0x2] =	stream.indirect_vreg.gather [hbm4b:s9+s2], $0x80, v4, vm0, $0xb8;
	[tilespmem:$0x18880] =	vst v63  }
0x33f: {  	s18 =	simm.s32 $0x15080  }
0x340: {  	[tilespmem:s18], [sflag:$0x2] =	stream.indirect_vreg.gather [hbm4b:s11+s2], $0x80, v4, vm0, $0xb8;
	[tilespmem:$0x18880] =	vst v63  }
0x341: {  	v4 =	vld [tilespmem:$0x830];
	_ =	sdelay $0x4  }
0x342: {  	v5 =	vshrl.u32 v4, $0x3  }
0x343: {  	v5 =	vmul.u32 $0x30, v5  }
0x344: {  	v4 =	vand.u32 $0x7, v4  }
0x345: {  	v4 =	vor.u32 v4, v5  }
0x346: {  	v5 =	vperm.xlane v4, v1;
	_ =	sdelay $0x1  }
0x347: {  	v5 =	vadd.s32 v2, v5;
	_ =	sdelay $0x3  }
0x348: {  	s18 =	simm.s32 $0x15880;
	v4 =	vperm.xlane v4, v3  }
0x349: {  	[tilespmem:s18], [sflag:$0x2] =	stream.indirect_vreg.gather [hbm4b:s3+s2], $0x80, v5, vm0, $0xb8;
	[tilespmem:$0x18880] =	vst v63  }
0x34a: {  	v4 =	vadd.s32 v2, v4;
	s18 =	simm.s32 $0x16080  }
0x34b: {  	[tilespmem:s18], [sflag:$0x2] =	stream.indirect_vreg.gather [hbm4b:s9+s2], $0x80, v5, vm0, $0xb8;
	[tilespmem:$0x18880] =	vst v63  }
0x34c: {  	s18 =	simm.s32 $0x16880  }
0x34d: {  	[tilespmem:s18], [sflag:$0x2] =	stream.indirect_vreg.gather [hbm4b:s11+s2], $0x80, v5, vm0, $0xb8;
	[tilespmem:$0x18880] =	vst v63  }
0x34e: {  	s18 =	simm.s32 $0x17080  }
0x34f: {  	[tilespmem:s18], [sflag:$0x2] =	stream.indirect_vreg.gather [hbm4b:s3+s2], $0x80, v4, vm0, $0xb8;
	[tilespmem:$0x18880] =	vst v63  }
0x350: {  	s18 =	simm.s32 $0x17880  }
0x351: {  	[tilespmem:s18], [sflag:$0x2] =	stream.indirect_vreg.gather [hbm4b:s9+s2], $0x80, v4, vm0, $0xb8;
	[tilespmem:$0x18880] =	vst v63  }
0x352: {  	s18 =	simm.s32 $0x18080  }
0x353: {  	[tilespmem:s18], [sflag:$0x2] =	stream.indirect_vreg.gather [hbm4b:s11+s2], $0x80, v4, vm0, $0xb8;
	[tilespmem:$0x18880] =	vst v63  }
0x354: {  	_ =	swait.ge [sflag:s15], $0xC000  }
0x355: {  	[sflag:s15] =	ssyncset.done $0x0  }
0x356: {  	s18 =	sadd.s32 $0xA800, s4;
	[sflag:s15] =	ssyncadd.s32 $0xFFFF4000  }
0x357: {  	[hbm4b:s18+s2] =	stream.linear.scatter [tilespmem:s29], [sflag:$0x4], $0xC000, $0x38;
	[tilespmem:$0x18880] =	vst v63  }
0x358: {  	_ =	swait.ge [sflag:s16], $0xC000  }
0x359: {  	[sflag:s16] =	ssyncset.done $0x0  }
0x35a: {  	[sflag:s16] =	ssyncadd.s32 $0xFFFF4000  }
0x35b: {  	v4 =	vld [tilespmem:$0x600];
	_ =	sdelay $0x4  }
0x35c: {  	v5 =	vshrl.u32 v4, $0x3  }
0x35d: {  	v5 =	vmul.u32 $0x30, v5  }
0x35e: {  	v6 =	vand.u32 $0x7, v4  }
0x35f: {  	v7 =	vld [tilespmem:$0x610];
	v5 =	vor.u32 v6, v5  }
0x360: {  	v9 =	vld [tilespmem:$0x630];
	v8 =	vperm.xlane v5, v1  }
0x361: {  	v6 =	vld [tilespmem:$0x620]  }
0x362: {  	v8 =	vadd.s32 v2, v8  }
0x363: {  	[tilespmem:$0x800] =	vst v4  }
0x364: {  	[tilespmem:$0x810] =	vst v7  }
0x365: {  	[tilespmem:$0x830] =	vst v9  }
0x366: {  	v4 =	vperm.xlane v5, v3;
	[tilespmem:$0x820] =	vst v6  }
0x367: {  	[tilespmem:s28], [sflag:$0x1] =	stream.indirect_vreg.gather [hbm4b:s3+s2], $0x80, v8, vm0, $0xb8;
	[tilespmem:$0x18880] =	vst v63  }
0x368: {  	s18 =	simm.s32 $0x1080;
	v4 =	vadd.s32 v2, v4  }
0x369: {  	[tilespmem:s18], [sflag:$0x1] =	stream.indirect_vreg.gather [hbm4b:s9+s2], $0x80, v8, vm0, $0xb8;
	[tilespmem:$0x18880] =	vst v63  }
0x36a: {  	s0 =	simm.s32 $0x1880  }
0x36b: {  	[tilespmem:s0], [sflag:$0x1] =	stream.indirect_vreg.gather [hbm4b:s11+s2], $0x80, v8, vm0, $0xb8;
	[tilespmem:$0x18880] =	vst v63  }
0x36c: {  	s5 =	simm.s32 $0x2080  }
0x36d: {  	[tilespmem:s5], [sflag:$0x1] =	stream.indirect_vreg.gather [hbm4b:s3+s2], $0x80, v4, vm0, $0xb8;
	[tilespmem:$0x18880] =	vst v63  }
0x36e: {  	s6 =	simm.s32 $0x2880  }
0x36f: {  	[tilespmem:s6], [sflag:$0x1] =	stream.indirect_vreg.gather [hbm4b:s9+s2], $0x80, v4, vm0, $0xb8;
	[tilespmem:$0x18880] =	vst v63  }
0x370: {  	s18 =	simm.s32 $0x3080  }
0x371: {  	[tilespmem:s18], [sflag:$0x1] =	stream.indirect_vreg.gather [hbm4b:s11+s2], $0x80, v4, vm0, $0xb8;
	[tilespmem:$0x18880] =	vst v63  }
0x372: {  	v4 =	vld [tilespmem:$0x810];
	_ =	sdelay $0x4  }
0x373: {  	v5 =	vshrl.u32 v4, $0x3  }
0x374: {  	v5 =	vmul.u32 $0x30, v5  }
0x375: {  	v4 =	vand.u32 $0x7, v4  }
0x376: {  	v4 =	vor.u32 v4, v5  }
0x377: {  	v5 =	vperm.xlane v4, v1;
	_ =	sdelay $0x1  }
0x378: {  	v5 =	vadd.s32 v2, v5;
	_ =	sdelay $0x3  }
0x379: {  	s18 =	simm.s32 $0x3880;
	v4 =	vperm.xlane v4, v3  }
0x37a: {  	[tilespmem:s18], [sflag:$0x1] =	stream.indirect_vreg.gather [hbm4b:s3+s2], $0x80, v5, vm0, $0xb8;
	[tilespmem:$0x18880] =	vst v63  }
0x37b: {  	s8 =	simm.s32 $0x4080;
	v4 =	vadd.s32 v2, v4  }
0x37c: {  	[tilespmem:s8], [sflag:$0x1] =	stream.indirect_vreg.gather [hbm4b:s9+s2], $0x80, v5, vm0, $0xb8;
	[tilespmem:$0x18880] =	vst v63  }
0x37d: {  	s10 =	simm.s32 $0x4880  }
0x37e: {  	[tilespmem:s10], [sflag:$0x1] =	stream.indirect_vreg.gather [hbm4b:s11+s2], $0x80, v5, vm0, $0xb8;
	[tilespmem:$0x18880] =	vst v63  }
0x37f: {  	s12 =	simm.s32 $0x5080  }
0x380: {  	[tilespmem:s12], [sflag:$0x1] =	stream.indirect_vreg.gather [hbm4b:s3+s2], $0x80, v4, vm0, $0xb8;
	[tilespmem:$0x18880] =	vst v63  }
0x381: {  	s13 =	simm.s32 $0x5880  }
0x382: {  	[tilespmem:s13], [sflag:$0x1] =	stream.indirect_vreg.gather [hbm4b:s9+s2], $0x80, v4, vm0, $0xb8;
	[tilespmem:$0x18880] =	vst v63  }
0x383: {  	s18 =	simm.s32 $0x6080  }
0x384: {  	[tilespmem:s18], [sflag:$0x1] =	stream.indirect_vreg.gather [hbm4b:s11+s2], $0x80, v4, vm0, $0xb8;
	[tilespmem:$0x18880] =	vst v63  }
0x385: {  	v4 =	vld [tilespmem:$0x820];
	_ =	sdelay $0x4  }
0x386: {  	v5 =	vshrl.u32 v4, $0x3  }
0x387: {  	v5 =	vmul.u32 $0x30, v5  }
0x388: {  	v4 =	vand.u32 $0x7, v4  }
0x389: {  	v4 =	vor.u32 v4, v5  }
0x38a: {  	v5 =	vperm.xlane v4, v1;
	_ =	sdelay $0x1  }
0x38b: {  	v5 =	vadd.s32 v2, v5;
	_ =	sdelay $0x3  }
0x38c: {  	s18 =	simm.s32 $0x6880;
	v4 =	vperm.xlane v4, v3  }
0x38d: {  	[tilespmem:s18], [sflag:$0x1] =	stream.indirect_vreg.gather [hbm4b:s3+s2], $0x80, v5, vm0, $0xb8;
	[tilespmem:$0x18880] =	vst v63  }
0x38e: {  	s14 =	simm.s32 $0x7080;
	v4 =	vadd.s32 v2, v4  }
0x38f: {  	[tilespmem:s14], [sflag:$0x1] =	stream.indirect_vreg.gather [hbm4b:s9+s2], $0x80, v5, vm0, $0xb8;
	[tilespmem:$0x18880] =	vst v63  }
0x390: {  	s19 =	simm.s32 $0x7880  }
0x391: {  	[tilespmem:s19], [sflag:$0x1] =	stream.indirect_vreg.gather [hbm4b:s11+s2], $0x80, v5, vm0, $0xb8;
	[tilespmem:$0x18880] =	vst v63  }
0x392: {  	s20 =	simm.s32 $0x8080  }
0x393: {  	[tilespmem:s20], [sflag:$0x1] =	stream.indirect_vreg.gather [hbm4b:s3+s2], $0x80, v4, vm0, $0xb8;
	[tilespmem:$0x18880] =	vst v63  }
0x394: {  	s21 =	simm.s32 $0x8880  }
0x395: {  	[tilespmem:s21], [sflag:$0x1] =	stream.indirect_vreg.gather [hbm4b:s9+s2], $0x80, v4, vm0, $0xb8;
	[tilespmem:$0x18880] =	vst v63  }
0x396: {  	s18 =	simm.s32 $0x9080  }
0x397: {  	[tilespmem:s18], [sflag:$0x1] =	stream.indirect_vreg.gather [hbm4b:s11+s2], $0x80, v4, vm0, $0xb8;
	[tilespmem:$0x18880] =	vst v63  }
0x398: {  	v4 =	vld [tilespmem:$0x830];
	_ =	sdelay $0x4  }
0x399: {  	v5 =	vshrl.u32 v4, $0x3  }
0x39a: {  	v5 =	vmul.u32 $0x30, v5  }
0x39b: {  	v4 =	vand.u32 $0x7, v4  }
0x39c: {  	v4 =	vor.u32 v4, v5  }
0x39d: {  	v5 =	vperm.xlane v4, v1;
	_ =	sdelay $0x1  }
0x39e: {  	v5 =	vadd.s32 v2, v5;
	_ =	sdelay $0x3  }
0x39f: {  	s18 =	simm.s32 $0x9880;
	v4 =	vperm.xlane v4, v3  }
0x3a0: {  	[tilespmem:s18], [sflag:$0x1] =	stream.indirect_vreg.gather [hbm4b:s3+s2], $0x80, v5, vm0, $0xb8;
	[tilespmem:$0x18880] =	vst v63  }
0x3a1: {  	s22 =	simm.s32 $0xA080;
	v4 =	vadd.s32 v2, v4  }
0x3a2: {  	[tilespmem:s22], [sflag:$0x1] =	stream.indirect_vreg.gather [hbm4b:s9+s2], $0x80, v5, vm0, $0xb8;
	[tilespmem:$0x18880] =	vst v63  }
0x3a3: {  	s23 =	simm.s32 $0xA880  }
0x3a4: {  	[tilespmem:s23], [sflag:$0x1] =	stream.indirect_vreg.gather [hbm4b:s11+s2], $0x80, v5, vm0, $0xb8;
	[tilespmem:$0x18880] =	vst v63  }
0x3a5: {  	s24 =	simm.s32 $0xB080  }
0x3a6: {  	[tilespmem:s24], [sflag:$0x1] =	stream.indirect_vreg.gather [hbm4b:s3+s2], $0x80, v4, vm0, $0xb8;
	[tilespmem:$0x18880] =	vst v63  }
0x3a7: {  	s25 =	simm.s32 $0xB880  }
0x3a8: {  	[tilespmem:s25], [sflag:$0x1] =	stream.indirect_vreg.gather [hbm4b:s9+s2], $0x80, v4, vm0, $0xb8;
	[tilespmem:$0x18880] =	vst v63  }
0x3a9: {  	s18 =	simm.s32 $0xC080  }
0x3aa: {  	[tilespmem:s18], [sflag:$0x1] =	stream.indirect_vreg.gather [hbm4b:s11+s2], $0x80, v4, vm0, $0xb8;
	[tilespmem:$0x18880] =	vst v63  }
0x3ab: {  	_ =	swait.ge [sflag:s26], $0xC000  }
0x3ac: {  	[sflag:s26] =	ssyncset.done $0x0  }
0x3ad: {  	s18 =	sadd.s32 $0xC000, s4;
	[sflag:s26] =	ssyncadd.s32 $0xFFFF4000  }
0x3ae: {  	[hbm4b:s18+s2] =	stream.linear.scatter [tilespmem:s28], [sflag:$0x3], $0xC000, $0x38;
	[tilespmem:$0x18880] =	vst v63  }
0x3af: {  	_ =	swait.ge [sflag:s17], $0xC000  }
0x3b0: {  	[sflag:s17] =	ssyncset.done $0x0  }
0x3b1: {  	[sflag:s17] =	ssyncadd.s32 $0xFFFF4000  }
0x3b2: {  	v4 =	vld [tilespmem:$0x640];
	_ =	sdelay $0x4  }
0x3b3: {  	v5 =	vshrl.u32 v4, $0x3  }
0x3b4: {  	v5 =	vmul.u32 $0x30, v5  }
0x3b5: {  	v6 =	vand.u32 $0x7, v4  }
0x3b6: {  	v7 =	vld [tilespmem:$0x650];
	v5 =	vor.u32 v6, v5  }
0x3b7: {  	v9 =	vld [tilespmem:$0x670];
	v8 =	vperm.xlane v5, v1  }
0x3b8: {  	v6 =	vld [tilespmem:$0x660]  }
0x3b9: {  	v8 =	vadd.s32 v2, v8  }
0x3ba: {  	[tilespmem:$0x800] =	vst v4  }
0x3bb: {  	[tilespmem:$0x810] =	vst v7  }
0x3bc: {  	[tilespmem:$0x830] =	vst v9  }
0x3bd: {  	v4 =	vperm.xlane v5, v3;
	[tilespmem:$0x820] =	vst v6  }
0x3be: {  	[tilespmem:s29], [sflag:$0x2] =	stream.indirect_vreg.gather [hbm4b:s3+s2], $0x80, v8, vm0, $0xb8;
	[tilespmem:$0x18880] =	vst v63  }
0x3bf: {  	s30 =	simm.s32 $0xD080;
	v4 =	vadd.s32 v2, v4  }
0x3c0: {  	[tilespmem:s30], [sflag:$0x2] =	stream.indirect_vreg.gather [hbm4b:s9+s2], $0x80, v8, vm0, $0xb8;
	[tilespmem:$0x18880] =	vst v63  }
0x3c1: {  	s1 =	simm.s32 $0xD880  }
0x3c2: {  	[tilespmem:s1], [sflag:$0x2] =	stream.indirect_vreg.gather [hbm4b:s11+s2], $0x80, v8, vm0, $0xb8;
	[tilespmem:$0x18880] =	vst v63  }
0x3c3: {  	s18 =	simm.s32 $0xE080  }
0x3c4: {  	[tilespmem:s18], [sflag:$0x2] =	stream.indirect_vreg.gather [hbm4b:s3+s2], $0x80, v4, vm0, $0xb8;
	[tilespmem:$0x18880] =	vst v63  }
0x3c5: {  	s18 =	simm.s32 $0xE880  }
0x3c6: {  	[tilespmem:s18], [sflag:$0x2] =	stream.indirect_vreg.gather [hbm4b:s9+s2], $0x80, v4, vm0, $0xb8;
	[tilespmem:$0x18880] =	vst v63  }
0x3c7: {  	s18 =	simm.s32 $0xF080  }
0x3c8: {  	[tilespmem:s18], [sflag:$0x2] =	stream.indirect_vreg.gather [hbm4b:s11+s2], $0x80, v4, vm0, $0xb8;
	[tilespmem:$0x18880] =	vst v63  }
0x3c9: {  	v4 =	vld [tilespmem:$0x810];
	_ =	sdelay $0x4  }
0x3ca: {  	v5 =	vshrl.u32 v4, $0x3  }
0x3cb: {  	v5 =	vmul.u32 $0x30, v5  }
0x3cc: {  	v4 =	vand.u32 $0x7, v4  }
0x3cd: {  	v4 =	vor.u32 v4, v5  }
0x3ce: {  	v5 =	vperm.xlane v4, v1;
	_ =	sdelay $0x1  }
0x3cf: {  	v5 =	vadd.s32 v2, v5;
	_ =	sdelay $0x3  }
0x3d0: {  	s18 =	simm.s32 $0xF880;
	v4 =	vperm.xlane v4, v3  }
0x3d1: {  	[tilespmem:s18], [sflag:$0x2] =	stream.indirect_vreg.gather [hbm4b:s3+s2], $0x80, v5, vm0, $0xb8;
	[tilespmem:$0x18880] =	vst v63  }
0x3d2: {  	s31 =	simm.s32 $0x10080;
	v4 =	vadd.s32 v2, v4  }
0x3d3: {  	[tilespmem:s31], [sflag:$0x2] =	stream.indirect_vreg.gather [hbm4b:s9+s2], $0x80, v5, vm0, $0xb8;
	[tilespmem:$0x18880] =	vst v63  }
0x3d4: {  	s18 =	simm.s32 $0x10880  }
0x3d5: {  	[tilespmem:s18], [sflag:$0x2] =	stream.indirect_vreg.gather [hbm4b:s11+s2], $0x80, v5, vm0, $0xb8;
	[tilespmem:$0x18880] =	vst v63  }
0x3d6: {  	s18 =	simm.s32 $0x11080  }
0x3d7: {  	[tilespmem:s18], [sflag:$0x2] =	stream.indirect_vreg.gather [hbm4b:s3+s2], $0x80, v4, vm0, $0xb8;
	[tilespmem:$0x18880] =	vst v63  }
0x3d8: {  	s18 =	simm.s32 $0x11880  }
0x3d9: {  	[tilespmem:s18], [sflag:$0x2] =	stream.indirect_vreg.gather [hbm4b:s9+s2], $0x80, v4, vm0, $0xb8;
	[tilespmem:$0x18880] =	vst v63  }
0x3da: {  	s18 =	simm.s32 $0x12080  }
0x3db: {  	[tilespmem:s18], [sflag:$0x2] =	stream.indirect_vreg.gather [hbm4b:s11+s2], $0x80, v4, vm0, $0xb8;
	[tilespmem:$0x18880] =	vst v63  }
0x3dc: {  	v4 =	vld [tilespmem:$0x820];
	_ =	sdelay $0x4  }
0x3dd: {  	v5 =	vshrl.u32 v4, $0x3  }
0x3de: {  	v5 =	vmul.u32 $0x30, v5  }
0x3df: {  	v4 =	vand.u32 $0x7, v4  }
0x3e0: {  	v4 =	vor.u32 v4, v5  }
0x3e1: {  	v5 =	vperm.xlane v4, v1;
	_ =	sdelay $0x1  }
0x3e2: {  	v5 =	vadd.s32 v2, v5;
	_ =	sdelay $0x3  }
0x3e3: {  	s18 =	simm.s32 $0x12880;
	v4 =	vperm.xlane v4, v3  }
0x3e4: {  	[tilespmem:s18], [sflag:$0x2] =	stream.indirect_vreg.gather [hbm4b:s3+s2], $0x80, v5, vm0, $0xb8;
	[tilespmem:$0x18880] =	vst v63  }
0x3e5: {  	v4 =	vadd.s32 v2, v4;
	s18 =	simm.s32 $0x13080  }
0x3e6: {  	[tilespmem:s18], [sflag:$0x2] =	stream.indirect_vreg.gather [hbm4b:s9+s2], $0x80, v5, vm0, $0xb8;
	[tilespmem:$0x18880] =	vst v63  }
0x3e7: {  	s18 =	simm.s32 $0x13880  }
0x3e8: {  	[tilespmem:s18], [sflag:$0x2] =	stream.indirect_vreg.gather [hbm4b:s11+s2], $0x80, v5, vm0, $0xb8;
	[tilespmem:$0x18880] =	vst v63  }
0x3e9: {  	s18 =	simm.s32 $0x14080  }
0x3ea: {  	[tilespmem:s18], [sflag:$0x2] =	stream.indirect_vreg.gather [hbm4b:s3+s2], $0x80, v4, vm0, $0xb8;
	[tilespmem:$0x18880] =	vst v63  }
0x3eb: {  	s18 =	simm.s32 $0x14880  }
0x3ec: {  	[tilespmem:s18], [sflag:$0x2] =	stream.indirect_vreg.gather [hbm4b:s9+s2], $0x80, v4, vm0, $0xb8;
	[tilespmem:$0x18880] =	vst v63  }
0x3ed: {  	s18 =	simm.s32 $0x15080  }
0x3ee: {  	[tilespmem:s18], [sflag:$0x2] =	stream.indirect_vreg.gather [hbm4b:s11+s2], $0x80, v4, vm0, $0xb8;
	[tilespmem:$0x18880] =	vst v63  }
0x3ef: {  	v4 =	vld [tilespmem:$0x830];
	_ =	sdelay $0x4  }
0x3f0: {  	v5 =	vshrl.u32 v4, $0x3  }
0x3f1: {  	v5 =	vmul.u32 $0x30, v5  }
0x3f2: {  	v4 =	vand.u32 $0x7, v4  }
0x3f3: {  	v4 =	vor.u32 v4, v5  }
0x3f4: {  	v5 =	vperm.xlane v4, v1;
	_ =	sdelay $0x1  }
0x3f5: {  	v5 =	vadd.s32 v2, v5;
	_ =	sdelay $0x3  }
0x3f6: {  	s18 =	simm.s32 $0x15880;
	v4 =	vperm.xlane v4, v3  }
0x3f7: {  	[tilespmem:s18], [sflag:$0x2] =	stream.indirect_vreg.gather [hbm4b:s3+s2], $0x80, v5, vm0, $0xb8;
	[tilespmem:$0x18880] =	vst v63  }
0x3f8: {  	v4 =	vadd.s32 v2, v4;
	s18 =	simm.s32 $0x16080  }
0x3f9: {  	[tilespmem:s18], [sflag:$0x2] =	stream.indirect_vreg.gather [hbm4b:s9+s2], $0x80, v5, vm0, $0xb8;
	[tilespmem:$0x18880] =	vst v63  }
0x3fa: {  	s18 =	simm.s32 $0x16880  }
0x3fb: {  	[tilespmem:s18], [sflag:$0x2] =	stream.indirect_vreg.gather [hbm4b:s11+s2], $0x80, v5, vm0, $0xb8;
	[tilespmem:$0x18880] =	vst v63  }
0x3fc: {  	s18 =	simm.s32 $0x17080  }
0x3fd: {  	[tilespmem:s18], [sflag:$0x2] =	stream.indirect_vreg.gather [hbm4b:s3+s2], $0x80, v4, vm0, $0xb8;
	[tilespmem:$0x18880] =	vst v63  }
0x3fe: {  	s18 =	simm.s32 $0x17880  }
0x3ff: {  	[tilespmem:s18], [sflag:$0x2] =	stream.indirect_vreg.gather [hbm4b:s9+s2], $0x80, v4, vm0, $0xb8;
	[tilespmem:$0x18880] =	vst v63  }
0x400: {  	s18 =	simm.s32 $0x18080  }
0x401: {  	[tilespmem:s18], [sflag:$0x2] =	stream.indirect_vreg.gather [hbm4b:s11+s2], $0x80, v4, vm0, $0xb8;
	[tilespmem:$0x18880] =	vst v63  }
0x402: {  	_ =	swait.ge [sflag:s15], $0xC000  }
0x403: {  	[sflag:s15] =	ssyncset.done $0x0  }
0x404: {  	s18 =	sadd.s32 $0xD800, s4;
	[sflag:s15] =	ssyncadd.s32 $0xFFFF4000  }
0x405: {  	[hbm4b:s18+s2] =	stream.linear.scatter [tilespmem:s29], [sflag:$0x4], $0xC000, $0x38;
	[tilespmem:$0x18880] =	vst v63  }
0x406: {  	_ =	swait.ge [sflag:s16], $0xC000  }
0x407: {  	[sflag:s16] =	ssyncset.done $0x0  }
0x408: {  	[sflag:s16] =	ssyncadd.s32 $0xFFFF4000  }
0x409: {  	v4 =	vld [tilespmem:$0x680];
	_ =	sdelay $0x4  }
0x40a: {  	v5 =	vshrl.u32 v4, $0x3  }
0x40b: {  	v5 =	vmul.u32 $0x30, v5  }
0x40c: {  	v6 =	vand.u32 $0x7, v4  }
0x40d: {  	v7 =	vld [tilespmem:$0x690];
	v5 =	vor.u32 v6, v5  }
0x40e: {  	v9 =	vld [tilespmem:$0x6B0];
	v8 =	vperm.xlane v5, v1  }
0x40f: {  	v6 =	vld [tilespmem:$0x6A0]  }
0x410: {  	v8 =	vadd.s32 v2, v8  }
0x411: {  	[tilespmem:$0x800] =	vst v4  }
0x412: {  	[tilespmem:$0x810] =	vst v7  }
0x413: {  	[tilespmem:$0x830] =	vst v9  }
0x414: {  	v4 =	vperm.xlane v5, v3;
	[tilespmem:$0x820] =	vst v6  }
0x415: {  	[tilespmem:s28], [sflag:$0x1] =	stream.indirect_vreg.gather [hbm4b:s3+s2], $0x80, v8, vm0, $0xb8;
	[tilespmem:$0x18880] =	vst v63  }
0x416: {  	s18 =	simm.s32 $0x1080;
	v4 =	vadd.s32 v2, v4  }
0x417: {  	[tilespmem:s18], [sflag:$0x1] =	stream.indirect_vreg.gather [hbm4b:s9+s2], $0x80, v8, vm0, $0xb8;
	[tilespmem:$0x18880] =	vst v63  }
0x418: {  	s0 =	simm.s32 $0x1880  }
0x419: {  	[tilespmem:s0], [sflag:$0x1] =	stream.indirect_vreg.gather [hbm4b:s11+s2], $0x80, v8, vm0, $0xb8;
	[tilespmem:$0x18880] =	vst v63  }
0x41a: {  	s5 =	simm.s32 $0x2080  }
0x41b: {  	[tilespmem:s5], [sflag:$0x1] =	stream.indirect_vreg.gather [hbm4b:s3+s2], $0x80, v4, vm0, $0xb8;
	[tilespmem:$0x18880] =	vst v63  }
0x41c: {  	s6 =	simm.s32 $0x2880  }
0x41d: {  	[tilespmem:s6], [sflag:$0x1] =	stream.indirect_vreg.gather [hbm4b:s9+s2], $0x80, v4, vm0, $0xb8;
	[tilespmem:$0x18880] =	vst v63  }
0x41e: {  	s18 =	simm.s32 $0x3080  }
0x41f: {  	[tilespmem:s18], [sflag:$0x1] =	stream.indirect_vreg.gather [hbm4b:s11+s2], $0x80, v4, vm0, $0xb8;
	[tilespmem:$0x18880] =	vst v63  }
0x420: {  	v4 =	vld [tilespmem:$0x810];
	_ =	sdelay $0x4  }
0x421: {  	v5 =	vshrl.u32 v4, $0x3  }
0x422: {  	v5 =	vmul.u32 $0x30, v5  }
0x423: {  	v4 =	vand.u32 $0x7, v4  }
0x424: {  	v4 =	vor.u32 v4, v5  }
0x425: {  	v5 =	vperm.xlane v4, v1;
	_ =	sdelay $0x1  }
0x426: {  	v5 =	vadd.s32 v2, v5;
	_ =	sdelay $0x3  }
0x427: {  	s18 =	simm.s32 $0x3880;
	v4 =	vperm.xlane v4, v3  }
0x428: {  	[tilespmem:s18], [sflag:$0x1] =	stream.indirect_vreg.gather [hbm4b:s3+s2], $0x80, v5, vm0, $0xb8;
	[tilespmem:$0x18880] =	vst v63  }
0x429: {  	s8 =	simm.s32 $0x4080;
	v4 =	vadd.s32 v2, v4  }
0x42a: {  	[tilespmem:s8], [sflag:$0x1] =	stream.indirect_vreg.gather [hbm4b:s9+s2], $0x80, v5, vm0, $0xb8;
	[tilespmem:$0x18880] =	vst v63  }
0x42b: {  	s10 =	simm.s32 $0x4880  }
0x42c: {  	[tilespmem:s10], [sflag:$0x1] =	stream.indirect_vreg.gather [hbm4b:s11+s2], $0x80, v5, vm0, $0xb8;
	[tilespmem:$0x18880] =	vst v63  }
0x42d: {  	s12 =	simm.s32 $0x5080  }
0x42e: {  	[tilespmem:s12], [sflag:$0x1] =	stream.indirect_vreg.gather [hbm4b:s3+s2], $0x80, v4, vm0, $0xb8;
	[tilespmem:$0x18880] =	vst v63  }
0x42f: {  	s13 =	simm.s32 $0x5880  }
0x430: {  	[tilespmem:s13], [sflag:$0x1] =	stream.indirect_vreg.gather [hbm4b:s9+s2], $0x80, v4, vm0, $0xb8;
	[tilespmem:$0x18880] =	vst v63  }
0x431: {  	s18 =	simm.s32 $0x6080  }
0x432: {  	[tilespmem:s18], [sflag:$0x1] =	stream.indirect_vreg.gather [hbm4b:s11+s2], $0x80, v4, vm0, $0xb8;
	[tilespmem:$0x18880] =	vst v63  }
0x433: {  	v4 =	vld [tilespmem:$0x820];
	_ =	sdelay $0x4  }
0x434: {  	v5 =	vshrl.u32 v4, $0x3  }
0x435: {  	v5 =	vmul.u32 $0x30, v5  }
0x436: {  	v4 =	vand.u32 $0x7, v4  }
0x437: {  	v4 =	vor.u32 v4, v5  }
0x438: {  	v5 =	vperm.xlane v4, v1;
	_ =	sdelay $0x1  }
0x439: {  	v5 =	vadd.s32 v2, v5;
	_ =	sdelay $0x3  }
0x43a: {  	s18 =	simm.s32 $0x6880;
	v4 =	vperm.xlane v4, v3  }
0x43b: {  	[tilespmem:s18], [sflag:$0x1] =	stream.indirect_vreg.gather [hbm4b:s3+s2], $0x80, v5, vm0, $0xb8;
	[tilespmem:$0x18880] =	vst v63  }
0x43c: {  	s14 =	simm.s32 $0x7080;
	v4 =	vadd.s32 v2, v4  }
0x43d: {  	[tilespmem:s14], [sflag:$0x1] =	stream.indirect_vreg.gather [hbm4b:s9+s2], $0x80, v5, vm0, $0xb8;
	[tilespmem:$0x18880] =	vst v63  }
0x43e: {  	s19 =	simm.s32 $0x7880  }
0x43f: {  	[tilespmem:s19], [sflag:$0x1] =	stream.indirect_vreg.gather [hbm4b:s11+s2], $0x80, v5, vm0, $0xb8;
	[tilespmem:$0x18880] =	vst v63  }
0x440: {  	s20 =	simm.s32 $0x8080  }
0x441: {  	[tilespmem:s20], [sflag:$0x1] =	stream.indirect_vreg.gather [hbm4b:s3+s2], $0x80, v4, vm0, $0xb8;
	[tilespmem:$0x18880] =	vst v63  }
0x442: {  	s21 =	simm.s32 $0x8880  }
0x443: {  	[tilespmem:s21], [sflag:$0x1] =	stream.indirect_vreg.gather [hbm4b:s9+s2], $0x80, v4, vm0, $0xb8;
	[tilespmem:$0x18880] =	vst v63  }
0x444: {  	s18 =	simm.s32 $0x9080  }
0x445: {  	[tilespmem:s18], [sflag:$0x1] =	stream.indirect_vreg.gather [hbm4b:s11+s2], $0x80, v4, vm0, $0xb8;
	[tilespmem:$0x18880] =	vst v63  }
0x446: {  	v4 =	vld [tilespmem:$0x830];
	_ =	sdelay $0x4  }
0x447: {  	v5 =	vshrl.u32 v4, $0x3  }
0x448: {  	v5 =	vmul.u32 $0x30, v5  }
0x449: {  	v4 =	vand.u32 $0x7, v4  }
0x44a: {  	v4 =	vor.u32 v4, v5  }
0x44b: {  	v5 =	vperm.xlane v4, v1;
	_ =	sdelay $0x1  }
0x44c: {  	v5 =	vadd.s32 v2, v5;
	_ =	sdelay $0x3  }
0x44d: {  	s18 =	simm.s32 $0x9880;
	v4 =	vperm.xlane v4, v3  }
0x44e: {  	[tilespmem:s18], [sflag:$0x1] =	stream.indirect_vreg.gather [hbm4b:s3+s2], $0x80, v5, vm0, $0xb8;
	[tilespmem:$0x18880] =	vst v63  }
0x44f: {  	s22 =	simm.s32 $0xA080;
	v4 =	vadd.s32 v2, v4  }
0x450: {  	[tilespmem:s22], [sflag:$0x1] =	stream.indirect_vreg.gather [hbm4b:s9+s2], $0x80, v5, vm0, $0xb8;
	[tilespmem:$0x18880] =	vst v63  }
0x451: {  	s23 =	simm.s32 $0xA880  }
0x452: {  	[tilespmem:s23], [sflag:$0x1] =	stream.indirect_vreg.gather [hbm4b:s11+s2], $0x80, v5, vm0, $0xb8;
	[tilespmem:$0x18880] =	vst v63  }
0x453: {  	s24 =	simm.s32 $0xB080  }
0x454: {  	[tilespmem:s24], [sflag:$0x1] =	stream.indirect_vreg.gather [hbm4b:s3+s2], $0x80, v4, vm0, $0xb8;
	[tilespmem:$0x18880] =	vst v63  }
0x455: {  	s25 =	simm.s32 $0xB880  }
0x456: {  	[tilespmem:s25], [sflag:$0x1] =	stream.indirect_vreg.gather [hbm4b:s9+s2], $0x80, v4, vm0, $0xb8;
	[tilespmem:$0x18880] =	vst v63  }
0x457: {  	s18 =	simm.s32 $0xC080  }
0x458: {  	[tilespmem:s18], [sflag:$0x1] =	stream.indirect_vreg.gather [hbm4b:s11+s2], $0x80, v4, vm0, $0xb8;
	[tilespmem:$0x18880] =	vst v63  }
0x459: {  	_ =	swait.ge [sflag:s26], $0xC000  }
0x45a: {  	[sflag:s26] =	ssyncset.done $0x0  }
0x45b: {  	s0 =	sadd.s32 $0xF000, s4;
	[sflag:s26] =	ssyncadd.s32 $0xFFFF4000  }
0x45c: {  	[hbm4b:s0+s2] =	stream.linear.scatter [tilespmem:s28], [sflag:$0x3], $0xC000, $0x38;
	[tilespmem:$0x18880] =	vst v63  }
0x45d: {  	_ =	swait.ge [sflag:s17], $0xC000  }
0x45e: {  	[sflag:s17] =	ssyncset.done $0x0  }
0x45f: {  	[sflag:s17] =	ssyncadd.s32 $0xFFFF4000  }
0x460: {  	v4 =	vld [tilespmem:$0x6C0];
	_ =	sdelay $0x4  }
0x461: {  	v5 =	vshrl.u32 v4, $0x3  }
0x462: {  	v5 =	vmul.u32 $0x30, v5  }
0x463: {  	v6 =	vand.u32 $0x7, v4  }
0x464: {  	v7 =	vld [tilespmem:$0x6D0];
	v5 =	vor.u32 v6, v5  }
0x465: {  	v9 =	vld [tilespmem:$0x6F0];
	v8 =	vperm.xlane v5, v1  }
0x466: {  	v6 =	vld [tilespmem:$0x6E0]  }
0x467: {  	v8 =	vadd.s32 v2, v8  }
0x468: {  	[tilespmem:$0x800] =	vst v4  }
0x469: {  	[tilespmem:$0x810] =	vst v7  }
0x46a: {  	[tilespmem:$0x830] =	vst v9  }
0x46b: {  	v4 =	vperm.xlane v5, v3;
	[tilespmem:$0x820] =	vst v6  }
0x46c: {  	[tilespmem:s29], [sflag:$0x2] =	stream.indirect_vreg.gather [hbm4b:s3+s2], $0x80, v8, vm0, $0xb8;
	[tilespmem:$0x18880] =	vst v63  }
0x46d: {  	s30 =	simm.s32 $0xD080;
	v4 =	vadd.s32 v2, v4  }
0x46e: {  	[tilespmem:s30], [sflag:$0x2] =	stream.indirect_vreg.gather [hbm4b:s9+s2], $0x80, v8, vm0, $0xb8;
	[tilespmem:$0x18880] =	vst v63  }
0x46f: {  	s1 =	simm.s32 $0xD880  }
0x470: {  	[tilespmem:s1], [sflag:$0x2] =	stream.indirect_vreg.gather [hbm4b:s11+s2], $0x80, v8, vm0, $0xb8;
	[tilespmem:$0x18880] =	vst v63  }
0x471: {  	s1 =	simm.s32 $0xE080  }
0x472: {  	[tilespmem:s1], [sflag:$0x2] =	stream.indirect_vreg.gather [hbm4b:s3+s2], $0x80, v4, vm0, $0xb8;
	[tilespmem:$0x18880] =	vst v63  }
0x473: {  	s18 =	simm.s32 $0xE880  }
0x474: {  	[tilespmem:s18], [sflag:$0x2] =	stream.indirect_vreg.gather [hbm4b:s9+s2], $0x80, v4, vm0, $0xb8;
	[tilespmem:$0x18880] =	vst v63  }
0x475: {  	s1 =	simm.s32 $0xF080  }
0x476: {  	[tilespmem:s1], [sflag:$0x2] =	stream.indirect_vreg.gather [hbm4b:s11+s2], $0x80, v4, vm0, $0xb8;
	[tilespmem:$0x18880] =	vst v63  }
0x477: {  	v4 =	vld [tilespmem:$0x810];
	_ =	sdelay $0x4  }
0x478: {  	v5 =	vshrl.u32 v4, $0x3  }
0x479: {  	v5 =	vmul.u32 $0x30, v5  }
0x47a: {  	v4 =	vand.u32 $0x7, v4  }
0x47b: {  	v4 =	vor.u32 v4, v5  }
0x47c: {  	v5 =	vperm.xlane v4, v1;
	_ =	sdelay $0x1  }
0x47d: {  	v5 =	vadd.s32 v2, v5;
	_ =	sdelay $0x3  }
0x47e: {  	s18 =	simm.s32 $0xF880;
	v4 =	vperm.xlane v4, v3  }
0x47f: {  	[tilespmem:s18], [sflag:$0x2] =	stream.indirect_vreg.gather [hbm4b:s3+s2], $0x80, v5, vm0, $0xb8;
	[tilespmem:$0x18880] =	vst v63  }
0x480: {  	s31 =	simm.s32 $0x10080;
	v4 =	vadd.s32 v2, v4  }
0x481: {  	[tilespmem:s31], [sflag:$0x2] =	stream.indirect_vreg.gather [hbm4b:s9+s2], $0x80, v5, vm0, $0xb8;
	[tilespmem:$0x18880] =	vst v63  }
0x482: {  	s31 =	simm.s32 $0x10880  }
0x483: {  	[tilespmem:s31], [sflag:$0x2] =	stream.indirect_vreg.gather [hbm4b:s11+s2], $0x80, v5, vm0, $0xb8;
	[tilespmem:$0x18880] =	vst v63  }
0x484: {  	s1 =	simm.s32 $0x11080  }
0x485: {  	[tilespmem:s1], [sflag:$0x2] =	stream.indirect_vreg.gather [hbm4b:s3+s2], $0x80, v4, vm0, $0xb8;
	[tilespmem:$0x18880] =	vst v63  }
0x486: {  	s18 =	simm.s32 $0x11880  }
0x487: {  	[tilespmem:s18], [sflag:$0x2] =	stream.indirect_vreg.gather [hbm4b:s9+s2], $0x80, v4, vm0, $0xb8;
	[tilespmem:$0x18880] =	vst v63  }
0x488: {  	s31 =	simm.s32 $0x12080  }
0x489: {  	[tilespmem:s31], [sflag:$0x2] =	stream.indirect_vreg.gather [hbm4b:s11+s2], $0x80, v4, vm0, $0xb8;
	[tilespmem:$0x18880] =	vst v63  }
0x48a: {  	v4 =	vld [tilespmem:$0x820];
	_ =	sdelay $0x4  }
0x48b: {  	v5 =	vshrl.u32 v4, $0x3  }
0x48c: {  	v5 =	vmul.u32 $0x30, v5  }
0x48d: {  	v4 =	vand.u32 $0x7, v4  }
0x48e: {  	v4 =	vor.u32 v4, v5  }
0x48f: {  	v5 =	vperm.xlane v4, v1;
	_ =	sdelay $0x1  }
0x490: {  	v5 =	vadd.s32 v2, v5;
	_ =	sdelay $0x3  }
0x491: {  	s1 =	simm.s32 $0x12880;
	v4 =	vperm.xlane v4, v3  }
0x492: {  	[tilespmem:s1], [sflag:$0x2] =	stream.indirect_vreg.gather [hbm4b:s3+s2], $0x80, v5, vm0, $0xb8;
	[tilespmem:$0x18880] =	vst v63  }
0x493: {  	s18 =	simm.s32 $0x13080;
	v4 =	vadd.s32 v2, v4  }
0x494: {  	[tilespmem:s18], [sflag:$0x2] =	stream.indirect_vreg.gather [hbm4b:s9+s2], $0x80, v5, vm0, $0xb8;
	[tilespmem:$0x18880] =	vst v63  }
0x495: {  	s31 =	simm.s32 $0x13880  }
0x496: {  	[tilespmem:s31], [sflag:$0x2] =	stream.indirect_vreg.gather [hbm4b:s11+s2], $0x80, v5, vm0, $0xb8;
	[tilespmem:$0x18880] =	vst v63  }
0x497: {  	s1 =	simm.s32 $0x14080  }
0x498: {  	[tilespmem:s1], [sflag:$0x2] =	stream.indirect_vreg.gather [hbm4b:s3+s2], $0x80, v4, vm0, $0xb8;
	[tilespmem:$0x18880] =	vst v63  }
0x499: {  	s18 =	simm.s32 $0x14880  }
0x49a: {  	[tilespmem:s18], [sflag:$0x2] =	stream.indirect_vreg.gather [hbm4b:s9+s2], $0x80, v4, vm0, $0xb8;
	[tilespmem:$0x18880] =	vst v63  }
0x49b: {  	s31 =	simm.s32 $0x15080  }
0x49c: {  	[tilespmem:s31], [sflag:$0x2] =	stream.indirect_vreg.gather [hbm4b:s11+s2], $0x80, v4, vm0, $0xb8;
	[tilespmem:$0x18880] =	vst v63  }
0x49d: {  	v4 =	vld [tilespmem:$0x830];
	_ =	sdelay $0x4  }
0x49e: {  	v5 =	vshrl.u32 v4, $0x3  }
0x49f: {  	v5 =	vmul.u32 $0x30, v5  }
0x4a0: {  	v4 =	vand.u32 $0x7, v4  }
0x4a1: {  	v4 =	vor.u32 v4, v5  }
0x4a2: {  	v5 =	vperm.xlane v4, v1;
	_ =	sdelay $0x1  }
0x4a3: {  	v5 =	vadd.s32 v2, v5;
	_ =	sdelay $0x3  }
0x4a4: {  	s1 =	simm.s32 $0x15880;
	v4 =	vperm.xlane v4, v3  }
0x4a5: {  	[tilespmem:s1], [sflag:$0x2] =	stream.indirect_vreg.gather [hbm4b:s3+s2], $0x80, v5, vm0, $0xb8;
	[tilespmem:$0x18880] =	vst v63  }
0x4a6: {  	s18 =	simm.s32 $0x16080;
	v4 =	vadd.s32 v2, v4  }
0x4a7: {  	[tilespmem:s18], [sflag:$0x2] =	stream.indirect_vreg.gather [hbm4b:s9+s2], $0x80, v5, vm0, $0xb8;
	[tilespmem:$0x18880] =	vst v63  }
0x4a8: {  	s31 =	simm.s32 $0x16880  }
0x4a9: {  	[tilespmem:s31], [sflag:$0x2] =	stream.indirect_vreg.gather [hbm4b:s11+s2], $0x80, v5, vm0, $0xb8;
	[tilespmem:$0x18880] =	vst v63  }
0x4aa: {  	s1 =	simm.s32 $0x17080  }
0x4ab: {  	[tilespmem:s1], [sflag:$0x2] =	stream.indirect_vreg.gather [hbm4b:s3+s2], $0x80, v4, vm0, $0xb8;
	[tilespmem:$0x18880] =	vst v63  }
0x4ac: {  	s18 =	simm.s32 $0x17880  }
0x4ad: {  	[tilespmem:s18], [sflag:$0x2] =	stream.indirect_vreg.gather [hbm4b:s9+s2], $0x80, v4, vm0, $0xb8;
	[tilespmem:$0x18880] =	vst v63  }
0x4ae: {  	s31 =	simm.s32 $0x18080  }
0x4af: {  	[tilespmem:s31], [sflag:$0x2] =	stream.indirect_vreg.gather [hbm4b:s11+s2], $0x80, v4, vm0, $0xb8;
	[tilespmem:$0x18880] =	vst v63  }
0x4b0: {  	_ =	swait.ge [sflag:s15], $0xC000  }
0x4b1: {  	[sflag:s15] =	ssyncset.done $0x0  }
0x4b2: {  	s0 =	sadd.s32 $0x10800, s4;
	[sflag:s15] =	ssyncadd.s32 $0xFFFF4000  }
0x4b3: {  	[hbm4b:s0+s2] =	stream.linear.scatter [tilespmem:s29], [sflag:$0x4], $0xC000, $0x38;
	[tilespmem:$0x18880] =	vst v63  }
0x4b4: {  	_ =	swait.ge [sflag:s16], $0xC000  }
0x4b5: {  	[sflag:s16] =	ssyncset.done $0x0  }
0x4b6: {  	[sflag:s16] =	ssyncadd.s32 $0xFFFF4000  }
0x4b7: {  	v4 =	vld [tilespmem:$0x700];
	_ =	sdelay $0x4  }
0x4b8: {  	v5 =	vshrl.u32 v4, $0x3  }
0x4b9: {  	v5 =	vmul.u32 $0x30, v5  }
0x4ba: {  	v6 =	vand.u32 $0x7, v4  }
0x4bb: {  	v7 =	vld [tilespmem:$0x710];
	v5 =	vor.u32 v6, v5  }
0x4bc: {  	v9 =	vld [tilespmem:$0x730];
	v8 =	vperm.xlane v5, v1  }
0x4bd: {  	v6 =	vld [tilespmem:$0x720]  }
0x4be: {  	v8 =	vadd.s32 v2, v8  }
0x4bf: {  	[tilespmem:$0x800] =	vst v4  }
0x4c0: {  	[tilespmem:$0x810] =	vst v7  }
0x4c1: {  	[tilespmem:$0x830] =	vst v9  }
0x4c2: {  	v4 =	vperm.xlane v5, v3;
	[tilespmem:$0x820] =	vst v6  }
0x4c3: {  	[tilespmem:s28], [sflag:$0x1] =	stream.indirect_vreg.gather [hbm4b:s3+s2], $0x80, v8, vm0, $0xb8;
	[tilespmem:$0x18880] =	vst v63  }
0x4c4: {  	s1 =	simm.s32 $0x1080;
	v4 =	vadd.s32 v2, v4  }
0x4c5: {  	[tilespmem:s1], [sflag:$0x1] =	stream.indirect_vreg.gather [hbm4b:s9+s2], $0x80, v8, vm0, $0xb8;
	[tilespmem:$0x18880] =	vst v63  }
0x4c6: {  	s18 =	simm.s32 $0x1880  }
0x4c7: {  	[tilespmem:s18], [sflag:$0x1] =	stream.indirect_vreg.gather [hbm4b:s11+s2], $0x80, v8, vm0, $0xb8;
	[tilespmem:$0x18880] =	vst v63  }
0x4c8: {  	s5 =	simm.s32 $0x2080  }
0x4c9: {  	[tilespmem:s5], [sflag:$0x1] =	stream.indirect_vreg.gather [hbm4b:s3+s2], $0x80, v4, vm0, $0xb8;
	[tilespmem:$0x18880] =	vst v63  }
0x4ca: {  	s6 =	simm.s32 $0x2880  }
0x4cb: {  	[tilespmem:s6], [sflag:$0x1] =	stream.indirect_vreg.gather [hbm4b:s9+s2], $0x80, v4, vm0, $0xb8;
	[tilespmem:$0x18880] =	vst v63  }
0x4cc: {  	s31 =	simm.s32 $0x3080  }
0x4cd: {  	[tilespmem:s31], [sflag:$0x1] =	stream.indirect_vreg.gather [hbm4b:s11+s2], $0x80, v4, vm0, $0xb8;
	[tilespmem:$0x18880] =	vst v63  }
0x4ce: {  	v4 =	vld [tilespmem:$0x810];
	_ =	sdelay $0x4  }
0x4cf: {  	v5 =	vshrl.u32 v4, $0x3  }
0x4d0: {  	v5 =	vmul.u32 $0x30, v5  }
0x4d1: {  	v4 =	vand.u32 $0x7, v4  }
0x4d2: {  	v4 =	vor.u32 v4, v5  }
0x4d3: {  	v5 =	vperm.xlane v4, v1;
	_ =	sdelay $0x1  }
0x4d4: {  	v5 =	vadd.s32 v2, v5;
	_ =	sdelay $0x3  }
0x4d5: {  	s31 =	simm.s32 $0x3880;
	v4 =	vperm.xlane v4, v3  }
0x4d6: {  	[tilespmem:s31], [sflag:$0x1] =	stream.indirect_vreg.gather [hbm4b:s3+s2], $0x80, v5, vm0, $0xb8;
	[tilespmem:$0x18880] =	vst v63  }
0x4d7: {  	s8 =	simm.s32 $0x4080;
	v4 =	vadd.s32 v2, v4  }
0x4d8: {  	[tilespmem:s8], [sflag:$0x1] =	stream.indirect_vreg.gather [hbm4b:s9+s2], $0x80, v5, vm0, $0xb8;
	[tilespmem:$0x18880] =	vst v63  }
0x4d9: {  	s10 =	simm.s32 $0x4880  }
0x4da: {  	[tilespmem:s10], [sflag:$0x1] =	stream.indirect_vreg.gather [hbm4b:s11+s2], $0x80, v5, vm0, $0xb8;
	[tilespmem:$0x18880] =	vst v63  }
0x4db: {  	s12 =	simm.s32 $0x5080  }
0x4dc: {  	[tilespmem:s12], [sflag:$0x1] =	stream.indirect_vreg.gather [hbm4b:s3+s2], $0x80, v4, vm0, $0xb8;
	[tilespmem:$0x18880] =	vst v63  }
0x4dd: {  	s13 =	simm.s32 $0x5880  }
0x4de: {  	[tilespmem:s13], [sflag:$0x1] =	stream.indirect_vreg.gather [hbm4b:s9+s2], $0x80, v4, vm0, $0xb8;
	[tilespmem:$0x18880] =	vst v63  }
0x4df: {  	s31 =	simm.s32 $0x6080  }
0x4e0: {  	[tilespmem:s31], [sflag:$0x1] =	stream.indirect_vreg.gather [hbm4b:s11+s2], $0x80, v4, vm0, $0xb8;
	[tilespmem:$0x18880] =	vst v63  }
0x4e1: {  	v4 =	vld [tilespmem:$0x820];
	_ =	sdelay $0x4  }
0x4e2: {  	v5 =	vshrl.u32 v4, $0x3  }
0x4e3: {  	v5 =	vmul.u32 $0x30, v5  }
0x4e4: {  	v4 =	vand.u32 $0x7, v4  }
0x4e5: {  	v4 =	vor.u32 v4, v5  }
0x4e6: {  	v5 =	vperm.xlane v4, v1;
	_ =	sdelay $0x1  }
0x4e7: {  	v5 =	vadd.s32 v2, v5;
	_ =	sdelay $0x3  }
0x4e8: {  	s31 =	simm.s32 $0x6880;
	v4 =	vperm.xlane v4, v3  }
0x4e9: {  	[tilespmem:s31], [sflag:$0x1] =	stream.indirect_vreg.gather [hbm4b:s3+s2], $0x80, v5, vm0, $0xb8;
	[tilespmem:$0x18880] =	vst v63  }
0x4ea: {  	s14 =	simm.s32 $0x7080;
	v4 =	vadd.s32 v2, v4  }
0x4eb: {  	[tilespmem:s14], [sflag:$0x1] =	stream.indirect_vreg.gather [hbm4b:s9+s2], $0x80, v5, vm0, $0xb8;
	[tilespmem:$0x18880] =	vst v63  }
0x4ec: {  	s19 =	simm.s32 $0x7880  }
0x4ed: {  	[tilespmem:s19], [sflag:$0x1] =	stream.indirect_vreg.gather [hbm4b:s11+s2], $0x80, v5, vm0, $0xb8;
	[tilespmem:$0x18880] =	vst v63  }
0x4ee: {  	s20 =	simm.s32 $0x8080  }
0x4ef: {  	[tilespmem:s20], [sflag:$0x1] =	stream.indirect_vreg.gather [hbm4b:s3+s2], $0x80, v4, vm0, $0xb8;
	[tilespmem:$0x18880] =	vst v63  }
0x4f0: {  	s21 =	simm.s32 $0x8880  }
0x4f1: {  	[tilespmem:s21], [sflag:$0x1] =	stream.indirect_vreg.gather [hbm4b:s9+s2], $0x80, v4, vm0, $0xb8;
	[tilespmem:$0x18880] =	vst v63  }
0x4f2: {  	s31 =	simm.s32 $0x9080  }
0x4f3: {  	[tilespmem:s31], [sflag:$0x1] =	stream.indirect_vreg.gather [hbm4b:s11+s2], $0x80, v4, vm0, $0xb8;
	[tilespmem:$0x18880] =	vst v63  }
0x4f4: {  	v4 =	vld [tilespmem:$0x830];
	_ =	sdelay $0x4  }
0x4f5: {  	v5 =	vshrl.u32 v4, $0x3  }
0x4f6: {  	v5 =	vmul.u32 $0x30, v5  }
0x4f7: {  	v4 =	vand.u32 $0x7, v4  }
0x4f8: {  	v4 =	vor.u32 v4, v5  }
0x4f9: {  	v5 =	vperm.xlane v4, v1;
	_ =	sdelay $0x1  }
0x4fa: {  	v5 =	vadd.s32 v2, v5;
	_ =	sdelay $0x3  }
0x4fb: {  	s31 =	simm.s32 $0x9880;
	v4 =	vperm.xlane v4, v3  }
0x4fc: {  	[tilespmem:s31], [sflag:$0x1] =	stream.indirect_vreg.gather [hbm4b:s3+s2], $0x80, v5, vm0, $0xb8;
	[tilespmem:$0x18880] =	vst v63  }
0x4fd: {  	s22 =	simm.s32 $0xA080;
	v4 =	vadd.s32 v2, v4  }
0x4fe: {  	[tilespmem:s22], [sflag:$0x1] =	stream.indirect_vreg.gather [hbm4b:s9+s2], $0x80, v5, vm0, $0xb8;
	[tilespmem:$0x18880] =	vst v63  }
0x4ff: {  	s23 =	simm.s32 $0xA880  }
0x500: {  	[tilespmem:s23], [sflag:$0x1] =	stream.indirect_vreg.gather [hbm4b:s11+s2], $0x80, v5, vm0, $0xb8;
	[tilespmem:$0x18880] =	vst v63  }
0x501: {  	s24 =	simm.s32 $0xB080  }
0x502: {  	[tilespmem:s24], [sflag:$0x1] =	stream.indirect_vreg.gather [hbm4b:s3+s2], $0x80, v4, vm0, $0xb8;
	[tilespmem:$0x18880] =	vst v63  }
0x503: {  	s25 =	simm.s32 $0xB880  }
0x504: {  	[tilespmem:s25], [sflag:$0x1] =	stream.indirect_vreg.gather [hbm4b:s9+s2], $0x80, v4, vm0, $0xb8;
	[tilespmem:$0x18880] =	vst v63  }
0x505: {  	s31 =	simm.s32 $0xC080  }
0x506: {  	[tilespmem:s31], [sflag:$0x1] =	stream.indirect_vreg.gather [hbm4b:s11+s2], $0x80, v4, vm0, $0xb8;
	[tilespmem:$0x18880] =	vst v63  }
0x507: {  	_ =	swait.ge [sflag:s26], $0xC000  }
0x508: {  	[sflag:s26] =	ssyncset.done $0x0  }
0x509: {  	s31 =	sadd.s32 $0x12000, s4;
	[sflag:s26] =	ssyncadd.s32 $0xFFFF4000  }
0x50a: {  	[hbm4b:s31+s2] =	stream.linear.scatter [tilespmem:s28], [sflag:$0x3], $0xC000, $0x38;
	[tilespmem:$0x18880] =	vst v63  }
0x50b: {  	_ =	swait.ge [sflag:s17], $0xC000  }
0x50c: {  	[sflag:s17] =	ssyncset.done $0x0  }
0x50d: {  	[sflag:s17] =	ssyncadd.s32 $0xFFFF4000  }
0x50e: {  	v4 =	vld [tilespmem:$0x740];
	_ =	sdelay $0x4  }
0x50f: {  	v5 =	vshrl.u32 v4, $0x3  }
0x510: {  	v5 =	vmul.u32 $0x30, v5  }
0x511: {  	v6 =	vand.u32 $0x7, v4  }
0x512: {  	v7 =	vld [tilespmem:$0x750];
	v5 =	vor.u32 v6, v5  }
0x513: {  	v9 =	vld [tilespmem:$0x770];
	v8 =	vperm.xlane v5, v1  }
0x514: {  	v6 =	vld [tilespmem:$0x760]  }
0x515: {  	v8 =	vadd.s32 v2, v8  }
0x516: {  	[tilespmem:$0x800] =	vst v4  }
0x517: {  	[tilespmem:$0x810] =	vst v7  }
0x518: {  	[tilespmem:$0x830] =	vst v9  }
0x519: {  	v4 =	vperm.xlane v5, v3;
	[tilespmem:$0x820] =	vst v6  }
0x51a: {  	[tilespmem:s29], [sflag:$0x2] =	stream.indirect_vreg.gather [hbm4b:s3+s2], $0x80, v8, vm0, $0xb8;
	[tilespmem:$0x18880] =	vst v63  }
0x51b: {  	s30 =	simm.s32 $0xD080;
	v4 =	vadd.s32 v2, v4  }
0x51c: {  	[tilespmem:s30], [sflag:$0x2] =	stream.indirect_vreg.gather [hbm4b:s9+s2], $0x80, v8, vm0, $0xb8;
	[tilespmem:$0x18880] =	vst v63  }
0x51d: {  	s31 =	simm.s32 $0xD880  }
0x51e: {  	[tilespmem:s31], [sflag:$0x2] =	stream.indirect_vreg.gather [hbm4b:s11+s2], $0x80, v8, vm0, $0xb8;
	[tilespmem:$0x18880] =	vst v63  }
0x51f: {  	s18 =	simm.s32 $0xE080  }
0x520: {  	[tilespmem:s18], [sflag:$0x2] =	stream.indirect_vreg.gather [hbm4b:s3+s2], $0x80, v4, vm0, $0xb8;
	[tilespmem:$0x18880] =	vst v63  }
0x521: {  	s18 =	simm.s32 $0xE880  }
0x522: {  	[tilespmem:s18], [sflag:$0x2] =	stream.indirect_vreg.gather [hbm4b:s9+s2], $0x80, v4, vm0, $0xb8;
	[tilespmem:$0x18880] =	vst v63  }
0x523: {  	s18 =	simm.s32 $0xF080  }
0x524: {  	[tilespmem:s18], [sflag:$0x2] =	stream.indirect_vreg.gather [hbm4b:s11+s2], $0x80, v4, vm0, $0xb8;
	[tilespmem:$0x18880] =	vst v63  }
0x525: {  	v4 =	vld [tilespmem:$0x810];
	_ =	sdelay $0x4  }
0x526: {  	v5 =	vshrl.u32 v4, $0x3  }
0x527: {  	v5 =	vmul.u32 $0x30, v5  }
0x528: {  	v4 =	vand.u32 $0x7, v4  }
0x529: {  	v4 =	vor.u32 v4, v5  }
0x52a: {  	v5 =	vperm.xlane v4, v1;
	_ =	sdelay $0x1  }
0x52b: {  	v5 =	vadd.s32 v2, v5;
	_ =	sdelay $0x3  }
0x52c: {  	s18 =	simm.s32 $0xF880;
	v4 =	vperm.xlane v4, v3  }
0x52d: {  	[tilespmem:s18], [sflag:$0x2] =	stream.indirect_vreg.gather [hbm4b:s3+s2], $0x80, v5, vm0, $0xb8;
	[tilespmem:$0x18880] =	vst v63  }
0x52e: {  	v4 =	vadd.s32 v2, v4;
	s18 =	simm.s32 $0x10080  }
0x52f: {  	[tilespmem:s18], [sflag:$0x2] =	stream.indirect_vreg.gather [hbm4b:s9+s2], $0x80, v5, vm0, $0xb8;
	[tilespmem:$0x18880] =	vst v63  }
0x530: {  	s18 =	simm.s32 $0x10880  }
0x531: {  	[tilespmem:s18], [sflag:$0x2] =	stream.indirect_vreg.gather [hbm4b:s11+s2], $0x80, v5, vm0, $0xb8;
	[tilespmem:$0x18880] =	vst v63  }
0x532: {  	s18 =	simm.s32 $0x11080  }
0x533: {  	[tilespmem:s18], [sflag:$0x2] =	stream.indirect_vreg.gather [hbm4b:s3+s2], $0x80, v4, vm0, $0xb8;
	[tilespmem:$0x18880] =	vst v63  }
0x534: {  	s18 =	simm.s32 $0x11880  }
0x535: {  	[tilespmem:s18], [sflag:$0x2] =	stream.indirect_vreg.gather [hbm4b:s9+s2], $0x80, v4, vm0, $0xb8;
	[tilespmem:$0x18880] =	vst v63  }
0x536: {  	s18 =	simm.s32 $0x12080  }
0x537: {  	[tilespmem:s18], [sflag:$0x2] =	stream.indirect_vreg.gather [hbm4b:s11+s2], $0x80, v4, vm0, $0xb8;
	[tilespmem:$0x18880] =	vst v63  }
0x538: {  	v4 =	vld [tilespmem:$0x820];
	_ =	sdelay $0x4  }
0x539: {  	v5 =	vshrl.u32 v4, $0x3  }
0x53a: {  	v5 =	vmul.u32 $0x30, v5  }
0x53b: {  	v4 =	vand.u32 $0x7, v4  }
0x53c: {  	v4 =	vor.u32 v4, v5  }
0x53d: {  	v5 =	vperm.xlane v4, v1;
	_ =	sdelay $0x1  }
0x53e: {  	v5 =	vadd.s32 v2, v5;
	_ =	sdelay $0x3  }
0x53f: {  	s18 =	simm.s32 $0x12880;
	v4 =	vperm.xlane v4, v3  }
0x540: {  	[tilespmem:s18], [sflag:$0x2] =	stream.indirect_vreg.gather [hbm4b:s3+s2], $0x80, v5, vm0, $0xb8;
	[tilespmem:$0x18880] =	vst v63  }
0x541: {  	v4 =	vadd.s32 v2, v4;
	s18 =	simm.s32 $0x13080  }
0x542: {  	[tilespmem:s18], [sflag:$0x2] =	stream.indirect_vreg.gather [hbm4b:s9+s2], $0x80, v5, vm0, $0xb8;
	[tilespmem:$0x18880] =	vst v63  }
0x543: {  	s18 =	simm.s32 $0x13880  }
0x544: {  	[tilespmem:s18], [sflag:$0x2] =	stream.indirect_vreg.gather [hbm4b:s11+s2], $0x80, v5, vm0, $0xb8;
	[tilespmem:$0x18880] =	vst v63  }
0x545: {  	s18 =	simm.s32 $0x14080  }
0x546: {  	[tilespmem:s18], [sflag:$0x2] =	stream.indirect_vreg.gather [hbm4b:s3+s2], $0x80, v4, vm0, $0xb8;
	[tilespmem:$0x18880] =	vst v63  }
0x547: {  	s18 =	simm.s32 $0x14880  }
0x548: {  	[tilespmem:s18], [sflag:$0x2] =	stream.indirect_vreg.gather [hbm4b:s9+s2], $0x80, v4, vm0, $0xb8;
	[tilespmem:$0x18880] =	vst v63  }
0x549: {  	s18 =	simm.s32 $0x15080  }
0x54a: {  	[tilespmem:s18], [sflag:$0x2] =	stream.indirect_vreg.gather [hbm4b:s11+s2], $0x80, v4, vm0, $0xb8;
	[tilespmem:$0x18880] =	vst v63  }
0x54b: {  	v4 =	vld [tilespmem:$0x830];
	_ =	sdelay $0x4  }
0x54c: {  	v5 =	vshrl.u32 v4, $0x3  }
0x54d: {  	v5 =	vmul.u32 $0x30, v5  }
0x54e: {  	v4 =	vand.u32 $0x7, v4  }
0x54f: {  	v4 =	vor.u32 v4, v5  }
0x550: {  	v5 =	vperm.xlane v4, v1;
	_ =	sdelay $0x1  }
0x551: {  	v5 =	vadd.s32 v2, v5;
	_ =	sdelay $0x3  }
0x552: {  	s18 =	simm.s32 $0x15880;
	v4 =	vperm.xlane v4, v3  }
0x553: {  	[tilespmem:s18], [sflag:$0x2] =	stream.indirect_vreg.gather [hbm4b:s3+s2], $0x80, v5, vm0, $0xb8;
	[tilespmem:$0x18880] =	vst v63  }
0x554: {  	v4 =	vadd.s32 v2, v4;
	s18 =	simm.s32 $0x16080  }
0x555: {  	[tilespmem:s18], [sflag:$0x2] =	stream.indirect_vreg.gather [hbm4b:s9+s2], $0x80, v5, vm0, $0xb8;
	[tilespmem:$0x18880] =	vst v63  }
0x556: {  	s18 =	simm.s32 $0x16880  }
0x557: {  	[tilespmem:s18], [sflag:$0x2] =	stream.indirect_vreg.gather [hbm4b:s11+s2], $0x80, v5, vm0, $0xb8;
	[tilespmem:$0x18880] =	vst v63  }
0x558: {  	s18 =	simm.s32 $0x17080  }
0x559: {  	[tilespmem:s18], [sflag:$0x2] =	stream.indirect_vreg.gather [hbm4b:s3+s2], $0x80, v4, vm0, $0xb8;
	[tilespmem:$0x18880] =	vst v63  }
0x55a: {  	s18 =	simm.s32 $0x17880  }
0x55b: {  	[tilespmem:s18], [sflag:$0x2] =	stream.indirect_vreg.gather [hbm4b:s9+s2], $0x80, v4, vm0, $0xb8;
	[tilespmem:$0x18880] =	vst v63  }
0x55c: {  	s18 =	simm.s32 $0x18080  }
0x55d: {  	[tilespmem:s18], [sflag:$0x2] =	stream.indirect_vreg.gather [hbm4b:s11+s2], $0x80, v4, vm0, $0xb8;
	[tilespmem:$0x18880] =	vst v63  }
0x55e: {  	_ =	swait.ge [sflag:s15], $0xC000  }
0x55f: {  	[sflag:s15] =	ssyncset.done $0x0  }
0x560: {  	s18 =	sadd.s32 $0x13800, s4;
	[sflag:s15] =	ssyncadd.s32 $0xFFFF4000  }
0x561: {  	[hbm4b:s18+s2] =	stream.linear.scatter [tilespmem:s29], [sflag:$0x4], $0xC000, $0x38;
	[tilespmem:$0x18880] =	vst v63  }
0x562: {  	_ =	swait.ge [sflag:s16], $0xC000  }
0x563: {  	[sflag:s16] =	ssyncset.done $0x0  }
0x564: {  	[sflag:s16] =	ssyncadd.s32 $0xFFFF4000  }
0x565: {  	v4 =	vld [tilespmem:$0x780];
	_ =	sdelay $0x4  }
0x566: {  	v5 =	vshrl.u32 v4, $0x3  }
0x567: {  	v5 =	vmul.u32 $0x30, v5  }
0x568: {  	v6 =	vand.u32 $0x7, v4  }
0x569: {  	v7 =	vld [tilespmem:$0x790];
	v5 =	vor.u32 v6, v5  }
0x56a: {  	v9 =	vld [tilespmem:$0x7B0];
	v8 =	vperm.xlane v5, v1  }
0x56b: {  	v6 =	vld [tilespmem:$0x7A0]  }
0x56c: {  	v8 =	vadd.s32 v2, v8  }
0x56d: {  	[tilespmem:$0x800] =	vst v4  }
0x56e: {  	[tilespmem:$0x810] =	vst v7  }
0x56f: {  	[tilespmem:$0x830] =	vst v9  }
0x570: {  	v4 =	vperm.xlane v5, v3;
	[tilespmem:$0x820] =	vst v6  }
0x571: {  	[tilespmem:s28], [sflag:$0x1] =	stream.indirect_vreg.gather [hbm4b:s3+s2], $0x80, v8, vm0, $0xb8;
	[tilespmem:$0x18880] =	vst v63  }
0x572: {  	s0 =	simm.s32 $0x1080;
	v4 =	vadd.s32 v2, v4  }
0x573: {  	[tilespmem:s0], [sflag:$0x1] =	stream.indirect_vreg.gather [hbm4b:s9+s2], $0x80, v8, vm0, $0xb8;
	[tilespmem:$0x18880] =	vst v63  }
0x574: {  	s1 =	simm.s32 $0x1880  }
0x575: {  	[tilespmem:s1], [sflag:$0x1] =	stream.indirect_vreg.gather [hbm4b:s11+s2], $0x80, v8, vm0, $0xb8;
	[tilespmem:$0x18880] =	vst v63  }
0x576: {  	s5 =	simm.s32 $0x2080  }
0x577: {  	[tilespmem:s5], [sflag:$0x1] =	stream.indirect_vreg.gather [hbm4b:s3+s2], $0x80, v4, vm0, $0xb8;
	[tilespmem:$0x18880] =	vst v63  }
0x578: {  	s6 =	simm.s32 $0x2880  }
0x579: {  	[tilespmem:s6], [sflag:$0x1] =	stream.indirect_vreg.gather [hbm4b:s9+s2], $0x80, v4, vm0, $0xb8;
	[tilespmem:$0x18880] =	vst v63  }
0x57a: {  	s5 =	simm.s32 $0x3080  }
0x57b: {  	[tilespmem:s5], [sflag:$0x1] =	stream.indirect_vreg.gather [hbm4b:s11+s2], $0x80, v4, vm0, $0xb8;
	[tilespmem:$0x18880] =	vst v63  }
0x57c: {  	v4 =	vld [tilespmem:$0x810];
	_ =	sdelay $0x4  }
0x57d: {  	v5 =	vshrl.u32 v4, $0x3  }
0x57e: {  	v5 =	vmul.u32 $0x30, v5  }
0x57f: {  	v4 =	vand.u32 $0x7, v4  }
0x580: {  	v4 =	vor.u32 v4, v5  }
0x581: {  	v5 =	vperm.xlane v4, v1;
	_ =	sdelay $0x1  }
0x582: {  	v5 =	vadd.s32 v2, v5;
	_ =	sdelay $0x3  }
0x583: {  	s6 =	simm.s32 $0x3880;
	v4 =	vperm.xlane v4, v3  }
0x584: {  	[tilespmem:s6], [sflag:$0x1] =	stream.indirect_vreg.gather [hbm4b:s3+s2], $0x80, v5, vm0, $0xb8;
	[tilespmem:$0x18880] =	vst v63  }
0x585: {  	s8 =	simm.s32 $0x4080;
	v4 =	vadd.s32 v2, v4  }
0x586: {  	[tilespmem:s8], [sflag:$0x1] =	stream.indirect_vreg.gather [hbm4b:s9+s2], $0x80, v5, vm0, $0xb8;
	[tilespmem:$0x18880] =	vst v63  }
0x587: {  	s10 =	simm.s32 $0x4880  }
0x588: {  	[tilespmem:s10], [sflag:$0x1] =	stream.indirect_vreg.gather [hbm4b:s11+s2], $0x80, v5, vm0, $0xb8;
	[tilespmem:$0x18880] =	vst v63  }
0x589: {  	s12 =	simm.s32 $0x5080  }
0x58a: {  	[tilespmem:s12], [sflag:$0x1] =	stream.indirect_vreg.gather [hbm4b:s3+s2], $0x80, v4, vm0, $0xb8;
	[tilespmem:$0x18880] =	vst v63  }
0x58b: {  	s13 =	simm.s32 $0x5880  }
0x58c: {  	[tilespmem:s13], [sflag:$0x1] =	stream.indirect_vreg.gather [hbm4b:s9+s2], $0x80, v4, vm0, $0xb8;
	[tilespmem:$0x18880] =	vst v63  }
0x58d: {  	s13 =	simm.s32 $0x6080  }
0x58e: {  	[tilespmem:s13], [sflag:$0x1] =	stream.indirect_vreg.gather [hbm4b:s11+s2], $0x80, v4, vm0, $0xb8;
	[tilespmem:$0x18880] =	vst v63  }
0x58f: {  	v4 =	vld [tilespmem:$0x820];
	_ =	sdelay $0x4  }
0x590: {  	v5 =	vshrl.u32 v4, $0x3  }
0x591: {  	v5 =	vmul.u32 $0x30, v5  }
0x592: {  	v4 =	vand.u32 $0x7, v4  }
0x593: {  	v4 =	vor.u32 v4, v5  }
0x594: {  	v5 =	vperm.xlane v4, v1;
	_ =	sdelay $0x1  }
0x595: {  	v5 =	vadd.s32 v2, v5;
	_ =	sdelay $0x3  }
0x596: {  	s18 =	simm.s32 $0x6880;
	v4 =	vperm.xlane v4, v3  }
0x597: {  	[tilespmem:s18], [sflag:$0x1] =	stream.indirect_vreg.gather [hbm4b:s3+s2], $0x80, v5, vm0, $0xb8;
	[tilespmem:$0x18880] =	vst v63  }
0x598: {  	s14 =	simm.s32 $0x7080;
	v4 =	vadd.s32 v2, v4  }
0x599: {  	[tilespmem:s14], [sflag:$0x1] =	stream.indirect_vreg.gather [hbm4b:s9+s2], $0x80, v5, vm0, $0xb8;
	[tilespmem:$0x18880] =	vst v63  }
0x59a: {  	s19 =	simm.s32 $0x7880  }
0x59b: {  	[tilespmem:s19], [sflag:$0x1] =	stream.indirect_vreg.gather [hbm4b:s11+s2], $0x80, v5, vm0, $0xb8;
	[tilespmem:$0x18880] =	vst v63  }
0x59c: {  	s20 =	simm.s32 $0x8080  }
0x59d: {  	[tilespmem:s20], [sflag:$0x1] =	stream.indirect_vreg.gather [hbm4b:s3+s2], $0x80, v4, vm0, $0xb8;
	[tilespmem:$0x18880] =	vst v63  }
0x59e: {  	s21 =	simm.s32 $0x8880  }
0x59f: {  	[tilespmem:s21], [sflag:$0x1] =	stream.indirect_vreg.gather [hbm4b:s9+s2], $0x80, v4, vm0, $0xb8;
	[tilespmem:$0x18880] =	vst v63  }
0x5a0: {  	s19 =	simm.s32 $0x9080  }
0x5a1: {  	[tilespmem:s19], [sflag:$0x1] =	stream.indirect_vreg.gather [hbm4b:s11+s2], $0x80, v4, vm0, $0xb8;
	[tilespmem:$0x18880] =	vst v63  }
0x5a2: {  	v4 =	vld [tilespmem:$0x830];
	_ =	sdelay $0x4  }
0x5a3: {  	v5 =	vshrl.u32 v4, $0x3  }
0x5a4: {  	v5 =	vmul.u32 $0x30, v5  }
0x5a5: {  	v4 =	vand.u32 $0x7, v4  }
0x5a6: {  	v4 =	vor.u32 v4, v5  }
0x5a7: {  	v5 =	vperm.xlane v4, v1;
	_ =	sdelay $0x1  }
0x5a8: {  	v5 =	vadd.s32 v2, v5;
	_ =	sdelay $0x3  }
0x5a9: {  	s20 =	simm.s32 $0x9880;
	v4 =	vperm.xlane v4, v3  }
0x5aa: {  	[tilespmem:s20], [sflag:$0x1] =	stream.indirect_vreg.gather [hbm4b:s3+s2], $0x80, v5, vm0, $0xb8;
	[tilespmem:$0x18880] =	vst v63  }
0x5ab: {  	s22 =	simm.s32 $0xA080;
	v4 =	vadd.s32 v2, v4  }
0x5ac: {  	[tilespmem:s22], [sflag:$0x1] =	stream.indirect_vreg.gather [hbm4b:s9+s2], $0x80, v5, vm0, $0xb8;
	[tilespmem:$0x18880] =	vst v63  }
0x5ad: {  	s23 =	simm.s32 $0xA880  }
0x5ae: {  	[tilespmem:s23], [sflag:$0x1] =	stream.indirect_vreg.gather [hbm4b:s11+s2], $0x80, v5, vm0, $0xb8;
	[tilespmem:$0x18880] =	vst v63  }
0x5af: {  	s24 =	simm.s32 $0xB080  }
0x5b0: {  	[tilespmem:s24], [sflag:$0x1] =	stream.indirect_vreg.gather [hbm4b:s3+s2], $0x80, v4, vm0, $0xb8;
	[tilespmem:$0x18880] =	vst v63  }
0x5b1: {  	s25 =	simm.s32 $0xB880  }
0x5b2: {  	[tilespmem:s25], [sflag:$0x1] =	stream.indirect_vreg.gather [hbm4b:s9+s2], $0x80, v4, vm0, $0xb8;
	[tilespmem:$0x18880] =	vst v63  }
0x5b3: {  	s21 =	simm.s32 $0xC080  }
0x5b4: {  	[tilespmem:s21], [sflag:$0x1] =	stream.indirect_vreg.gather [hbm4b:s11+s2], $0x80, v4, vm0, $0xb8;
	[tilespmem:$0x18880] =	vst v63  }
0x5b5: {  	_ =	swait.ge [sflag:s26], $0xC000  }
0x5b6: {  	[sflag:s26] =	ssyncset.done $0x0  }
0x5b7: {  	s22 =	sadd.s32 $0x15000, s4;
	[sflag:s26] =	ssyncadd.s32 $0xFFFF4000  }
0x5b8: {  	[hbm4b:s22+s2] =	stream.linear.scatter [tilespmem:s28], [sflag:$0x3], $0xC000, $0x38;
	[tilespmem:$0x18880] =	vst v63  }
0x5b9: {  	_ =	swait.ge [sflag:s17], $0xC000  }
0x5ba: {  	[sflag:s17] =	ssyncset.done $0x0  }
0x5bb: {  	[sflag:s17] =	ssyncadd.s32 $0xFFFF4000  }
0x5bc: {  	v4 =	vld [tilespmem:$0x7C0];
	_ =	sdelay $0x4  }
0x5bd: {  	v5 =	vshrl.u32 v4, $0x3  }
0x5be: {  	v5 =	vmul.u32 $0x30, v5  }
0x5bf: {  	v6 =	vand.u32 $0x7, v4  }
0x5c0: {  	v7 =	vld [tilespmem:$0x7D0];
	v5 =	vor.u32 v6, v5  }
0x5c1: {  	v9 =	vld [tilespmem:$0x7F0];
	v8 =	vperm.xlane v5, v1  }
0x5c2: {  	v6 =	vld [tilespmem:$0x7E0]  }
0x5c3: {  	v8 =	vadd.s32 v2, v8  }
0x5c4: {  	[tilespmem:$0x800] =	vst v4  }
0x5c5: {  	[tilespmem:$0x810] =	vst v7  }
0x5c6: {  	[tilespmem:$0x830] =	vst v9  }
0x5c7: {  	v4 =	vperm.xlane v5, v3;
	[tilespmem:$0x820] =	vst v6  }
0x5c8: {  	[tilespmem:s29], [sflag:$0x2] =	stream.indirect_vreg.gather [hbm4b:s3+s2], $0x80, v8, vm0, $0xb8;
	[tilespmem:$0x18880] =	vst v63  }
0x5c9: {  	s30 =	simm.s32 $0xD080;
	v4 =	vadd.s32 v2, v4  }
0x5ca: {  	[tilespmem:s30], [sflag:$0x2] =	stream.indirect_vreg.gather [hbm4b:s9+s2], $0x80, v8, vm0, $0xb8;
	[tilespmem:$0x18880] =	vst v63  }
0x5cb: {  	s31 =	simm.s32 $0xD880  }
0x5cc: {  	[tilespmem:s31], [sflag:$0x2] =	stream.indirect_vreg.gather [hbm4b:s11+s2], $0x80, v8, vm0, $0xb8;
	[tilespmem:$0x18880] =	vst v63  }
0x5cd: {  	s23 =	simm.s32 $0xE080  }
0x5ce: {  	[tilespmem:s23], [sflag:$0x2] =	stream.indirect_vreg.gather [hbm4b:s3+s2], $0x80, v4, vm0, $0xb8;
	[tilespmem:$0x18880] =	vst v63  }
0x5cf: {  	s24 =	simm.s32 $0xE880  }
0x5d0: {  	[tilespmem:s24], [sflag:$0x2] =	stream.indirect_vreg.gather [hbm4b:s9+s2], $0x80, v4, vm0, $0xb8;
	[tilespmem:$0x18880] =	vst v63  }
0x5d1: {  	s25 =	simm.s32 $0xF080  }
0x5d2: {  	[tilespmem:s25], [sflag:$0x2] =	stream.indirect_vreg.gather [hbm4b:s11+s2], $0x80, v4, vm0, $0xb8;
	[tilespmem:$0x18880] =	vst v63  }
0x5d3: {  	v4 =	vld [tilespmem:$0x810];
	_ =	sdelay $0x4  }
0x5d4: {  	v5 =	vshrl.u32 v4, $0x3  }
0x5d5: {  	v5 =	vmul.u32 $0x30, v5  }
0x5d6: {  	v4 =	vand.u32 $0x7, v4  }
0x5d7: {  	v4 =	vor.u32 v4, v5  }
0x5d8: {  	v5 =	vperm.xlane v4, v1;
	_ =	sdelay $0x1  }
0x5d9: {  	v5 =	vadd.s32 v2, v5;
	_ =	sdelay $0x3  }
0x5da: {  	s30 =	simm.s32 $0xF880;
	v4 =	vperm.xlane v4, v3  }
0x5db: {  	[tilespmem:s30], [sflag:$0x2] =	stream.indirect_vreg.gather [hbm4b:s3+s2], $0x80, v5, vm0, $0xb8;
	[tilespmem:$0x18880] =	vst v63  }
0x5dc: {  	s31 =	simm.s32 $0x10080;
	v4 =	vadd.s32 v2, v4  }
0x5dd: {  	[tilespmem:s31], [sflag:$0x2] =	stream.indirect_vreg.gather [hbm4b:s9+s2], $0x80, v5, vm0, $0xb8;
	[tilespmem:$0x18880] =	vst v63  }
0x5de: {  	s5 =	simm.s32 $0x10880  }
0x5df: {  	[tilespmem:s5], [sflag:$0x2] =	stream.indirect_vreg.gather [hbm4b:s11+s2], $0x80, v5, vm0, $0xb8;
	[tilespmem:$0x18880] =	vst v63  }
0x5e0: {  	s6 =	simm.s32 $0x11080  }
0x5e1: {  	[tilespmem:s6], [sflag:$0x2] =	stream.indirect_vreg.gather [hbm4b:s3+s2], $0x80, v4, vm0, $0xb8;
	[tilespmem:$0x18880] =	vst v63  }
0x5e2: {  	s8 =	simm.s32 $0x11880  }
0x5e3: {  	[tilespmem:s8], [sflag:$0x2] =	stream.indirect_vreg.gather [hbm4b:s9+s2], $0x80, v4, vm0, $0xb8;
	[tilespmem:$0x18880] =	vst v63  }
0x5e4: {  	s10 =	simm.s32 $0x12080  }
0x5e5: {  	[tilespmem:s10], [sflag:$0x2] =	stream.indirect_vreg.gather [hbm4b:s11+s2], $0x80, v4, vm0, $0xb8;
	[tilespmem:$0x18880] =	vst v63  }
0x5e6: {  	v4 =	vld [tilespmem:$0x820];
	_ =	sdelay $0x4  }
0x5e7: {  	v5 =	vshrl.u32 v4, $0x3  }
0x5e8: {  	v5 =	vmul.u32 $0x30, v5  }
0x5e9: {  	v4 =	vand.u32 $0x7, v4  }
0x5ea: {  	v4 =	vor.u32 v4, v5  }
0x5eb: {  	v5 =	vperm.xlane v4, v1;
	_ =	sdelay $0x1  }
0x5ec: {  	v5 =	vadd.s32 v2, v5;
	_ =	sdelay $0x3  }
0x5ed: {  	s12 =	simm.s32 $0x12880;
	v4 =	vperm.xlane v4, v3  }
0x5ee: {  	[tilespmem:s12], [sflag:$0x2] =	stream.indirect_vreg.gather [hbm4b:s3+s2], $0x80, v5, vm0, $0xb8;
	[tilespmem:$0x18880] =	vst v63  }
0x5ef: {  	s13 =	simm.s32 $0x13080;
	v4 =	vadd.s32 v2, v4  }
0x5f0: {  	[tilespmem:s13], [sflag:$0x2] =	stream.indirect_vreg.gather [hbm4b:s9+s2], $0x80, v5, vm0, $0xb8;
	[tilespmem:$0x18880] =	vst v63  }
0x5f1: {  	s14 =	simm.s32 $0x13880  }
0x5f2: {  	[tilespmem:s14], [sflag:$0x2] =	stream.indirect_vreg.gather [hbm4b:s11+s2], $0x80, v5, vm0, $0xb8;
	[tilespmem:$0x18880] =	vst v63  }
0x5f3: {  	s18 =	simm.s32 $0x14080  }
0x5f4: {  	[tilespmem:s18], [sflag:$0x2] =	stream.indirect_vreg.gather [hbm4b:s3+s2], $0x80, v4, vm0, $0xb8;
	[tilespmem:$0x18880] =	vst v63  }
0x5f5: {  	s19 =	simm.s32 $0x14880  }
0x5f6: {  	[tilespmem:s19], [sflag:$0x2] =	stream.indirect_vreg.gather [hbm4b:s9+s2], $0x80, v4, vm0, $0xb8;
	[tilespmem:$0x18880] =	vst v63  }
0x5f7: {  	s20 =	simm.s32 $0x15080  }
0x5f8: {  	[tilespmem:s20], [sflag:$0x2] =	stream.indirect_vreg.gather [hbm4b:s11+s2], $0x80, v4, vm0, $0xb8;
	[tilespmem:$0x18880] =	vst v63  }
0x5f9: {  	v4 =	vld [tilespmem:$0x830];
	_ =	sdelay $0x4  }
0x5fa: {  	v5 =	vshrl.u32 v4, $0x3  }
0x5fb: {  	v5 =	vmul.u32 $0x30, v5  }
0x5fc: {  	v4 =	vand.u32 $0x7, v4  }
0x5fd: {  	v4 =	vor.u32 v4, v5  }
0x5fe: {  	v1 =	vperm.xlane v4, v1;
	_ =	sdelay $0x1  }
0x5ff: {  	v1 =	vadd.s32 v2, v1;
	_ =	sdelay $0x3  }
0x600: {  	s21 =	simm.s32 $0x15880;
	v3 =	vperm.xlane v4, v3  }
0x601: {  	[tilespmem:s21], [sflag:$0x2] =	stream.indirect_vreg.gather [hbm4b:s3+s2], $0x80, v1, vm0, $0xb8;
	[tilespmem:$0x18880] =	vst v63  }
0x602: {  	s22 =	simm.s32 $0x16080;
	v2 =	vadd.s32 v2, v3  }
0x603: {  	[tilespmem:s22], [sflag:$0x2] =	stream.indirect_vreg.gather [hbm4b:s9+s2], $0x80, v1, vm0, $0xb8;
	[tilespmem:$0x18880] =	vst v63  }
0x604: {  	s23 =	simm.s32 $0x16880  }
0x605: {  	[tilespmem:s23], [sflag:$0x2] =	stream.indirect_vreg.gather [hbm4b:s11+s2], $0x80, v1, vm0, $0xb8;
	[tilespmem:$0x18880] =	vst v63  }
0x606: {  	s24 =	simm.s32 $0x17080  }
0x607: {  	[tilespmem:s24], [sflag:$0x2] =	stream.indirect_vreg.gather [hbm4b:s3+s2], $0x80, v2, vm0, $0xb8;
	[tilespmem:$0x18880] =	vst v63  }
0x608: {  	s25 =	simm.s32 $0x17880  }
0x609: {  	[tilespmem:s25], [sflag:$0x2] =	stream.indirect_vreg.gather [hbm4b:s9+s2], $0x80, v2, vm0, $0xb8;
	[tilespmem:$0x18880] =	vst v63  }
0x60a: {  	s30 =	simm.s32 $0x18080  }
0x60b: {  	[tilespmem:s30], [sflag:$0x2] =	stream.indirect_vreg.gather [hbm4b:s11+s2], $0x80, v2, vm0, $0xb8;
	[tilespmem:$0x18880] =	vst v63  }
0x60c: {  	s0 =	rddreg [dreg:$0x5];
	_ =	swait.ge [sflag:s15], $0xC000  }
0x60d: {  	[sflag:s15] =	ssyncset.done $0x0  }
0x60e: {  	s31 =	sadd.s32 $0x16800, s4;
	[sflag:s15] =	ssyncadd.s32 $0xFFFF4000  }
0x60f: {  	[hbm4b:s31+s2] =	stream.linear.scatter [tilespmem:s29], [sflag:$0x4], $0xC000, $0x38;
	[tilespmem:$0x18880] =	vst v63  }
0x610: {  	p0 =	sne.s32 s0, $0x1;
	_ =	swait.ge [sflag:s16], $0xC000  }
.Ltmp0:
0x611: {  	[sflag:s16] =	ssyncset.done $0x0;
	(pc) =	sbr.rel @p0 .LBB2_1-.Ltmp0, $4  }
0x612: {  	[sflag:s16] =	ssyncadd.s32 $0xFFFF4000  }
0x613: {  	_ =	swait.ge [sflag:s17], $0xC000  }
0x614: {  	[sflag:s17] =	ssyncset.done $0x0  }
0x615: {  	s0 =	sadd.s32 $0xFFFFFFFF, s0;
	[sflag:s17] =	ssyncadd.s32 $0xFFFF4000  }
0x616: {  	_ =	sfence.sel $0x180000  }
0x617: {  	[bflag:$0x0] =	sbarrier.arrive $0xFFFF  }
0x618: {  	_ =	strace $0x90000047  }
0x619: {  	s0 =	stileid.u32;
	[bflag:$0x2] =	sbarrier.arrive $0xFFFF  }
0x61a: {  	p0 =	sne.s32 s0, $0x0;
	s0 =	rddreg [dreg:$0x3]  }
0x61b: {  	s0 =	sadd.s32 @!p0 $0x100000, s0  }
0x61c: {  	[sflag:s0] =	ssyncadd.tile.s32 @!p0 $0x1;
	_ =	shalt  }
.Lfunc_end2:
_tile_overlayer_lowered:
.L_overlay_start_2:
0x61d: {  	(tag) =	ssettag $0x2  }
0x61e: {  	s0 =	rddreg [dreg:$0x0];
	s2 =	stileid.u32  }
0x61f: {  	s1 =	rddreg [dreg:$0x1];
	p0 =	sne.s32 s2, $0x0  }
0x620: {  	s3 =	rddreg [dreg:$0x2];
	[bflag:$0x3] =	sbarrier.arrive $0xFFFF;
	s2 =	simm.s32 @!p0 $0x1C05  }
0x621: {  	[timem:s3], [sflag:s2] =	dma.local @!p0 [hbm:s0], s1  }
0x622: {  	s0 =	simm.s32 @!p0 $0x5  }
0x623: {  	_ =	swait.ge @!p0 [sflag:s0], s1  }
0x624: {  	s1 =	ssub.s32 @!p0 $0x0, s1;
	[sflag:s0] =	ssyncset.done @!p0 $0x0  }
0x625: {  	[sflag:s0] =	ssyncadd.s32 @!p0 s1  }
0x626: {  	[bflag:$0x3] =	sbarrier.arrive $0xFFFF  }
0x627: {  	_ =	shalt  }

</sc_bundles>
